<compile_context>
chip_gen: v7x
topology: tpu7x:2x2x1
jax: 0.10.2.dev20260603
libtpu: 0.0.44.dev20260713+nightly
codegen_flags: <defaults>
</compile_context>

<pallas_src>
import jax
import jax.numpy as jnp
from jax import lax
from jax.experimental import pallas as pl
from jax.experimental.pallas import tpu as pltpu
from jax.experimental.pallas import tpu_sc as plsc

N = 320000
D = 128
S = 10000

CHUNK = 64
NUM_CHUNKS = N // CHUNK
EXT = 144
NC = 2
NS = 16
S_PAD = 10240
SEG_PER_SUB = S_PAD // NS

SBLK = 2000


def _pool_body(v_hbm, i_hbm, gw_hbm, p_hbm,
               wbuf, dbuf, gwbuf, acc, cnt, sem0, sem1):
    c = lax.axis_index("c")
    s = lax.axis_index("s")
    pltpu.sync_copy(gw_hbm, gwbuf)

    lane = lax.iota(jnp.int32, 16)
    first = (lane == 0).astype(jnp.float32)
    gw = [gwbuf[pl.ds(k * 16, 16)] for k in range(8)]
    cnt[0] = 0

    zero16 = jnp.zeros((16,), jnp.float32)

    @pl.loop(0, CHUNK)
    def _(r):
        for k in range(9):
            wbuf[0, r, pl.ds(k * 16, 16)] = zero16

    @pl.loop(0, SEG_PER_SUB // CHUNK)
    def _(j):
        pltpu.sync_copy(
            wbuf.at[0],
            acc.at[pl.ds(s * SEG_PER_SUB + j * CHUNK, CHUNK)],
        )

    plsc.subcore_barrier()

    def chunk_body(v_vmem, i_vmem):
        n = cnt[0]

        def do(p, sem):
            wb = wbuf.at[p]

            @pl.when(n >= 2)
            def _():
                pltpu.make_async_copy(wb, acc.at[dbuf.at[0]], sem).wait()

            @plsc.parallel_loop(0, CHUNK, unroll=16)
            def _(r):
                v = [v_vmem[r, pl.ds(k * 16, 16)] for k in range(8)]
                p0 = v[0] * gw[0] + v[1] * gw[1]
                p1 = v[2] * gw[2] + v[3] * gw[3]
                p2 = v[4] * gw[4] + v[5] * gw[5]
                p3 = v[6] * gw[6] + v[7] * gw[7]
                tot = jnp.sum((p0 + p1) + (p2 + p3))
                ev = jnp.exp(lax.broadcast_in_dim(tot, (16,), ()))
                for k in range(8):
                    wb[r, pl.ds(k * 16, 16)] = v[k] * ev
                wb[r, pl.ds(D, 16)] = ev * first

            pltpu.async_copy(wb, acc.at[i_vmem.at[0]], sem, add=True)

        @pl.when(n % 2 == 0)
        def _():
            do(0, sem0)

        @pl.when(n % 2 == 1)
        def _():
            do(1, sem1)

        cnt[0] = n + 1

    pltpu.emit_pipeline(
        chunk_body,
        grid=(NUM_CHUNKS,),
        in_specs=[
            pl.BlockSpec((CHUNK, D), lambda i: (i, 0)),
            pl.BlockSpec((1, CHUNK), lambda i: (i, 0)),
        ],
        core_axis_name=("c", "s"),
        dimension_semantics=(pltpu.PARALLEL,),
    )(v_hbm, i_hbm)

    pltpu.make_async_copy(wbuf.at[0], acc.at[dbuf.at[0]], sem0).wait()
    pltpu.make_async_copy(wbuf.at[1], acc.at[dbuf.at[0]], sem1).wait()
    plsc.subcore_barrier()

    @pl.loop(0, SEG_PER_SUB // CHUNK)
    def _(j):
        base = s * SEG_PER_SUB + j * CHUNK
        pltpu.sync_copy(acc.at[pl.ds(base, CHUNK)], wbuf.at[0])
        pltpu.sync_copy(wbuf.at[0], p_hbm.at[c, pl.ds(base, CHUNK)])


def _pool(values, idx2, gw):
    mesh = plsc.VectorSubcoreMesh(core_axis_name="c", subcore_axis_name="s")
    f = pl.kernel(
        _pool_body,
        out_type=jax.ShapeDtypeStruct((NC, S_PAD, EXT), jnp.float32),
        mesh=mesh,
        compiler_params=pltpu.CompilerParams(
            use_tc_tiling_on_sc=False, needs_layout_passes=False
        ),
        scratch_types=[
            pltpu.VMEM((2, CHUNK, EXT), jnp.float32),
            pltpu.VMEM((1, CHUNK), jnp.int32),
            pltpu.VMEM((D,), jnp.float32),
            pltpu.VMEM_SHARED((S_PAD, EXT), jnp.float32),
            pltpu.SMEM((1,), jnp.int32),
            pltpu.SemaphoreType.DMA,
            pltpu.SemaphoreType.DMA,
        ],
    )
    return f(values, idx2, gw)


def _finish_body(p_ref, aw_ref, ab_ref, o_ref):
    acc = p_ref[0, :, :D] + p_ref[1, :, :D]
    z = p_ref[0, :, D : D + 1] + p_ref[1, :, D : D + 1]
    pooled = acc * jnp.where(z > 0, 1.0 / z, 0.0)
    bias = jnp.where(z > 0, 1.0, 0.0) * ab_ref[...].reshape(1, D)
    o_ref[...] = (
        jnp.dot(pooled, aw_ref[...], preferred_element_type=jnp.float32) + bias
    )


_finish = pl.pallas_call(
    _finish_body,
    grid=(S // SBLK,),
    in_specs=[
        pl.BlockSpec((NC, SBLK, EXT), lambda i: (0, i, 0)),
        pl.BlockSpec((D, D), lambda i: (0, 0)),
        pl.BlockSpec((D,), lambda i: (0,)),
    ],
    out_specs=pl.BlockSpec((SBLK, D), lambda i: (i, 0)),
    out_shape=jax.ShapeDtypeStruct((S, D), jnp.float32),
)


def kernel(values, indices, gate_w, gate_b, attn_w, attn_b):
    del gate_b
    idx2 = indices.astype(jnp.int32).reshape(NUM_CHUNKS, CHUNK)
    gw = gate_w.reshape(D)
    partial = _pool(values, idx2, gw)
    return _finish(partial, attn_w, attn_b)

# --- scband reference (transcript-rebuilt; emitter-appended) ---
"""Pipeline reference for scband-attentional-aggregation-30623116820768 (READ-ONLY COPY).

The authoritative reference and input builder live on the scoring server;
editing this copy changes nothing except your own understanding.
"""

import jax, jax.numpy as jnp
import numpy as np

N = 320000
D = 128
NUM_SEGMENTS = 10000


def setup_inputs(seed: int = 0) -> dict:
    key = jax.random.key(seed)
    k1, k2, k3, k4, k5, k6 = jax.random.split(key, 6)
    values = jax.random.normal(k1, (N, D), dtype=jnp.float32)
    indices = jnp.sort(jax.random.randint(k2, (N,), 0, NUM_SEGMENTS, dtype=jnp.int64))
    gate_w = jax.random.normal(k3, (D, 1), dtype=jnp.float32) * 0.05
    gate_b = jnp.zeros((1,), dtype=jnp.float32)
    attn_w = jax.random.normal(k4, (D, D), dtype=jnp.float32) * 0.05
    attn_b = jnp.zeros((D,), dtype=jnp.float32)
    return {"values": values, "indices": indices, "gate_w": gate_w, "gate_b": gate_b, "attn_w": attn_w, "attn_b": attn_b}


def segmented_softmax(src, index, num_segments):
    # scatter-max with detached src, mirroring torch scatter(..., reduce='max') on src.detach()
    src_max = jax.ops.segment_max(jax.lax.stop_gradient(src), index, num_segments=num_segments)
    out = src - src_max[index]
    out = jnp.exp(out)
    out_sum = jax.ops.segment_sum(out, index, num_segments=num_segments) + 1e-16
    return out / out_sum[index]


def reference(values, indices, gate_w, gate_b, attn_w, attn_b):
    # gate: Linear(emb_size, 1)
    x = values @ gate_w + gate_b  # [N, 1]
    x = segmented_softmax(x, indices, NUM_SEGMENTS)
    # attn: Linear(emb_size, emb_size)
    x = x * (values @ attn_w + attn_b)  # [N, D]
    # scatter sum over segments
    out = jax.ops.segment_sum(x, indices, num_segments=NUM_SEGMENTS)  # [S, D]
    return out

if __name__ == "__main__":
    import jax
    _d = setup_inputs()
    print(jax.jit(kernel)(*tuple(_d.values())))

</pallas_src>

<mosaic_0001>
#map = affine_map<(d0, d1) -> (0, 0)>
#map1 = affine_map<(d0, d1) -> (0)>
#map2 = affine_map<(d0, d1) -> (0, 0, 0)>
module attributes {stable_mosaic.version = 14 : i64} {
  func.func @_pool_body(%arg0: i32, %arg1: i32, %arg2: memref<320000x128xf32, #tpu.memory_space<hbm>>, %arg3: memref<5000x64xi32, #tpu.memory_space<hbm>>, %arg4: memref<128xf32, #tpu.memory_space<hbm>>, %arg5: memref<2x10240x144xf32, #tpu.memory_space<hbm>>, %arg6: memref<2x64x144xf32, #tpu.memory_space<vmem>>, %arg7: memref<1x64xi32, #tpu.memory_space<vmem>>, %arg8: memref<128xf32, #tpu.memory_space<vmem>>, %arg9: memref<10240x144xf32, #tpu.memory_space<vmem_shared>>, %arg10: memref<1xi32, #tpu.memory_space<smem>>, %arg11: memref<!tpu.dma_semaphore, #tpu.memory_space<semaphore_mem>>, %arg12: memref<!tpu.dma_semaphore, #tpu.memory_space<semaphore_mem>>) attributes {dimension_semantics = [#tpu.dimension_semantics<core_parallel>, #tpu.dimension_semantics<subcore_parallel>], iteration_bounds = array<i64: 2, 16>, scalar_prefetch = 0 : i64, scratch_operands = 7 : i64, tpu.core_type = #tpu.core_type<sc_vector_subcore>, window_params = [{transform_indices = #map}, {transform_indices = #map}, {transform_indices = #map1}, {transform_indices = #map2}]} {
    "tpu.region"() ({
      %run_scoped3A = tpu.sem_alloc : memref<!tpu.dma_semaphore, #tpu.memory_space<semaphore_mem>>
      tpu.enqueue_dma source(%arg4 : memref<128xf32, #tpu.memory_space<hbm>>) target(%arg8 : memref<128xf32, #tpu.memory_space<vmem>>) target_semaphore(%run_scoped3A : memref<!tpu.dma_semaphore, #tpu.memory_space<semaphore_mem>>)
      tpu.wait_dma2 semaphore(%run_scoped3A : memref<!tpu.dma_semaphore, #tpu.memory_space<semaphore_mem>>) src(%arg4 : memref<128xf32, #tpu.memory_space<hbm>>) dst(%arg8 : memref<128xf32, #tpu.memory_space<vmem>>)
      tpu.yield
    }) : () -> ()
    %iota3A = tpu.iota {dimensions = array<i32: 0>} : vector<16xi32>
    %eq3A = arith.constant 0 : i32
    %eq3A_0 = vector.broadcast %eq3A : i32 to vector<16xi32>
    %eq3A_1 = arith.cmpi eq, %iota3A, %eq3A_0 : vector<16xi32>
    %convert_element_type3A = arith.extui %eq3A_1 : vector<16xi1> to vector<16xi32>
    %convert_element_type3A_2 = arith.sitofp %convert_element_type3A : vector<16xi32> to vector<16xf32>
    %get3A = arith.constant 0 : index
    %get3A_3 = tpu.vector_load %arg8[%get3A] {strides = array<i32>} : memref<128xf32, #tpu.memory_space<vmem>>, vector<16xf32>,
    %get3A_4 = arith.constant 16 : index
    %get3A_5 = tpu.vector_load %arg8[%get3A_4] {strides = array<i32>} : memref<128xf32, #tpu.memory_space<vmem>>, vector<16xf32>,
    %get3A_6 = arith.constant 32 : index
    %get3A_7 = tpu.vector_load %arg8[%get3A_6] {strides = array<i32>} : memref<128xf32, #tpu.memory_space<vmem>>, vector<16xf32>,
    %get3A_8 = arith.constant 48 : index
    %get3A_9 = tpu.vector_load %arg8[%get3A_8] {strides = array<i32>} : memref<128xf32, #tpu.memory_space<vmem>>, vector<16xf32>,
    %get3A_10 = arith.constant 64 : index
    %get3A_11 = tpu.vector_load %arg8[%get3A_10] {strides = array<i32>} : memref<128xf32, #tpu.memory_space<vmem>>, vector<16xf32>,
    %get3A_12 = arith.constant 80 : index
    %get3A_13 = tpu.vector_load %arg8[%get3A_12] {strides = array<i32>} : memref<128xf32, #tpu.memory_space<vmem>>, vector<16xf32>,
    %get3A_14 = arith.constant 96 : index
    %get3A_15 = tpu.vector_load %arg8[%get3A_14] {strides = array<i32>} : memref<128xf32, #tpu.memory_space<vmem>>, vector<16xf32>,
    %get3A_16 = arith.constant 112 : index
    %get3A_17 = tpu.vector_load %arg8[%get3A_16] {strides = array<i32>} : memref<128xf32, #tpu.memory_space<vmem>>, vector<16xf32>,
    %swap3A = arith.constant 0 : i32
    %swap3A_18 = arith.constant 0 : i32
    %swap3A_19 = arith.index_cast %swap3A_18 : i32 to index
    %swap3A_20 = memref.load %arg10[%swap3A_19] : memref<1xi32, #tpu.memory_space<smem>>
    memref.store %swap3A, %arg10[%swap3A_19] : memref<1xi32, #tpu.memory_space<smem>>
    %broadcast_in_dim3A = arith.constant 0.000000e+00 : f32
    %broadcast_in_dim3A_21 = vector.broadcast %broadcast_in_dim3A : f32 to vector<16xf32>
    %scan3A = arith.constant 0 : i32
    %scan3A_22 = arith.constant 64 : i32
    %scan3A_23 = arith.addi %scan3A, %scan3A_22 : i32
    %scan3A_24 = arith.constant 1 : i32
    scf.for %scan3A_77 = %scan3A to %scan3A_23 step %scan3A_24  : i32 {
      %mul3A_78 = arith.constant 1 : i32
      %mul3A_79 = arith.muli %scan3A_77, %mul3A_78 : i32
      %add3A_80 = arith.constant 0 : i32
      %add3A_81 = arith.addi %add3A_80, %mul3A_79 : i32
      %swap3A_82 = arith.constant 0 : i32
      %swap3A_83 = arith.index_cast %swap3A_82 : i32 to index
      %swap3A_84 = arith.index_cast %add3A_81 : i32 to index
      %swap3A_85 = arith.constant 0 : index
      %swap3A_86 = tpu.vector_load %arg6[%swap3A_83, %swap3A_84, %swap3A_85] {strides = array<i32>} : memref<2x64x144xf32, #tpu.memory_space<vmem>>, vector<16xf32>,
      tpu.vector_store %arg6[%swap3A_83, %swap3A_84, %swap3A_85], %broadcast_in_dim3A_21 {strides = array<i32>} : memref<2x64x144xf32, #tpu.memory_space<vmem>>, vector<16xf32>,
      %swap3A_87 = arith.constant 0 : i32
      %swap3A_88 = arith.index_cast %swap3A_87 : i32 to index
      %swap3A_89 = arith.index_cast %add3A_81 : i32 to index
      %swap3A_90 = arith.constant 16 : index
      %swap3A_91 = tpu.vector_load %arg6[%swap3A_88, %swap3A_89, %swap3A_90] {strides = array<i32>} : memref<2x64x144xf32, #tpu.memory_space<vmem>>, vector<16xf32>,
      tpu.vector_store %arg6[%swap3A_88, %swap3A_89, %swap3A_90], %broadcast_in_dim3A_21 {strides = array<i32>} : memref<2x64x144xf32, #tpu.memory_space<vmem>>, vector<16xf32>,
      %swap3A_92 = arith.constant 0 : i32
      %swap3A_93 = arith.index_cast %swap3A_92 : i32 to index
      %swap3A_94 = arith.index_cast %add3A_81 : i32 to index
      %swap3A_95 = arith.constant 32 : index
      %swap3A_96 = tpu.vector_load %arg6[%swap3A_93, %swap3A_94, %swap3A_95] {strides = array<i32>} : memref<2x64x144xf32, #tpu.memory_space<vmem>>, vector<16xf32>,
      tpu.vector_store %arg6[%swap3A_93, %swap3A_94, %swap3A_95], %broadcast_in_dim3A_21 {strides = array<i32>} : memref<2x64x144xf32, #tpu.memory_space<vmem>>, vector<16xf32>,
      %swap3A_97 = arith.constant 0 : i32
      %swap3A_98 = arith.index_cast %swap3A_97 : i32 to index
      %swap3A_99 = arith.index_cast %add3A_81 : i32 to index
      %swap3A_100 = arith.constant 48 : index
      %swap3A_101 = tpu.vector_load %arg6[%swap3A_98, %swap3A_99, %swap3A_100] {strides = array<i32>} : memref<2x64x144xf32, #tpu.memory_space<vmem>>, vector<16xf32>,
      tpu.vector_store %arg6[%swap3A_98, %swap3A_99, %swap3A_100], %broadcast_in_dim3A_21 {strides = array<i32>} : memref<2x64x144xf32, #tpu.memory_space<vmem>>, vector<16xf32>,
      %swap3A_102 = arith.constant 0 : i32
      %swap3A_103 = arith.index_cast %swap3A_102 : i32 to index
      %swap3A_104 = arith.index_cast %add3A_81 : i32 to index
      %swap3A_105 = arith.constant 64 : index
      %swap3A_106 = tpu.vector_load %arg6[%swap3A_103, %swap3A_104, %swap3A_105] {strides = array<i32>} : memref<2x64x144xf32, #tpu.memory_space<vmem>>, vector<16xf32>,
      tpu.vector_store %arg6[%swap3A_103, %swap3A_104, %swap3A_105], %broadcast_in_dim3A_21 {strides = array<i32>} : memref<2x64x144xf32, #tpu.memory_space<vmem>>, vector<16xf32>,
      %swap3A_107 = arith.constant 0 : i32
      %swap3A_108 = arith.index_cast %swap3A_107 : i32 to index
      %swap3A_109 = arith.index_cast %add3A_81 : i32 to index
      %swap3A_110 = arith.constant 80 : index
      %swap3A_111 = tpu.vector_load %arg6[%swap3A_108, %swap3A_109, %swap3A_110] {strides = array<i32>} : memref<2x64x144xf32, #tpu.memory_space<vmem>>, vector<16xf32>,
      tpu.vector_store %arg6[%swap3A_108, %swap3A_109, %swap3A_110], %broadcast_in_dim3A_21 {strides = array<i32>} : memref<2x64x144xf32, #tpu.memory_space<vmem>>, vector<16xf32>,
      %swap3A_112 = arith.constant 0 : i32
      %swap3A_113 = arith.index_cast %swap3A_112 : i32 to index
      %swap3A_114 = arith.index_cast %add3A_81 : i32 to index
      %swap3A_115 = arith.constant 96 : index
      %swap3A_116 = tpu.vector_load %arg6[%swap3A_113, %swap3A_114, %swap3A_115] {strides = array<i32>} : memref<2x64x144xf32, #tpu.memory_space<vmem>>, vector<16xf32>,
      tpu.vector_store %arg6[%swap3A_113, %swap3A_114, %swap3A_115], %broadcast_in_dim3A_21 {strides = array<i32>} : memref<2x64x144xf32, #tpu.memory_space<vmem>>, vector<16xf32>,
      %swap3A_117 = arith.constant 0 : i32
      %swap3A_118 = arith.index_cast %swap3A_117 : i32 to index
      %swap3A_119 = arith.index_cast %add3A_81 : i32 to index
      %swap3A_120 = arith.constant 112 : index
      %swap3A_121 = tpu.vector_load %arg6[%swap3A_118, %swap3A_119, %swap3A_120] {strides = array<i32>} : memref<2x64x144xf32, #tpu.memory_space<vmem>>, vector<16xf32>,
      tpu.vector_store %arg6[%swap3A_118, %swap3A_119, %swap3A_120], %broadcast_in_dim3A_21 {strides = array<i32>} : memref<2x64x144xf32, #tpu.memory_space<vmem>>, vector<16xf32>,
      %swap3A_122 = arith.constant 0 : i32
      %swap3A_123 = arith.index_cast %swap3A_122 : i32 to index
      %swap3A_124 = arith.index_cast %add3A_81 : i32 to index
      %swap3A_125 = arith.constant 128 : index
      %swap3A_126 = tpu.vector_load %arg6[%swap3A_123, %swap3A_124, %swap3A_125] {strides = array<i32>} : memref<2x64x144xf32, #tpu.memory_space<vmem>>, vector<16xf32>,
      tpu.vector_store %arg6[%swap3A_123, %swap3A_124, %swap3A_125], %broadcast_in_dim3A_21 {strides = array<i32>} : memref<2x64x144xf32, #tpu.memory_space<vmem>>, vector<16xf32>,
    }
    %scan3A_25 = arith.constant 64 : i32
    %scan3A_26 = arith.constant 0 : i32
    %scan3A_27 = arith.constant 10 : i32
    %scan3A_28 = arith.addi %scan3A_26, %scan3A_27 : i32
    %scan3A_29 = arith.constant 1 : i32
    scf.for %scan3A_77 = %scan3A_26 to %scan3A_28 step %scan3A_29  : i32 {
      %mul3A_78 = arith.constant 1 : i32
      %mul3A_79 = arith.muli %scan3A_77, %mul3A_78 : i32
      %add3A_80 = arith.constant 0 : i32
      %add3A_81 = arith.addi %add3A_80, %mul3A_79 : i32
      %mul3A_82 = arith.constant 640 : i32
      %mul3A_83 = arith.muli %arg1, %mul3A_82 : i32
      %mul3A_84 = arith.constant 64 : i32
      %mul3A_85 = arith.muli %add3A_81, %mul3A_84 : i32
      %add3A_86 = arith.addi %mul3A_83, %mul3A_85 : i32
      %run_scoped3A = arith.constant 0 : i32
      "tpu.region"() ({
        %run_scoped3A_87 = tpu.sem_alloc : memref<!tpu.dma_semaphore, #tpu.memory_space<semaphore_mem>>
        %dma_start3A = arith.constant 0 : i32
        %dma_start3A_88 = arith.constant 0 : i32
        %dma_start3A_89 = tpu.memref_slice %arg6[%run_scoped3A, %dma_start3A, %dma_start3A_88] : memref<2x64x144xf32, #tpu.memory_space<vmem>> -> memref<1x64x144xf32, #tpu.memory_space<vmem>>
        %dma_start3A_90 = tpu.memref_squeeze %dma_start3A_89 : memref<1x64x144xf32, #tpu.memory_space<vmem>> -> memref<64x144xf32, #tpu.memory_space<vmem>>
        %dma_start3A_91 = arith.constant 0 : i32
        %dma_start3A_92 = tpu.memref_slice %arg9[%add3A_86, %dma_start3A_91] : memref<10240x144xf32, #tpu.memory_space<vmem_shared>> -> memref<64x144xf32, #tpu.memory_space<vmem_shared>>
        %dma_start3A_93 = arith.constant 0 : i32
        %dma_start3A_94 = tpu.memref_slice %arg9[%add3A_86, %dma_start3A_93] : memref<10240x144xf32, #tpu.memory_space<vmem_shared>> -> memref<64x144xf32, #tpu.memory_space<vmem_shared>>
        %dma_start3A_95 = arith.constant 0 : i32
        %dma_start3A_96 = arith.constant 0 : i32
        %dma_start3A_97 = tpu.memref_slice %arg6[%run_scoped3A, %dma_start3A_95, %dma_start3A_96] : memref<2x64x144xf32, #tpu.memory_space<vmem>> -> memref<1x64x144xf32, #tpu.memory_space<vmem>>
        %dma_start3A_98 = tpu.memref_squeeze %dma_start3A_97 : memref<1x64x144xf32, #tpu.memory_space<vmem>> -> memref<64x144xf32, #tpu.memory_space<vmem>>
        tpu.enqueue_dma source(%dma_start3A_98 : memref<64x144xf32, #tpu.memory_space<vmem>>) target(%dma_start3A_94 : memref<64x144xf32, #tpu.memory_space<vmem_shared>>) target_semaphore(%run_scoped3A_87 : memref<!tpu.dma_semaphore, #tpu.memory_space<semaphore_mem>>)
        %dma_wait3A_99 = arith.constant 0 : i32
        %dma_wait3A_100 = arith.constant 0 : i32
        %dma_wait3A_101 = tpu.memref_slice %arg6[%run_scoped3A, %dma_wait3A_99, %dma_wait3A_100] : memref<2x64x144xf32, #tpu.memory_space<vmem>> -> memref<1x64x144xf32, #tpu.memory_space<vmem>>
        %dma_wait3A_102 = tpu.memref_squeeze %dma_wait3A_101 : memref<1x64x144xf32, #tpu.memory_space<vmem>> -> memref<64x144xf32, #tpu.memory_space<vmem>>
        %dma_wait3A_103 = arith.constant 0 : i32
        %dma_wait3A_104 = tpu.memref_slice %arg9[%add3A_86, %dma_wait3A_103] : memref<10240x144xf32, #tpu.memory_space<vmem_shared>> -> memref<64x144xf32, #tpu.memory_space<vmem_shared>>
        %dma_wait3A_105 = arith.constant 0 : i32
        %dma_wait3A_106 = tpu.memref_slice %arg9[%add3A_86, %dma_wait3A_105] : memref<10240x144xf32, #tpu.memory_space<vmem_shared>> -> memref<64x144xf32, #tpu.memory_space<vmem_shared>>
        %dma_wait3A_107 = arith.constant 0 : i32
        %dma_wait3A_108 = arith.constant 0 : i32
        %dma_wait3A_109 = tpu.memref_slice %arg6[%run_scoped3A, %dma_wait3A_107, %dma_wait3A_108] : memref<2x64x144xf32, #tpu.memory_space<vmem>> -> memref<1x64x144xf32, #tpu.memory_space<vmem>>
        %dma_wait3A_110 = tpu.memref_squeeze %dma_wait3A_109 : memref<1x64x144xf32, #tpu.memory_space<vmem>> -> memref<64x144xf32, #tpu.memory_space<vmem>>
        tpu.wait_dma2 semaphore(%run_scoped3A_87 : memref<!tpu.dma_semaphore, #tpu.memory_space<semaphore_mem>>) src(%dma_wait3A_110 : memref<64x144xf32, #tpu.memory_space<vmem>>) dst(%dma_wait3A_106 : memref<64x144xf32, #tpu.memory_space<vmem_shared>>)
        tpu.yield
      }) : () -> ()
    }
    %scan3A_30 = arith.constant 10 : i32
    %barrier3A = arith.constant 0 : index
    tpu.barrier barrier_id(%barrier3A)
    %mul3A = arith.constant 1 : i32
    %mul3A_31 = arith.muli %arg1, %mul3A : i32
    %add3A = arith.constant 0 : i32
    %add3A_32 = arith.addi %add3A, %mul3A_31 : i32
    %mul3A_33 = arith.constant 16 : i32
    %mul3A_34 = arith.muli %arg0, %mul3A_33 : i32
    %add3A_35 = arith.addi %add3A_32, %mul3A_34 : i32
    %lt3A = arith.constant 8 : i32
    %lt3A_36 = arith.cmpi slt, %add3A_35, %lt3A : i32
    %jit3A = arith.constant 157 : i32
    %jit3A_37 = arith.constant 156 : i32
    %select_n3A = arith.select %lt3A_36, %jit3A, %jit3A_37 : i32
    %lt3A_38 = arith.constant 8 : i32
    %lt3A_39 = arith.cmpi slt, %add3A_35, %lt3A_38 : i32
    %mul3A_40 = arith.muli %add3A_35, %select_n3A : i32
    %mul3A_41 = arith.constant 156 : i32
    %mul3A_42 = arith.muli %add3A_35, %mul3A_41 : i32
    %add3A_43 = arith.constant 8 : i32
    %add3A_44 = arith.addi %mul3A_42, %add3A_43 : i32
    %select_n3A_45 = arith.select %lt3A_39, %mul3A_40, %add3A_44 : i32
    %mul3A_46 = arith.constant 1 : i32
    %mul3A_47 = arith.muli %mul3A_46, %select_n3A : i32
    "tpu.region"() ({
      %run_scoped3A = memref.alloca() : memref<2x64x128xf32, #tpu.memory_space<vmem>>
      %run_scoped3A_77 = tpu.sem_alloc : memref<2x!tpu.dma_semaphore, #tpu.memory_space<semaphore_mem>>
      %run_scoped3A_78 = memref.alloca() : memref<2x1x64xi32, #tpu.memory_space<vmem>>
      %run_scoped3A_79 = tpu.sem_alloc : memref<2x!tpu.dma_semaphore, #tpu.memory_space<semaphore_mem>>
      %gt3A = arith.constant 0 : i32
      %gt3A_80 = arith.cmpi sgt, %mul3A_47, %gt3A : i32
      %convert_element_type3A_81 = arith.extui %gt3A_80 : i1 to i32
      %cond3A = arith.constant 0 : i32
      %cond3A_82 = arith.cmpi ne, %convert_element_type3A_81, %cond3A : i32
      scf.if %cond3A_82 {
        %mul3A_83 = arith.constant 1 : i32
        %mul3A_84 = arith.muli %mul3A_83, %select_n3A : i32
        %sub3A = arith.constant 1 : i32
        %sub3A_85 = arith.subi %mul3A_84, %sub3A : i32
        %eq3A_86 = arith.constant 0 : i32
        %eq3A_87 = arith.cmpi eq, %sub3A_85, %eq3A_86 : i32
        %add3A_88 = arith.constant 0 : i32
        %add3A_89 = arith.addi %add3A_88, %select_n3A_45 : i32
        %select_n3A_90 = arith.constant true
        %select_n3A_91 = arith.constant 0 : i32
        %select_n3A_92 = arith.constant -1 : i32
        %select_n3A_93 = arith.select %select_n3A_90, %select_n3A_92, %select_n3A_91 : i32
        %eq3A_94 = arith.constant -1 : i32
        %eq3A_95 = arith.cmpi eq, %select_n3A_93, %eq3A_94 : i32
        %sub3A_96 = arith.constant 1 : i32
        %sub3A_97 = arith.subi %select_n3A, %sub3A_96 : i32
        %select_n3A_98 = arith.select %eq3A_95, %sub3A_97, %select_n3A_93 : i32
        %add3A_99 = arith.addi %select_n3A_98, %select_n3A_45 : i32
        %select_n3A_100 = arith.constant true
        %select_n3A_101 = arith.constant 0 : i32
        %select_n3A_102 = arith.constant 1 : i32
        %select_n3A_103 = arith.select %select_n3A_100, %select_n3A_102, %select_n3A_101 : i32
        %eq3A_104 = arith.cmpi eq, %select_n3A_103, %select_n3A : i32
        %select_n3A_105 = arith.constant 0 : i32
        %select_n3A_106 = arith.select %eq3A_104, %select_n3A_105, %select_n3A_103 : i32
        %add3A_107 = arith.addi %select_n3A_106, %select_n3A_45 : i32
        %add3A_108 = arith.constant 1 : i32
        %add3A_109 = arith.addi %select_n3A_106, %add3A_108 : i32
        %select_n3A_110 = arith.constant true
        %select_n3A_111 = arith.select %select_n3A_110, %add3A_109, %select_n3A_106 : i32
        %eq3A_112 = arith.cmpi eq, %select_n3A_111, %select_n3A : i32
        %select_n3A_113 = arith.constant 0 : i32
        %select_n3A_114 = arith.select %eq3A_112, %select_n3A_113, %select_n3A_111 : i32
        %add3A_115 = arith.addi %select_n3A_114, %select_n3A_45 : i32
        "tpu.trace_start"() <{level = 10 : i32, message = "ep_initialize_0"}> : () -> ()
        %rem3A = arith.constant 0 : i32
        %rem3A_116 = arith.constant 2 : i32
        %rem3A_117 = arith.remui %rem3A, %rem3A_116 : i32
        %mul3A_118 = arith.constant 64 : i32
        %mul3A_119 = arith.muli %mul3A_118, %add3A_89 : i32
        %dma_start3A = arith.constant 0 : i32
        %dma_start3A_120 = arith.constant 0 : i32
        %dma_start3A_121 = tpu.memref_slice %run_scoped3A[%rem3A_117, %dma_start3A, %dma_start3A_120] : memref<2x64x128xf32, #tpu.memory_space<vmem>> -> memref<1x64x128xf32, #tpu.memory_space<vmem>>
        %dma_start3A_122 = tpu.memref_squeeze %dma_start3A_121 : memref<1x64x128xf32, #tpu.memory_space<vmem>> -> memref<64x128xf32, #tpu.memory_space<vmem>>
        %dma_start3A_123 = arith.constant 0 : i32
        %dma_start3A_124 = tpu.memref_slice %arg2[%mul3A_119, %dma_start3A_123] : memref<320000x128xf32, #tpu.memory_space<hbm>> -> memref<64x128xf32, #tpu.memory_space<hbm>>
        %dma_start3A_125 = tpu.memref_slice %run_scoped3A_77[%rem3A_117] : memref<2x!tpu.dma_semaphore, #tpu.memory_space<semaphore_mem>> -> memref<1x!tpu.dma_semaphore, #tpu.memory_space<semaphore_mem>>
        %dma_start3A_126 = tpu.memref_squeeze %dma_start3A_125 : memref<1x!tpu.dma_semaphore, #tpu.memory_space<semaphore_mem>> -> memref<!tpu.dma_semaphore, #tpu.memory_space<semaphore_mem>>
        %dma_start3A_127 = arith.constant 0 : i32
        %dma_start3A_128 = arith.constant 0 : i32
        %dma_start3A_129 = tpu.memref_slice %run_scoped3A[%rem3A_117, %dma_start3A_127, %dma_start3A_128] : memref<2x64x128xf32, #tpu.memory_space<vmem>> -> memref<1x64x128xf32, #tpu.memory_space<vmem>>
        %dma_start3A_130 = tpu.memref_squeeze %dma_start3A_129 : memref<1x64x128xf32, #tpu.memory_space<vmem>> -> memref<64x128xf32, #tpu.memory_space<vmem>>
        %dma_start3A_131 = arith.constant 0 : i32
        %dma_start3A_132 = tpu.memref_slice %arg2[%mul3A_119, %dma_start3A_131] : memref<320000x128xf32, #tpu.memory_space<hbm>> -> memref<64x128xf32, #tpu.memory_space<hbm>>
        tpu.enqueue_dma source(%dma_start3A_132 : memref<64x128xf32, #tpu.memory_space<hbm>>) target(%dma_start3A_130 : memref<64x128xf32, #tpu.memory_space<vmem>>) target_semaphore(%dma_start3A_126 : memref<!tpu.dma_semaphore, #tpu.memory_space<semaphore_mem>>)
        %add3A_133 = arith.constant 0 : i32
        %add3A_134 = arith.constant 1 : i32
        %add3A_135 = arith.addi %add3A_133, %add3A_134 : i32
        %select_n3A_136 = arith.constant true
        %select_n3A_137 = arith.constant 0 : i32
        %select_n3A_138 = arith.select %select_n3A_136, %add3A_135, %select_n3A_137 : i32
        %rem3A_139 = arith.constant 0 : i32
        %rem3A_140 = arith.constant 2 : i32
        %rem3A_141 = arith.remui %rem3A_139, %rem3A_140 : i32
        %mul3A_142 = arith.constant 1 : i32
        %mul3A_143 = arith.muli %mul3A_142, %add3A_89 : i32
        %dma_start3A_144 = arith.constant 0 : i32
        %dma_start3A_145 = arith.constant 0 : i32
        %dma_start3A_146 = tpu.memref_slice %run_scoped3A_78[%rem3A_141, %dma_start3A_144, %dma_start3A_145] : memref<2x1x64xi32, #tpu.memory_space<vmem>> -> memref<1x1x64xi32, #tpu.memory_space<vmem>>
        %dma_start3A_147 = tpu.memref_squeeze %dma_start3A_146 : memref<1x1x64xi32, #tpu.memory_space<vmem>> -> memref<1x64xi32, #tpu.memory_space<vmem>>
        %dma_start3A_148 = arith.constant 0 : i32
        %dma_start3A_149 = tpu.memref_slice %arg3[%mul3A_143, %dma_start3A_148] : memref<5000x64xi32, #tpu.memory_space<hbm>> -> memref<1x64xi32, #tpu.memory_space<hbm>>
        %dma_start3A_150 = tpu.memref_slice %run_scoped3A_79[%rem3A_141] : memref<2x!tpu.dma_semaphore, #tpu.memory_space<semaphore_mem>> -> memref<1x!tpu.dma_semaphore, #tpu.memory_space<semaphore_mem>>
        %dma_start3A_151 = tpu.memref_squeeze %dma_start3A_150 : memref<1x!tpu.dma_semaphore, #tpu.memory_space<semaphore_mem>> -> memref<!tpu.dma_semaphore, #tpu.memory_space<semaphore_mem>>
        %dma_start3A_152 = arith.constant 0 : i32
        %dma_start3A_153 = arith.constant 0 : i32
        %dma_start3A_154 = tpu.memref_slice %run_scoped3A_78[%rem3A_141, %dma_start3A_152, %dma_start3A_153] : memref<2x1x64xi32, #tpu.memory_space<vmem>> -> memref<1x1x64xi32, #tpu.memory_space<vmem>>
        %dma_start3A_155 = tpu.memref_squeeze %dma_start3A_154 : memref<1x1x64xi32, #tpu.memory_space<vmem>> -> memref<1x64xi32, #tpu.memory_space<vmem>>
        %dma_start3A_156 = arith.constant 0 : i32
        %dma_start3A_157 = tpu.memref_slice %arg3[%mul3A_143, %dma_start3A_156] : memref<5000x64xi32, #tpu.memory_space<hbm>> -> memref<1x64xi32, #tpu.memory_space<hbm>>
        tpu.enqueue_dma source(%dma_start3A_157 : memref<1x64xi32, #tpu.memory_space<hbm>>) target(%dma_start3A_155 : memref<1x64xi32, #tpu.memory_space<vmem>>) target_semaphore(%dma_start3A_151 : memref<!tpu.dma_semaphore, #tpu.memory_space<semaphore_mem>>)
        %add3A_158 = arith.constant 0 : i32
        %add3A_159 = arith.constant 1 : i32
        %add3A_160 = arith.addi %add3A_158, %add3A_159 : i32
        %select_n3A_161 = arith.constant true
        %select_n3A_162 = arith.constant 0 : i32
        %select_n3A_163 = arith.select %select_n3A_161, %add3A_160, %select_n3A_162 : i32
        %while3A = arith.constant 0 : i32
        %while3A_164 = arith.constant 0 : i32
        %while3A_165 = arith.constant 0 : i32
        %while3A_166 = arith.constant 0 : i32
        "tpu.trace_stop"() : () -> ()
        %while3A_167 = arith.subi %mul3A_47, %while3A : i32
        %while3A_168 = arith.addi %while3A, %while3A_167 : i32
        %while3A_169 = arith.constant 1 : i32
        %while3A_170 = arith.divsi %while3A_167, %while3A_169 : i32
        %while3A_171 = arith.muli %while3A_170, %while3A_169 : i32
        %while3A_172 = arith.addi %while3A, %while3A_171 : i32
        %while3A_173 = arith.constant 1 : i32
        %while3A_174:5 = scf.for %while3A_228 = %while3A to %while3A_172 step %while3A_173 iter_args(%while3A_229 = %select_n3A_138, %while3A_230 = %while3A_164, %while3A_231 = %select_n3A_163, %while3A_232 = %while3A_165, %while3A_233 = %while3A_166) -> (i32, i32, i32, i32, i32)  : i32 {
          %mul3A_234 = arith.constant 1 : i32
          %mul3A_235 = arith.muli %mul3A_234, %select_n3A : i32
          %eq3A_236 = arith.constant 0 : i32
          %eq3A_237 = arith.cmpi eq, %while3A_228, %eq3A_236 : i32
          %sub3A_238 = arith.constant 1 : i32
          %sub3A_239 = arith.subi %mul3A_235, %sub3A_238 : i32
          %eq3A_240 = arith.cmpi eq, %while3A_228, %sub3A_239 : i32
          %add3A_241 = arith.addi %while3A_233, %select_n3A_45 : i32
          %sub3A_242 = arith.constant 1 : i32
          %sub3A_243 = arith.subi %while3A_233, %sub3A_242 : i32
          %select_n3A_244 = arith.constant true
          %select_n3A_245 = arith.select %select_n3A_244, %sub3A_243, %while3A_233 : i32
          %eq3A_246 = arith.constant -1 : i32
          %eq3A_247 = arith.cmpi eq, %select_n3A_245, %eq3A_246 : i32
          %sub3A_248 = arith.constant 1 : i32
          %sub3A_249 = arith.subi %select_n3A, %sub3A_248 : i32
          %select_n3A_250 = arith.select %eq3A_247, %sub3A_249, %select_n3A_245 : i32
          %add3A_251 = arith.addi %select_n3A_250, %select_n3A_45 : i32
          %add3A_252 = arith.constant 1 : i32
          %add3A_253 = arith.addi %while3A_233, %add3A_252 : i32
          %select_n3A_254 = arith.constant true
          %select_n3A_255 = arith.select %select_n3A_254, %add3A_253, %while3A_233 : i32
          %eq3A_256 = arith.cmpi eq, %select_n3A_255, %select_n3A : i32
          %select_n3A_257 = arith.constant 0 : i32
          %select_n3A_258 = arith.select %eq3A_256, %select_n3A_257, %select_n3A_255 : i32
          %add3A_259 = arith.addi %select_n3A_258, %select_n3A_45 : i32
          %add3A_260 = arith.constant 1 : i32
          %add3A_261 = arith.addi %select_n3A_258, %add3A_260 : i32
          %select_n3A_262 = arith.constant true
          %select_n3A_263 = arith.select %select_n3A_262, %add3A_261, %select_n3A_258 : i32
          %eq3A_264 = arith.cmpi eq, %select_n3A_263, %select_n3A : i32
          %select_n3A_265 = arith.constant 0 : i32
          %select_n3A_266 = arith.select %eq3A_264, %select_n3A_265, %select_n3A_263 : i32
          %add3A_267 = arith.addi %select_n3A_266, %select_n3A_45 : i32
          %ne3A = arith.cmpi ne, %add3A_241, %add3A_259 : i32
          %or3A = arith.constant false
          %or3A_268 = arith.ori %or3A, %ne3A : i1
          %or3A_269 = arith.constant false
          %or3A_270 = arith.ori %or3A_268, %or3A_269 : i1
          %sub3A_271 = arith.constant 2 : i32
          %sub3A_272 = arith.subi %mul3A_235, %sub3A_271 : i32
          %add3A_273 = arith.constant 1 : i32
          %add3A_274 = arith.addi %sub3A_272, %add3A_273 : i32
          %ge3A = arith.cmpi sge, %while3A_228, %add3A_274 : i32
          %not3A = arith.constant true
          %not3A_275 = arith.xori %ge3A, %not3A : i1
          %and3A = arith.andi %or3A_270, %not3A_275 : i1
          %convert_element_type3A_276 = arith.extui %and3A : i1 to i32
          %cond3A_277 = arith.constant 0 : i32
          %cond3A_278 = arith.cmpi ne, %convert_element_type3A_276, %cond3A_277 : i32
          scf.if %cond3A_278 {
            "tpu.trace_start"() <{level = 10 : i32, message = "ep_copy_in"}> : () -> ()
            %rem3A_450 = arith.constant 2 : i32
            %rem3A_451 = arith.remui %while3A_229, %rem3A_450 : i32
            %mul3A_452 = arith.constant 64 : i32
            %mul3A_453 = arith.muli %mul3A_452, %add3A_259 : i32
            %dma_start3A_454 = arith.constant 0 : i32
            %dma_start3A_455 = arith.constant 0 : i32
            %dma_start3A_456 = tpu.memref_slice %run_scoped3A[%rem3A_451, %dma_start3A_454, %dma_start3A_455] : memref<2x64x128xf32, #tpu.memory_space<vmem>> -> memref<1x64x128xf32, #tpu.memory_space<vmem>>
            %dma_start3A_457 = tpu.memref_squeeze %dma_start3A_456 : memref<1x64x128xf32, #tpu.memory_space<vmem>> -> memref<64x128xf32, #tpu.memory_space<vmem>>
            %dma_start3A_458 = arith.constant 0 : i32
            %dma_start3A_459 = tpu.memref_slice %arg2[%mul3A_453, %dma_start3A_458] : memref<320000x128xf32, #tpu.memory_space<hbm>> -> memref<64x128xf32, #tpu.memory_space<hbm>>
            %dma_start3A_460 = tpu.memref_slice %run_scoped3A_77[%rem3A_451] : memref<2x!tpu.dma_semaphore, #tpu.memory_space<semaphore_mem>> -> memref<1x!tpu.dma_semaphore, #tpu.memory_space<semaphore_mem>>
            %dma_start3A_461 = tpu.memref_squeeze %dma_start3A_460 : memref<1x!tpu.dma_semaphore, #tpu.memory_space<semaphore_mem>> -> memref<!tpu.dma_semaphore, #tpu.memory_space<semaphore_mem>>
            %dma_start3A_462 = arith.constant 0 : i32
            %dma_start3A_463 = arith.constant 0 : i32
            %dma_start3A_464 = tpu.memref_slice %run_scoped3A[%rem3A_451, %dma_start3A_462, %dma_start3A_463] : memref<2x64x128xf32, #tpu.memory_space<vmem>> -> memref<1x64x128xf32, #tpu.memory_space<vmem>>
            %dma_start3A_465 = tpu.memref_squeeze %dma_start3A_464 : memref<1x64x128xf32, #tpu.memory_space<vmem>> -> memref<64x128xf32, #tpu.memory_space<vmem>>
            %dma_start3A_466 = arith.constant 0 : i32
            %dma_start3A_467 = tpu.memref_slice %arg2[%mul3A_453, %dma_start3A_466] : memref<320000x128xf32, #tpu.memory_space<hbm>> -> memref<64x128xf32, #tpu.memory_space<hbm>>
            tpu.enqueue_dma source(%dma_start3A_467 : memref<64x128xf32, #tpu.memory_space<hbm>>) target(%dma_start3A_465 : memref<64x128xf32, #tpu.memory_space<vmem>>) target_semaphore(%dma_start3A_461 : memref<!tpu.dma_semaphore, #tpu.memory_space<semaphore_mem>>)
            "tpu.trace_stop"() : () -> ()
          } else {
          }
          %and3A_279 = arith.constant true
          %and3A_280 = arith.andi %and3A, %and3A_279 : i1
          %add3A_281 = arith.constant 1 : i32
          %add3A_282 = arith.addi %while3A_229, %add3A_281 : i32
          %select_n3A_283 = arith.select %and3A_280, %add3A_282, %while3A_229 : i32
          %ne3A_284 = arith.cmpi ne, %add3A_241, %add3A_259 : i32
          %or3A_285 = arith.constant false
          %or3A_286 = arith.ori %or3A_285, %ne3A_284 : i1
          %or3A_287 = arith.constant false
          %or3A_288 = arith.ori %or3A_286, %or3A_287 : i1
          %sub3A_289 = arith.constant 2 : i32
          %sub3A_290 = arith.subi %mul3A_235, %sub3A_289 : i32
          %add3A_291 = arith.constant 1 : i32
          %add3A_292 = arith.addi %sub3A_290, %add3A_291 : i32
          %ge3A_293 = arith.cmpi sge, %while3A_228, %add3A_292 : i32
          %not3A_294 = arith.constant true
          %not3A_295 = arith.xori %ge3A_293, %not3A_294 : i1
          %and3A_296 = arith.andi %or3A_288, %not3A_295 : i1
          %convert_element_type3A_297 = arith.extui %and3A_296 : i1 to i32
          %cond3A_298 = arith.constant 0 : i32
          %cond3A_299 = arith.cmpi ne, %convert_element_type3A_297, %cond3A_298 : i32
          scf.if %cond3A_299 {
            "tpu.trace_start"() <{level = 10 : i32, message = "ep_copy_in"}> : () -> ()
            %rem3A_450 = arith.constant 2 : i32
            %rem3A_451 = arith.remui %while3A_231, %rem3A_450 : i32
            %mul3A_452 = arith.constant 1 : i32
            %mul3A_453 = arith.muli %mul3A_452, %add3A_259 : i32
            %dma_start3A_454 = arith.constant 0 : i32
            %dma_start3A_455 = arith.constant 0 : i32
            %dma_start3A_456 = tpu.memref_slice %run_scoped3A_78[%rem3A_451, %dma_start3A_454, %dma_start3A_455] : memref<2x1x64xi32, #tpu.memory_space<vmem>> -> memref<1x1x64xi32, #tpu.memory_space<vmem>>
            %dma_start3A_457 = tpu.memref_squeeze %dma_start3A_456 : memref<1x1x64xi32, #tpu.memory_space<vmem>> -> memref<1x64xi32, #tpu.memory_space<vmem>>
            %dma_start3A_458 = arith.constant 0 : i32
            %dma_start3A_459 = tpu.memref_slice %arg3[%mul3A_453, %dma_start3A_458] : memref<5000x64xi32, #tpu.memory_space<hbm>> -> memref<1x64xi32, #tpu.memory_space<hbm>>
            %dma_start3A_460 = tpu.memref_slice %run_scoped3A_79[%rem3A_451] : memref<2x!tpu.dma_semaphore, #tpu.memory_space<semaphore_mem>> -> memref<1x!tpu.dma_semaphore, #tpu.memory_space<semaphore_mem>>
            %dma_start3A_461 = tpu.memref_squeeze %dma_start3A_460 : memref<1x!tpu.dma_semaphore, #tpu.memory_space<semaphore_mem>> -> memref<!tpu.dma_semaphore, #tpu.memory_space<semaphore_mem>>
            %dma_start3A_462 = arith.constant 0 : i32
            %dma_start3A_463 = arith.constant 0 : i32
            %dma_start3A_464 = tpu.memref_slice %run_scoped3A_78[%rem3A_451, %dma_start3A_462, %dma_start3A_463] : memref<2x1x64xi32, #tpu.memory_space<vmem>> -> memref<1x1x64xi32, #tpu.memory_space<vmem>>
            %dma_start3A_465 = tpu.memref_squeeze %dma_start3A_464 : memref<1x1x64xi32, #tpu.memory_space<vmem>> -> memref<1x64xi32, #tpu.memory_space<vmem>>
            %dma_start3A_466 = arith.constant 0 : i32
            %dma_start3A_467 = tpu.memref_slice %arg3[%mul3A_453, %dma_start3A_466] : memref<5000x64xi32, #tpu.memory_space<hbm>> -> memref<1x64xi32, #tpu.memory_space<hbm>>
            tpu.enqueue_dma source(%dma_start3A_467 : memref<1x64xi32, #tpu.memory_space<hbm>>) target(%dma_start3A_465 : memref<1x64xi32, #tpu.memory_space<vmem>>) target_semaphore(%dma_start3A_461 : memref<!tpu.dma_semaphore, #tpu.memory_space<semaphore_mem>>)
            "tpu.trace_stop"() : () -> ()
          } else {
          }
          %and3A_300 = arith.constant true
          %and3A_301 = arith.andi %and3A_296, %and3A_300 : i1
          %add3A_302 = arith.constant 1 : i32
          %add3A_303 = arith.addi %while3A_231, %add3A_302 : i32
          %select_n3A_304 = arith.select %and3A_301, %add3A_303, %while3A_231 : i32
          %ne3A_305 = arith.cmpi ne, %add3A_241, %add3A_251 : i32
          %or3A_306 = arith.constant false
          %or3A_307 = arith.ori %or3A_306, %ne3A_305 : i1
          %or3A_308 = arith.constant false
          %or3A_309 = arith.ori %or3A_307, %or3A_308 : i1
          %or3A_310 = arith.ori %or3A_309, %eq3A_237 : i1
          %convert_element_type3A_311 = arith.extui %or3A_310 : i1 to i32
          %cond3A_312 = arith.constant 0 : i32
          %cond3A_313 = arith.cmpi ne, %convert_element_type3A_311, %cond3A_312 : i32
          scf.if %cond3A_313 {
            "tpu.trace_start"() <{level = 10 : i32, message = "ep_wait_in"}> : () -> ()
            %mul3A_450 = arith.constant 64 : i32
            %mul3A_451 = arith.muli %mul3A_450, %add3A_241 : i32
            %rem3A_452 = arith.constant 2 : i32
            %rem3A_453 = arith.remui %while3A_230, %rem3A_452 : i32
            %dma_wait3A_454 = arith.constant 0 : i32
            %dma_wait3A_455 = arith.constant 0 : i32
            %dma_wait3A_456 = tpu.memref_slice %run_scoped3A[%rem3A_453, %dma_wait3A_454, %dma_wait3A_455] : memref<2x64x128xf32, #tpu.memory_space<vmem>> -> memref<1x64x128xf32, #tpu.memory_space<vmem>>
            %dma_wait3A_457 = tpu.memref_squeeze %dma_wait3A_456 : memref<1x64x128xf32, #tpu.memory_space<vmem>> -> memref<64x128xf32, #tpu.memory_space<vmem>>
            %dma_wait3A_458 = arith.constant 0 : i32
            %dma_wait3A_459 = tpu.memref_slice %arg2[%mul3A_451, %dma_wait3A_458] : memref<320000x128xf32, #tpu.memory_space<hbm>> -> memref<64x128xf32, #tpu.memory_space<hbm>>
            %dma_wait3A_460 = tpu.memref_slice %run_scoped3A_77[%rem3A_453] : memref<2x!tpu.dma_semaphore, #tpu.memory_space<semaphore_mem>> -> memref<1x!tpu.dma_semaphore, #tpu.memory_space<semaphore_mem>>
            %dma_wait3A_461 = tpu.memref_squeeze %dma_wait3A_460 : memref<1x!tpu.dma_semaphore, #tpu.memory_space<semaphore_mem>> -> memref<!tpu.dma_semaphore, #tpu.memory_space<semaphore_mem>>
            %dma_wait3A_462 = arith.constant 0 : i32
            %dma_wait3A_463 = arith.constant 0 : i32
            %dma_wait3A_464 = tpu.memref_slice %run_scoped3A[%rem3A_453, %dma_wait3A_462, %dma_wait3A_463] : memref<2x64x128xf32, #tpu.memory_space<vmem>> -> memref<1x64x128xf32, #tpu.memory_space<vmem>>
            %dma_wait3A_465 = tpu.memref_squeeze %dma_wait3A_464 : memref<1x64x128xf32, #tpu.memory_space<vmem>> -> memref<64x128xf32, #tpu.memory_space<vmem>>
            %dma_wait3A_466 = arith.constant 0 : i32
            %dma_wait3A_467 = tpu.memref_slice %arg2[%mul3A_451, %dma_wait3A_466] : memref<320000x128xf32, #tpu.memory_space<hbm>> -> memref<64x128xf32, #tpu.memory_space<hbm>>
            tpu.wait_dma2 semaphore(%dma_wait3A_461 : memref<!tpu.dma_semaphore, #tpu.memory_space<semaphore_mem>>) src(%dma_wait3A_467 : memref<64x128xf32, #tpu.memory_space<hbm>>) dst(%dma_wait3A_465 : memref<64x128xf32, #tpu.memory_space<vmem>>)
            "tpu.trace_stop"() : () -> ()
          } else {
          }
          %ne3A_314 = arith.cmpi ne, %add3A_241, %add3A_251 : i32
          %or3A_315 = arith.constant false
          %or3A_316 = arith.ori %or3A_315, %ne3A_314 : i1
          %or3A_317 = arith.constant false
          %or3A_318 = arith.ori %or3A_316, %or3A_317 : i1
          %or3A_319 = arith.ori %or3A_318, %eq3A_237 : i1
          %convert_element_type3A_320 = arith.extui %or3A_319 : i1 to i32
          %cond3A_321 = arith.constant 0 : i32
          %cond3A_322 = arith.cmpi ne, %convert_element_type3A_320, %cond3A_321 : i32
          scf.if %cond3A_322 {
            "tpu.trace_start"() <{level = 10 : i32, message = "ep_wait_in"}> : () -> ()
            %mul3A_450 = arith.constant 1 : i32
            %mul3A_451 = arith.muli %mul3A_450, %add3A_241 : i32
            %rem3A_452 = arith.constant 2 : i32
            %rem3A_453 = arith.remui %while3A_232, %rem3A_452 : i32
            %dma_wait3A_454 = arith.constant 0 : i32
            %dma_wait3A_455 = arith.constant 0 : i32
            %dma_wait3A_456 = tpu.memref_slice %run_scoped3A_78[%rem3A_453, %dma_wait3A_454, %dma_wait3A_455] : memref<2x1x64xi32, #tpu.memory_space<vmem>> -> memref<1x1x64xi32, #tpu.memory_space<vmem>>
            %dma_wait3A_457 = tpu.memref_squeeze %dma_wait3A_456 : memref<1x1x64xi32, #tpu.memory_space<vmem>> -> memref<1x64xi32, #tpu.memory_space<vmem>>
            %dma_wait3A_458 = arith.constant 0 : i32
            %dma_wait3A_459 = tpu.memref_slice %arg3[%mul3A_451, %dma_wait3A_458] : memref<5000x64xi32, #tpu.memory_space<hbm>> -> memref<1x64xi32, #tpu.memory_space<hbm>>
            %dma_wait3A_460 = tpu.memref_slice %run_scoped3A_79[%rem3A_453] : memref<2x!tpu.dma_semaphore, #tpu.memory_space<semaphore_mem>> -> memref<1x!tpu.dma_semaphore, #tpu.memory_space<semaphore_mem>>
            %dma_wait3A_461 = tpu.memref_squeeze %dma_wait3A_460 : memref<1x!tpu.dma_semaphore, #tpu.memory_space<semaphore_mem>> -> memref<!tpu.dma_semaphore, #tpu.memory_space<semaphore_mem>>
            %dma_wait3A_462 = arith.constant 0 : i32
            %dma_wait3A_463 = arith.constant 0 : i32
            %dma_wait3A_464 = tpu.memref_slice %run_scoped3A_78[%rem3A_453, %dma_wait3A_462, %dma_wait3A_463] : memref<2x1x64xi32, #tpu.memory_space<vmem>> -> memref<1x1x64xi32, #tpu.memory_space<vmem>>
            %dma_wait3A_465 = tpu.memref_squeeze %dma_wait3A_464 : memref<1x1x64xi32, #tpu.memory_space<vmem>> -> memref<1x64xi32, #tpu.memory_space<vmem>>
            %dma_wait3A_466 = arith.constant 0 : i32
            %dma_wait3A_467 = tpu.memref_slice %arg3[%mul3A_451, %dma_wait3A_466] : memref<5000x64xi32, #tpu.memory_space<hbm>> -> memref<1x64xi32, #tpu.memory_space<hbm>>
            tpu.wait_dma2 semaphore(%dma_wait3A_461 : memref<!tpu.dma_semaphore, #tpu.memory_space<semaphore_mem>>) src(%dma_wait3A_467 : memref<1x64xi32, #tpu.memory_space<hbm>>) dst(%dma_wait3A_465 : memref<1x64xi32, #tpu.memory_space<vmem>>)
            "tpu.trace_stop"() : () -> ()
          } else {
          }
          %rem3A_323 = arith.constant 2 : i32
          %rem3A_324 = arith.remui %while3A_230, %rem3A_323 : i32
          %rem3A_325 = arith.constant 2 : i32
          %rem3A_326 = arith.remui %while3A_232, %rem3A_325 : i32
          %get3A_327 = arith.constant 0 : i32
          "tpu.trace_start"() <{level = 10 : i32, message = "ep_run_kernel"}> : () -> ()
          %get3A_328 = arith.index_cast %get3A_327 : i32 to index
          %get3A_329 = memref.load %arg10[%get3A_328] : memref<1xi32, #tpu.memory_space<smem>>
          %jit3A_330 = arith.constant 2 : i32
          %eq3A_331 = arith.constant 0 : i32
          %eq3A_332 = arith.cmpi eq, %jit3A_330, %eq3A_331 : i32
          %jit3A_333 = arith.constant 1 : i32
          %select_n3A_334 = arith.select %eq3A_332, %jit3A_333, %jit3A_330 : i32
          %rem3A_335 = arith.remsi %get3A_329, %select_n3A_334 : i32
          %ne3A_336 = arith.constant 0 : i32
          %ne3A_337 = arith.cmpi ne, %rem3A_335, %ne3A_336 : i32
          %lt3A_338 = arith.constant 0 : i32
          %lt3A_339 = arith.cmpi slt, %rem3A_335, %lt3A_338 : i32
          %lt3A_340 = arith.constant 0 : i32
          %lt3A_341 = arith.cmpi slt, %select_n3A_334, %lt3A_340 : i32
          %ne3A_342 = arith.xori %lt3A_339, %lt3A_341 : i1
          %and3A_343 = arith.andi %ne3A_342, %ne3A_337 : i1
          %add3A_344 = arith.addi %rem3A_335, %select_n3A_334 : i32
          %select_n3A_345 = arith.select %and3A_343, %add3A_344, %rem3A_335 : i32
          %eq3A_346 = arith.constant 0 : i32
          %eq3A_347 = arith.cmpi eq, %select_n3A_345, %eq3A_346 : i32
          %convert_element_type3A_348 = arith.extui %eq3A_347 : i1 to i32
          %cond3A_349 = arith.constant 0 : i32
          %cond3A_350 = arith.cmpi ne, %convert_element_type3A_348, %cond3A_349 : i32
          scf.if %cond3A_350 {
            %ge3A_450 = arith.constant 2 : i32
            %ge3A_451 = arith.cmpi sge, %get3A_329, %ge3A_450 : i32
            %convert_element_type3A_452 = arith.extui %ge3A_451 : i1 to i32
            %cond3A_453 = arith.constant 0 : i32
            %cond3A_454 = arith.constant 0 : i32
            %cond3A_455 = arith.cmpi ne, %convert_element_type3A_452, %cond3A_454 : i32
            scf.if %cond3A_455 {
              %dma_wait3A_475 = arith.constant 0 : i32
              %dma_wait3A_476 = arith.constant 0 : i32
              %dma_wait3A_477 = arith.constant 0 : i32
              %dma_wait3A_478 = tpu.memref_slice %arg6[%cond3A_453, %dma_wait3A_476, %dma_wait3A_477] : memref<2x64x144xf32, #tpu.memory_space<vmem>> -> memref<1x64x144xf32, #tpu.memory_space<vmem>>
              %dma_wait3A_479 = tpu.memref_squeeze %dma_wait3A_478 : memref<1x64x144xf32, #tpu.memory_space<vmem>> -> memref<64x144xf32, #tpu.memory_space<vmem>>
              %dma_wait3A_480 = arith.constant 0 : i32
              %dma_wait3A_481 = tpu.memref_slice %arg7[%dma_wait3A_475, %dma_wait3A_480] : memref<1x64xi32, #tpu.memory_space<vmem>> -> memref<1x64xi32, #tpu.memory_space<vmem>>
              %dma_wait3A_482 = tpu.memref_squeeze %dma_wait3A_481 : memref<1x64xi32, #tpu.memory_space<vmem>> -> memref<64xi32, #tpu.memory_space<vmem>>
              %dma_wait3A_483 = arith.constant 0 : i32
              %dma_wait3A_484 = arith.constant 0 : i32
              %dma_wait3A_485 = tpu.memref_slice %arg9[%dma_wait3A_483, %dma_wait3A_484] : memref<10240x144xf32, #tpu.memory_space<vmem_shared>> -> memref<10240x144xf32, #tpu.memory_space<vmem_shared>>
              tpu.wait_indirect_dma semaphore(%arg11 : memref<!tpu.dma_semaphore, #tpu.memory_space<semaphore_mem>>) src(%dma_wait3A_479 : memref<64x144xf32, #tpu.memory_space<vmem>>) dst(%dma_wait3A_485 : memref<10240x144xf32, #tpu.memory_space<vmem_shared>>)
            } else {
            }
            %parallel_loop3A = arith.constant 0 : i32
            %parallel_loop3A_456 = arith.constant 64 : i32
            %parallel_loop3A_457 = arith.constant 1 : i32
            %parallel_loop3A_458 = arith.constant 0 : i32
            scf.for %parallel_loop3A_475 = %parallel_loop3A to %parallel_loop3A_456 step %parallel_loop3A_457  : i32 {
              %parallel_loop3A_476 = arith.constant 0 : i32
              %parallel_loop3A_477 = arith.constant 0 : i32
              %parallel_loop3A_478 = tpu.memref_slice %run_scoped3A[%rem3A_324, %parallel_loop3A_476, %parallel_loop3A_477] : memref<2x64x128xf32, #tpu.memory_space<vmem>> -> memref<1x64x128xf32, #tpu.memory_space<vmem>>
              %parallel_loop3A_479 = tpu.memref_squeeze %parallel_loop3A_478 : memref<1x64x128xf32, #tpu.memory_space<vmem>> -> memref<64x128xf32, #tpu.memory_space<vmem>>
              %parallel_loop3A_480 = arith.index_cast %parallel_loop3A_475 : i32 to index
              %parallel_loop3A_481 = arith.constant 0 : index
              %parallel_loop3A_482 = tpu.vector_load %parallel_loop3A_479[%parallel_loop3A_480, %parallel_loop3A_481] {strides = array<i32>} : memref<64x128xf32, #tpu.memory_space<vmem>>, vector<16xf32>,
              %parallel_loop3A_483 = arith.constant 0 : i32
              %parallel_loop3A_484 = arith.constant 0 : i32
              %parallel_loop3A_485 = tpu.memref_slice %run_scoped3A[%rem3A_324, %parallel_loop3A_483, %parallel_loop3A_484] : memref<2x64x128xf32, #tpu.memory_space<vmem>> -> memref<1x64x128xf32, #tpu.memory_space<vmem>>
              %parallel_loop3A_486 = tpu.memref_squeeze %parallel_loop3A_485 : memref<1x64x128xf32, #tpu.memory_space<vmem>> -> memref<64x128xf32, #tpu.memory_space<vmem>>
              %parallel_loop3A_487 = arith.index_cast %parallel_loop3A_475 : i32 to index
              %parallel_loop3A_488 = arith.constant 16 : index
              %parallel_loop3A_489 = tpu.vector_load %parallel_loop3A_486[%parallel_loop3A_487, %parallel_loop3A_488] {strides = array<i32>} : memref<64x128xf32, #tpu.memory_space<vmem>>, vector<16xf32>,
              %parallel_loop3A_490 = arith.constant 0 : i32
              %parallel_loop3A_491 = arith.constant 0 : i32
              %parallel_loop3A_492 = tpu.memref_slice %run_scoped3A[%rem3A_324, %parallel_loop3A_490, %parallel_loop3A_491] : memref<2x64x128xf32, #tpu.memory_space<vmem>> -> memref<1x64x128xf32, #tpu.memory_space<vmem>>
              %parallel_loop3A_493 = tpu.memref_squeeze %parallel_loop3A_492 : memref<1x64x128xf32, #tpu.memory_space<vmem>> -> memref<64x128xf32, #tpu.memory_space<vmem>>
              %parallel_loop3A_494 = arith.index_cast %parallel_loop3A_475 : i32 to index
              %parallel_loop3A_495 = arith.constant 32 : index
              %parallel_loop3A_496 = tpu.vector_load %parallel_loop3A_493[%parallel_loop3A_494, %parallel_loop3A_495] {strides = array<i32>} : memref<64x128xf32, #tpu.memory_space<vmem>>, vector<16xf32>,
              %parallel_loop3A_497 = arith.constant 0 : i32
              %parallel_loop3A_498 = arith.constant 0 : i32
              %parallel_loop3A_499 = tpu.memref_slice %run_scoped3A[%rem3A_324, %parallel_loop3A_497, %parallel_loop3A_498] : memref<2x64x128xf32, #tpu.memory_space<vmem>> -> memref<1x64x128xf32, #tpu.memory_space<vmem>>
              %parallel_loop3A_500 = tpu.memref_squeeze %parallel_loop3A_499 : memref<1x64x128xf32, #tpu.memory_space<vmem>> -> memref<64x128xf32, #tpu.memory_space<vmem>>
              %parallel_loop3A_501 = arith.index_cast %parallel_loop3A_475 : i32 to index
              %parallel_loop3A_502 = arith.constant 48 : index
              %parallel_loop3A_503 = tpu.vector_load %parallel_loop3A_500[%parallel_loop3A_501, %parallel_loop3A_502] {strides = array<i32>} : memref<64x128xf32, #tpu.memory_space<vmem>>, vector<16xf32>,
              %parallel_loop3A_504 = arith.constant 0 : i32
              %parallel_loop3A_505 = arith.constant 0 : i32
              %parallel_loop3A_506 = tpu.memref_slice %run_scoped3A[%rem3A_324, %parallel_loop3A_504, %parallel_loop3A_505] : memref<2x64x128xf32, #tpu.memory_space<vmem>> -> memref<1x64x128xf32, #tpu.memory_space<vmem>>
              %parallel_loop3A_507 = tpu.memref_squeeze %parallel_loop3A_506 : memref<1x64x128xf32, #tpu.memory_space<vmem>> -> memref<64x128xf32, #tpu.memory_space<vmem>>
              %parallel_loop3A_508 = arith.index_cast %parallel_loop3A_475 : i32 to index
              %parallel_loop3A_509 = arith.constant 64 : index
              %parallel_loop3A_510 = tpu.vector_load %parallel_loop3A_507[%parallel_loop3A_508, %parallel_loop3A_509] {strides = array<i32>} : memref<64x128xf32, #tpu.memory_space<vmem>>, vector<16xf32>,
              %parallel_loop3A_511 = arith.constant 0 : i32
              %parallel_loop3A_512 = arith.constant 0 : i32
              %parallel_loop3A_513 = tpu.memref_slice %run_scoped3A[%rem3A_324, %parallel_loop3A_511, %parallel_loop3A_512] : memref<2x64x128xf32, #tpu.memory_space<vmem>> -> memref<1x64x128xf32, #tpu.memory_space<vmem>>
              %parallel_loop3A_514 = tpu.memref_squeeze %parallel_loop3A_513 : memref<1x64x128xf32, #tpu.memory_space<vmem>> -> memref<64x128xf32, #tpu.memory_space<vmem>>
              %parallel_loop3A_515 = arith.index_cast %parallel_loop3A_475 : i32 to index
              %parallel_loop3A_516 = arith.constant 80 : index
              %parallel_loop3A_517 = tpu.vector_load %parallel_loop3A_514[%parallel_loop3A_515, %parallel_loop3A_516] {strides = array<i32>} : memref<64x128xf32, #tpu.memory_space<vmem>>, vector<16xf32>,
              %parallel_loop3A_518 = arith.constant 0 : i32
              %parallel_loop3A_519 = arith.constant 0 : i32
              %parallel_loop3A_520 = tpu.memref_slice %run_scoped3A[%rem3A_324, %parallel_loop3A_518, %parallel_loop3A_519] : memref<2x64x128xf32, #tpu.memory_space<vmem>> -> memref<1x64x128xf32, #tpu.memory_space<vmem>>
              %parallel_loop3A_521 = tpu.memref_squeeze %parallel_loop3A_520 : memref<1x64x128xf32, #tpu.memory_space<vmem>> -> memref<64x128xf32, #tpu.memory_space<vmem>>
              %parallel_loop3A_522 = arith.index_cast %parallel_loop3A_475 : i32 to index
              %parallel_loop3A_523 = arith.constant 96 : index
              %parallel_loop3A_524 = tpu.vector_load %parallel_loop3A_521[%parallel_loop3A_522, %parallel_loop3A_523] {strides = array<i32>} : memref<64x128xf32, #tpu.memory_space<vmem>>, vector<16xf32>,
              %parallel_loop3A_525 = arith.constant 0 : i32
              %parallel_loop3A_526 = arith.constant 0 : i32
              %parallel_loop3A_527 = tpu.memref_slice %run_scoped3A[%rem3A_324, %parallel_loop3A_525, %parallel_loop3A_526] : memref<2x64x128xf32, #tpu.memory_space<vmem>> -> memref<1x64x128xf32, #tpu.memory_space<vmem>>
              %parallel_loop3A_528 = tpu.memref_squeeze %parallel_loop3A_527 : memref<1x64x128xf32, #tpu.memory_space<vmem>> -> memref<64x128xf32, #tpu.memory_space<vmem>>
              %parallel_loop3A_529 = arith.index_cast %parallel_loop3A_475 : i32 to index
              %parallel_loop3A_530 = arith.constant 112 : index
              %parallel_loop3A_531 = tpu.vector_load %parallel_loop3A_528[%parallel_loop3A_529, %parallel_loop3A_530] {strides = array<i32>} : memref<64x128xf32, #tpu.memory_space<vmem>>, vector<16xf32>,
              %parallel_loop3A_532 = arith.mulf %parallel_loop3A_482, %get3A_3 : vector<16xf32>
              %parallel_loop3A_533 = arith.mulf %parallel_loop3A_489, %get3A_5 : vector<16xf32>
              %parallel_loop3A_534 = arith.addf %parallel_loop3A_532, %parallel_loop3A_533 : vector<16xf32>
              %parallel_loop3A_535 = arith.mulf %parallel_loop3A_496, %get3A_7 : vector<16xf32>
              %parallel_loop3A_536 = arith.mulf %parallel_loop3A_503, %get3A_9 : vector<16xf32>
              %parallel_loop3A_537 = arith.addf %parallel_loop3A_535, %parallel_loop3A_536 : vector<16xf32>
              %parallel_loop3A_538 = arith.mulf %parallel_loop3A_510, %get3A_11 : vector<16xf32>
              %parallel_loop3A_539 = arith.mulf %parallel_loop3A_517, %get3A_13 : vector<16xf32>
              %parallel_loop3A_540 = arith.addf %parallel_loop3A_538, %parallel_loop3A_539 : vector<16xf32>
              %parallel_loop3A_541 = arith.mulf %parallel_loop3A_524, %get3A_15 : vector<16xf32>
              %parallel_loop3A_542 = arith.mulf %parallel_loop3A_531, %get3A_17 : vector<16xf32>
              %parallel_loop3A_543 = arith.addf %parallel_loop3A_541, %parallel_loop3A_542 : vector<16xf32>
              %parallel_loop3A_544 = arith.addf %parallel_loop3A_534, %parallel_loop3A_537 : vector<16xf32>
              %parallel_loop3A_545 = arith.addf %parallel_loop3A_540, %parallel_loop3A_543 : vector<16xf32>
              %parallel_loop3A_546 = arith.addf %parallel_loop3A_544, %parallel_loop3A_545 : vector<16xf32>
              %parallel_loop3A_547 = arith.constant true
              %parallel_loop3A_548 = vector.broadcast %parallel_loop3A_547 : i1 to vector<16xi1>
              %parallel_loop3A_549 = tpu.scan <sum>, %parallel_loop3A_546 masked %parallel_loop3A_548 : vector<16xf32>, vector<16xi1> -> vector<16xf32>
              %parallel_loop3A_550 = vector.extract %parallel_loop3A_549[15] : f32 from vector<16xf32>
              %parallel_loop3A_551 = vector.broadcast %parallel_loop3A_550 : f32 to vector<16xf32>
              %parallel_loop3A_552 = math.exp %parallel_loop3A_551 : vector<16xf32>
              %parallel_loop3A_553 = arith.mulf %parallel_loop3A_482, %parallel_loop3A_552 : vector<16xf32>
              %parallel_loop3A_554 = arith.constant 0 : i32
              %parallel_loop3A_555 = arith.constant 0 : i32
              %parallel_loop3A_556 = tpu.memref_slice %arg6[%parallel_loop3A_458, %parallel_loop3A_554, %parallel_loop3A_555] : memref<2x64x144xf32, #tpu.memory_space<vmem>> -> memref<1x64x144xf32, #tpu.memory_space<vmem>>
              %parallel_loop3A_557 = tpu.memref_squeeze %parallel_loop3A_556 : memref<1x64x144xf32, #tpu.memory_space<vmem>> -> memref<64x144xf32, #tpu.memory_space<vmem>>
              %parallel_loop3A_558 = arith.index_cast %parallel_loop3A_475 : i32 to index
              %parallel_loop3A_559 = arith.constant 0 : index
              %parallel_loop3A_560 = tpu.vector_load %parallel_loop3A_557[%parallel_loop3A_558, %parallel_loop3A_559] {strides = array<i32>} : memref<64x144xf32, #tpu.memory_space<vmem>>, vector<16xf32>,
              tpu.vector_store %parallel_loop3A_557[%parallel_loop3A_558, %parallel_loop3A_559], %parallel_loop3A_553 {strides = array<i32>} : memref<64x144xf32, #tpu.memory_space<vmem>>, vector<16xf32>,
              %parallel_loop3A_561 = arith.mulf %parallel_loop3A_489, %parallel_loop3A_552 : vector<16xf32>
              %parallel_loop3A_562 = arith.constant 0 : i32
              %parallel_loop3A_563 = arith.constant 0 : i32
              %parallel_loop3A_564 = tpu.memref_slice %arg6[%parallel_loop3A_458, %parallel_loop3A_562, %parallel_loop3A_563] : memref<2x64x144xf32, #tpu.memory_space<vmem>> -> memref<1x64x144xf32, #tpu.memory_space<vmem>>
              %parallel_loop3A_565 = tpu.memref_squeeze %parallel_loop3A_564 : memref<1x64x144xf32, #tpu.memory_space<vmem>> -> memref<64x144xf32, #tpu.memory_space<vmem>>
              %parallel_loop3A_566 = arith.index_cast %parallel_loop3A_475 : i32 to index
              %parallel_loop3A_567 = arith.constant 16 : index
              %parallel_loop3A_568 = tpu.vector_load %parallel_loop3A_565[%parallel_loop3A_566, %parallel_loop3A_567] {strides = array<i32>} : memref<64x144xf32, #tpu.memory_space<vmem>>, vector<16xf32>,
              tpu.vector_store %parallel_loop3A_565[%parallel_loop3A_566, %parallel_loop3A_567], %parallel_loop3A_561 {strides = array<i32>} : memref<64x144xf32, #tpu.memory_space<vmem>>, vector<16xf32>,
              %parallel_loop3A_569 = arith.mulf %parallel_loop3A_496, %parallel_loop3A_552 : vector<16xf32>
              %parallel_loop3A_570 = arith.constant 0 : i32
              %parallel_loop3A_571 = arith.constant 0 : i32
              %parallel_loop3A_572 = tpu.memref_slice %arg6[%parallel_loop3A_458, %parallel_loop3A_570, %parallel_loop3A_571] : memref<2x64x144xf32, #tpu.memory_space<vmem>> -> memref<1x64x144xf32, #tpu.memory_space<vmem>>
              %parallel_loop3A_573 = tpu.memref_squeeze %parallel_loop3A_572 : memref<1x64x144xf32, #tpu.memory_space<vmem>> -> memref<64x144xf32, #tpu.memory_space<vmem>>
              %parallel_loop3A_574 = arith.index_cast %parallel_loop3A_475 : i32 to index
              %parallel_loop3A_575 = arith.constant 32 : index
              %parallel_loop3A_576 = tpu.vector_load %parallel_loop3A_573[%parallel_loop3A_574, %parallel_loop3A_575] {strides = array<i32>} : memref<64x144xf32, #tpu.memory_space<vmem>>, vector<16xf32>,
              tpu.vector_store %parallel_loop3A_573[%parallel_loop3A_574, %parallel_loop3A_575], %parallel_loop3A_569 {strides = array<i32>} : memref<64x144xf32, #tpu.memory_space<vmem>>, vector<16xf32>,
              %parallel_loop3A_577 = arith.mulf %parallel_loop3A_503, %parallel_loop3A_552 : vector<16xf32>
              %parallel_loop3A_578 = arith.constant 0 : i32
              %parallel_loop3A_579 = arith.constant 0 : i32
              %parallel_loop3A_580 = tpu.memref_slice %arg6[%parallel_loop3A_458, %parallel_loop3A_578, %parallel_loop3A_579] : memref<2x64x144xf32, #tpu.memory_space<vmem>> -> memref<1x64x144xf32, #tpu.memory_space<vmem>>
              %parallel_loop3A_581 = tpu.memref_squeeze %parallel_loop3A_580 : memref<1x64x144xf32, #tpu.memory_space<vmem>> -> memref<64x144xf32, #tpu.memory_space<vmem>>
              %parallel_loop3A_582 = arith.index_cast %parallel_loop3A_475 : i32 to index
              %parallel_loop3A_583 = arith.constant 48 : index
              %parallel_loop3A_584 = tpu.vector_load %parallel_loop3A_581[%parallel_loop3A_582, %parallel_loop3A_583] {strides = array<i32>} : memref<64x144xf32, #tpu.memory_space<vmem>>, vector<16xf32>,
              tpu.vector_store %parallel_loop3A_581[%parallel_loop3A_582, %parallel_loop3A_583], %parallel_loop3A_577 {strides = array<i32>} : memref<64x144xf32, #tpu.memory_space<vmem>>, vector<16xf32>,
              %parallel_loop3A_585 = arith.mulf %parallel_loop3A_510, %parallel_loop3A_552 : vector<16xf32>
              %parallel_loop3A_586 = arith.constant 0 : i32
              %parallel_loop3A_587 = arith.constant 0 : i32
              %parallel_loop3A_588 = tpu.memref_slice %arg6[%parallel_loop3A_458, %parallel_loop3A_586, %parallel_loop3A_587] : memref<2x64x144xf32, #tpu.memory_space<vmem>> -> memref<1x64x144xf32, #tpu.memory_space<vmem>>
              %parallel_loop3A_589 = tpu.memref_squeeze %parallel_loop3A_588 : memref<1x64x144xf32, #tpu.memory_space<vmem>> -> memref<64x144xf32, #tpu.memory_space<vmem>>
              %parallel_loop3A_590 = arith.index_cast %parallel_loop3A_475 : i32 to index
              %parallel_loop3A_591 = arith.constant 64 : index
              %parallel_loop3A_592 = tpu.vector_load %parallel_loop3A_589[%parallel_loop3A_590, %parallel_loop3A_591] {strides = array<i32>} : memref<64x144xf32, #tpu.memory_space<vmem>>, vector<16xf32>,
              tpu.vector_store %parallel_loop3A_589[%parallel_loop3A_590, %parallel_loop3A_591], %parallel_loop3A_585 {strides = array<i32>} : memref<64x144xf32, #tpu.memory_space<vmem>>, vector<16xf32>,
              %parallel_loop3A_593 = arith.mulf %parallel_loop3A_517, %parallel_loop3A_552 : vector<16xf32>
              %parallel_loop3A_594 = arith.constant 0 : i32
              %parallel_loop3A_595 = arith.constant 0 : i32
              %parallel_loop3A_596 = tpu.memref_slice %arg6[%parallel_loop3A_458, %parallel_loop3A_594, %parallel_loop3A_595] : memref<2x64x144xf32, #tpu.memory_space<vmem>> -> memref<1x64x144xf32, #tpu.memory_space<vmem>>
              %parallel_loop3A_597 = tpu.memref_squeeze %parallel_loop3A_596 : memref<1x64x144xf32, #tpu.memory_space<vmem>> -> memref<64x144xf32, #tpu.memory_space<vmem>>
              %parallel_loop3A_598 = arith.index_cast %parallel_loop3A_475 : i32 to index
              %parallel_loop3A_599 = arith.constant 80 : index
              %parallel_loop3A_600 = tpu.vector_load %parallel_loop3A_597[%parallel_loop3A_598, %parallel_loop3A_599] {strides = array<i32>} : memref<64x144xf32, #tpu.memory_space<vmem>>, vector<16xf32>,
              tpu.vector_store %parallel_loop3A_597[%parallel_loop3A_598, %parallel_loop3A_599], %parallel_loop3A_593 {strides = array<i32>} : memref<64x144xf32, #tpu.memory_space<vmem>>, vector<16xf32>,
              %parallel_loop3A_601 = arith.mulf %parallel_loop3A_524, %parallel_loop3A_552 : vector<16xf32>
              %parallel_loop3A_602 = arith.constant 0 : i32
              %parallel_loop3A_603 = arith.constant 0 : i32
              %parallel_loop3A_604 = tpu.memref_slice %arg6[%parallel_loop3A_458, %parallel_loop3A_602, %parallel_loop3A_603] : memref<2x64x144xf32, #tpu.memory_space<vmem>> -> memref<1x64x144xf32, #tpu.memory_space<vmem>>
              %parallel_loop3A_605 = tpu.memref_squeeze %parallel_loop3A_604 : memref<1x64x144xf32, #tpu.memory_space<vmem>> -> memref<64x144xf32, #tpu.memory_space<vmem>>
              %parallel_loop3A_606 = arith.index_cast %parallel_loop3A_475 : i32 to index
              %parallel_loop3A_607 = arith.constant 96 : index
              %parallel_loop3A_608 = tpu.vector_load %parallel_loop3A_605[%parallel_loop3A_606, %parallel_loop3A_607] {strides = array<i32>} : memref<64x144xf32, #tpu.memory_space<vmem>>, vector<16xf32>,
              tpu.vector_store %parallel_loop3A_605[%parallel_loop3A_606, %parallel_loop3A_607], %parallel_loop3A_601 {strides = array<i32>} : memref<64x144xf32, #tpu.memory_space<vmem>>, vector<16xf32>,
              %parallel_loop3A_609 = arith.mulf %parallel_loop3A_531, %parallel_loop3A_552 : vector<16xf32>
              %parallel_loop3A_610 = arith.constant 0 : i32
              %parallel_loop3A_611 = arith.constant 0 : i32
              %parallel_loop3A_612 = tpu.memref_slice %arg6[%parallel_loop3A_458, %parallel_loop3A_610, %parallel_loop3A_611] : memref<2x64x144xf32, #tpu.memory_space<vmem>> -> memref<1x64x144xf32, #tpu.memory_space<vmem>>
              %parallel_loop3A_613 = tpu.memref_squeeze %parallel_loop3A_612 : memref<1x64x144xf32, #tpu.memory_space<vmem>> -> memref<64x144xf32, #tpu.memory_space<vmem>>
              %parallel_loop3A_614 = arith.index_cast %parallel_loop3A_475 : i32 to index
              %parallel_loop3A_615 = arith.constant 112 : index
              %parallel_loop3A_616 = tpu.vector_load %parallel_loop3A_613[%parallel_loop3A_614, %parallel_loop3A_615] {strides = array<i32>} : memref<64x144xf32, #tpu.memory_space<vmem>>, vector<16xf32>,
              tpu.vector_store %parallel_loop3A_613[%parallel_loop3A_614, %parallel_loop3A_615], %parallel_loop3A_609 {strides = array<i32>} : memref<64x144xf32, #tpu.memory_space<vmem>>, vector<16xf32>,
              %parallel_loop3A_617 = arith.mulf %parallel_loop3A_552, %convert_element_type3A_2 : vector<16xf32>
              %parallel_loop3A_618 = arith.constant 0 : i32
              %parallel_loop3A_619 = arith.constant 0 : i32
              %parallel_loop3A_620 = tpu.memref_slice %arg6[%parallel_loop3A_458, %parallel_loop3A_618, %parallel_loop3A_619] : memref<2x64x144xf32, #tpu.memory_space<vmem>> -> memref<1x64x144xf32, #tpu.memory_space<vmem>>
              %parallel_loop3A_621 = tpu.memref_squeeze %parallel_loop3A_620 : memref<1x64x144xf32, #tpu.memory_space<vmem>> -> memref<64x144xf32, #tpu.memory_space<vmem>>
              %parallel_loop3A_622 = arith.index_cast %parallel_loop3A_475 : i32 to index
              %parallel_loop3A_623 = arith.constant 128 : index
              %parallel_loop3A_624 = tpu.vector_load %parallel_loop3A_621[%parallel_loop3A_622, %parallel_loop3A_623] {strides = array<i32>} : memref<64x144xf32, #tpu.memory_space<vmem>>, vector<16xf32>,
              tpu.vector_store %parallel_loop3A_621[%parallel_loop3A_622, %parallel_loop3A_623], %parallel_loop3A_617 {strides = array<i32>} : memref<64x144xf32, #tpu.memory_space<vmem>>, vector<16xf32>,
            } {sc.loop_unroll_factor = 16 : i64, sc.parallel_access}
            %dma_start3A_459 = arith.constant 0 : i32
            %dma_start3A_460 = arith.constant 0 : i32
            %dma_start3A_461 = arith.constant 0 : i32
            %dma_start3A_462 = arith.constant 0 : i32
            %dma_start3A_463 = tpu.memref_slice %arg6[%dma_start3A_459, %dma_start3A_461, %dma_start3A_462] : memref<2x64x144xf32, #tpu.memory_space<vmem>> -> memref<1x64x144xf32, #tpu.memory_space<vmem>>
            %dma_start3A_464 = tpu.memref_squeeze %dma_start3A_463 : memref<1x64x144xf32, #tpu.memory_space<vmem>> -> memref<64x144xf32, #tpu.memory_space<vmem>>
            %dma_start3A_465 = arith.constant 0 : i32
            %dma_start3A_466 = arith.constant 0 : i32
            %dma_start3A_467 = tpu.memref_slice %run_scoped3A_78[%rem3A_326, %dma_start3A_465, %dma_start3A_466] : memref<2x1x64xi32, #tpu.memory_space<vmem>> -> memref<1x1x64xi32, #tpu.memory_space<vmem>>
            %dma_start3A_468 = tpu.memref_squeeze %dma_start3A_467 : memref<1x1x64xi32, #tpu.memory_space<vmem>> -> memref<1x64xi32, #tpu.memory_space<vmem>>
            %dma_start3A_469 = arith.constant 0 : i32
            %dma_start3A_470 = tpu.memref_slice %dma_start3A_468[%dma_start3A_460, %dma_start3A_469] : memref<1x64xi32, #tpu.memory_space<vmem>> -> memref<1x64xi32, #tpu.memory_space<vmem>>
            %dma_start3A_471 = tpu.memref_squeeze %dma_start3A_470 : memref<1x64xi32, #tpu.memory_space<vmem>> -> memref<64xi32, #tpu.memory_space<vmem>>
            %dma_start3A_472 = arith.constant 0 : i32
            %dma_start3A_473 = arith.constant 0 : i32
            %dma_start3A_474 = tpu.memref_slice %arg9[%dma_start3A_472, %dma_start3A_473] : memref<10240x144xf32, #tpu.memory_space<vmem_shared>> -> memref<10240x144xf32, #tpu.memory_space<vmem_shared>>
            tpu.enqueue_indirect_dma source(%dma_start3A_464 : memref<64x144xf32, #tpu.memory_space<vmem>>) target(%dma_start3A_474 : memref<10240x144xf32, #tpu.memory_space<vmem_shared>>) offsets(%dma_start3A_471 : memref<64xi32, #tpu.memory_space<vmem>>) semaphore(%arg11 : memref<!tpu.dma_semaphore, #tpu.memory_space<semaphore_mem>>) {add = true}
          } else {
          }
          %jit3A_351 = arith.constant 2 : i32
          %eq3A_352 = arith.constant 0 : i32
          %eq3A_353 = arith.cmpi eq, %jit3A_351, %eq3A_352 : i32
          %jit3A_354 = arith.constant 1 : i32
          %select_n3A_355 = arith.select %eq3A_353, %jit3A_354, %jit3A_351 : i32
          %rem3A_356 = arith.remsi %get3A_329, %select_n3A_355 : i32
          %ne3A_357 = arith.constant 0 : i32
          %ne3A_358 = arith.cmpi ne, %rem3A_356, %ne3A_357 : i32
          %lt3A_359 = arith.constant 0 : i32
          %lt3A_360 = arith.cmpi slt, %rem3A_356, %lt3A_359 : i32
          %lt3A_361 = arith.constant 0 : i32
          %lt3A_362 = arith.cmpi slt, %select_n3A_355, %lt3A_361 : i32
          %ne3A_363 = arith.xori %lt3A_360, %lt3A_362 : i1
          %and3A_364 = arith.andi %ne3A_363, %ne3A_358 : i1
          %add3A_365 = arith.addi %rem3A_356, %select_n3A_355 : i32
          %select_n3A_366 = arith.select %and3A_364, %add3A_365, %rem3A_356 : i32
          %eq3A_367 = arith.constant 1 : i32
          %eq3A_368 = arith.cmpi eq, %select_n3A_366, %eq3A_367 : i32
          %convert_element_type3A_369 = arith.extui %eq3A_368 : i1 to i32
          %cond3A_370 = arith.constant 0 : i32
          %cond3A_371 = arith.cmpi ne, %convert_element_type3A_369, %cond3A_370 : i32
          scf.if %cond3A_371 {
            %ge3A_450 = arith.constant 2 : i32
            %ge3A_451 = arith.cmpi sge, %get3A_329, %ge3A_450 : i32
            %convert_element_type3A_452 = arith.extui %ge3A_451 : i1 to i32
            %cond3A_453 = arith.constant 1 : i32
            %cond3A_454 = arith.constant 0 : i32
            %cond3A_455 = arith.cmpi ne, %convert_element_type3A_452, %cond3A_454 : i32
            scf.if %cond3A_455 {
              %dma_wait3A_475 = arith.constant 0 : i32
              %dma_wait3A_476 = arith.constant 0 : i32
              %dma_wait3A_477 = arith.constant 0 : i32
              %dma_wait3A_478 = tpu.memref_slice %arg6[%cond3A_453, %dma_wait3A_476, %dma_wait3A_477] : memref<2x64x144xf32, #tpu.memory_space<vmem>> -> memref<1x64x144xf32, #tpu.memory_space<vmem>>
              %dma_wait3A_479 = tpu.memref_squeeze %dma_wait3A_478 : memref<1x64x144xf32, #tpu.memory_space<vmem>> -> memref<64x144xf32, #tpu.memory_space<vmem>>
              %dma_wait3A_480 = arith.constant 0 : i32
              %dma_wait3A_481 = tpu.memref_slice %arg7[%dma_wait3A_475, %dma_wait3A_480] : memref<1x64xi32, #tpu.memory_space<vmem>> -> memref<1x64xi32, #tpu.memory_space<vmem>>
              %dma_wait3A_482 = tpu.memref_squeeze %dma_wait3A_481 : memref<1x64xi32, #tpu.memory_space<vmem>> -> memref<64xi32, #tpu.memory_space<vmem>>
              %dma_wait3A_483 = arith.constant 0 : i32
              %dma_wait3A_484 = arith.constant 0 : i32
              %dma_wait3A_485 = tpu.memref_slice %arg9[%dma_wait3A_483, %dma_wait3A_484] : memref<10240x144xf32, #tpu.memory_space<vmem_shared>> -> memref<10240x144xf32, #tpu.memory_space<vmem_shared>>
              tpu.wait_indirect_dma semaphore(%arg12 : memref<!tpu.dma_semaphore, #tpu.memory_space<semaphore_mem>>) src(%dma_wait3A_479 : memref<64x144xf32, #tpu.memory_space<vmem>>) dst(%dma_wait3A_485 : memref<10240x144xf32, #tpu.memory_space<vmem_shared>>)
            } else {
            }
            %parallel_loop3A = arith.constant 0 : i32
            %parallel_loop3A_456 = arith.constant 64 : i32
            %parallel_loop3A_457 = arith.constant 1 : i32
            %parallel_loop3A_458 = arith.constant 1 : i32
            scf.for %parallel_loop3A_475 = %parallel_loop3A to %parallel_loop3A_456 step %parallel_loop3A_457  : i32 {
              %parallel_loop3A_476 = arith.constant 0 : i32
              %parallel_loop3A_477 = arith.constant 0 : i32
              %parallel_loop3A_478 = tpu.memref_slice %run_scoped3A[%rem3A_324, %parallel_loop3A_476, %parallel_loop3A_477] : memref<2x64x128xf32, #tpu.memory_space<vmem>> -> memref<1x64x128xf32, #tpu.memory_space<vmem>>
              %parallel_loop3A_479 = tpu.memref_squeeze %parallel_loop3A_478 : memref<1x64x128xf32, #tpu.memory_space<vmem>> -> memref<64x128xf32, #tpu.memory_space<vmem>>
              %parallel_loop3A_480 = arith.index_cast %parallel_loop3A_475 : i32 to index
              %parallel_loop3A_481 = arith.constant 0 : index
              %parallel_loop3A_482 = tpu.vector_load %parallel_loop3A_479[%parallel_loop3A_480, %parallel_loop3A_481] {strides = array<i32>} : memref<64x128xf32, #tpu.memory_space<vmem>>, vector<16xf32>,
              %parallel_loop3A_483 = arith.constant 0 : i32
              %parallel_loop3A_484 = arith.constant 0 : i32
              %parallel_loop3A_485 = tpu.memref_slice %run_scoped3A[%rem3A_324, %parallel_loop3A_483, %parallel_loop3A_484] : memref<2x64x128xf32, #tpu.memory_space<vmem>> -> memref<1x64x128xf32, #tpu.memory_space<vmem>>
              %parallel_loop3A_486 = tpu.memref_squeeze %parallel_loop3A_485 : memref<1x64x128xf32, #tpu.memory_space<vmem>> -> memref<64x128xf32, #tpu.memory_space<vmem>>
              %parallel_loop3A_487 = arith.index_cast %parallel_loop3A_475 : i32 to index
              %parallel_loop3A_488 = arith.constant 16 : index
              %parallel_loop3A_489 = tpu.vector_load %parallel_loop3A_486[%parallel_loop3A_487, %parallel_loop3A_488] {strides = array<i32>} : memref<64x128xf32, #tpu.memory_space<vmem>>, vector<16xf32>,
              %parallel_loop3A_490 = arith.constant 0 : i32
              %parallel_loop3A_491 = arith.constant 0 : i32
              %parallel_loop3A_492 = tpu.memref_slice %run_scoped3A[%rem3A_324, %parallel_loop3A_490, %parallel_loop3A_491] : memref<2x64x128xf32, #tpu.memory_space<vmem>> -> memref<1x64x128xf32, #tpu.memory_space<vmem>>
              %parallel_loop3A_493 = tpu.memref_squeeze %parallel_loop3A_492 : memref<1x64x128xf32, #tpu.memory_space<vmem>> -> memref<64x128xf32, #tpu.memory_space<vmem>>
              %parallel_loop3A_494 = arith.index_cast %parallel_loop3A_475 : i32 to index
              %parallel_loop3A_495 = arith.constant 32 : index
              %parallel_loop3A_496 = tpu.vector_load %parallel_loop3A_493[%parallel_loop3A_494, %parallel_loop3A_495] {strides = array<i32>} : memref<64x128xf32, #tpu.memory_space<vmem>>, vector<16xf32>,
              %parallel_loop3A_497 = arith.constant 0 : i32
              %parallel_loop3A_498 = arith.constant 0 : i32
              %parallel_loop3A_499 = tpu.memref_slice %run_scoped3A[%rem3A_324, %parallel_loop3A_497, %parallel_loop3A_498] : memref<2x64x128xf32, #tpu.memory_space<vmem>> -> memref<1x64x128xf32, #tpu.memory_space<vmem>>
              %parallel_loop3A_500 = tpu.memref_squeeze %parallel_loop3A_499 : memref<1x64x128xf32, #tpu.memory_space<vmem>> -> memref<64x128xf32, #tpu.memory_space<vmem>>
              %parallel_loop3A_501 = arith.index_cast %parallel_loop3A_475 : i32 to index
              %parallel_loop3A_502 = arith.constant 48 : index
              %parallel_loop3A_503 = tpu.vector_load %parallel_loop3A_500[%parallel_loop3A_501, %parallel_loop3A_502] {strides = array<i32>} : memref<64x128xf32, #tpu.memory_space<vmem>>, vector<16xf32>,
              %parallel_loop3A_504 = arith.constant 0 : i32
              %parallel_loop3A_505 = arith.constant 0 : i32
              %parallel_loop3A_506 = tpu.memref_slice %run_scoped3A[%rem3A_324, %parallel_loop3A_504, %parallel_loop3A_505] : memref<2x64x128xf32, #tpu.memory_space<vmem>> -> memref<1x64x128xf32, #tpu.memory_space<vmem>>
              %parallel_loop3A_507 = tpu.memref_squeeze %parallel_loop3A_506 : memref<1x64x128xf32, #tpu.memory_space<vmem>> -> memref<64x128xf32, #tpu.memory_space<vmem>>
              %parallel_loop3A_508 = arith.index_cast %parallel_loop3A_475 : i32 to index
              %parallel_loop3A_509 = arith.constant 64 : index
              %parallel_loop3A_510 = tpu.vector_load %parallel_loop3A_507[%parallel_loop3A_508, %parallel_loop3A_509] {strides = array<i32>} : memref<64x128xf32, #tpu.memory_space<vmem>>, vector<16xf32>,
              %parallel_loop3A_511 = arith.constant 0 : i32
              %parallel_loop3A_512 = arith.constant 0 : i32
              %parallel_loop3A_513 = tpu.memref_slice %run_scoped3A[%rem3A_324, %parallel_loop3A_511, %parallel_loop3A_512] : memref<2x64x128xf32, #tpu.memory_space<vmem>> -> memref<1x64x128xf32, #tpu.memory_space<vmem>>
              %parallel_loop3A_514 = tpu.memref_squeeze %parallel_loop3A_513 : memref<1x64x128xf32, #tpu.memory_space<vmem>> -> memref<64x128xf32, #tpu.memory_space<vmem>>
              %parallel_loop3A_515 = arith.index_cast %parallel_loop3A_475 : i32 to index
              %parallel_loop3A_516 = arith.constant 80 : index
              %parallel_loop3A_517 = tpu.vector_load %parallel_loop3A_514[%parallel_loop3A_515, %parallel_loop3A_516] {strides = array<i32>} : memref<64x128xf32, #tpu.memory_space<vmem>>, vector<16xf32>,
              %parallel_loop3A_518 = arith.constant 0 : i32
              %parallel_loop3A_519 = arith.constant 0 : i32
              %parallel_loop3A_520 = tpu.memref_slice %run_scoped3A[%rem3A_324, %parallel_loop3A_518, %parallel_loop3A_519] : memref<2x64x128xf32, #tpu.memory_space<vmem>> -> memref<1x64x128xf32, #tpu.memory_space<vmem>>
              %parallel_loop3A_521 = tpu.memref_squeeze %parallel_loop3A_520 : memref<1x64x128xf32, #tpu.memory_space<vmem>> -> memref<64x128xf32, #tpu.memory_space<vmem>>
              %parallel_loop3A_522 = arith.index_cast %parallel_loop3A_475 : i32 to index
              %parallel_loop3A_523 = arith.constant 96 : index
              %parallel_loop3A_524 = tpu.vector_load %parallel_loop3A_521[%parallel_loop3A_522, %parallel_loop3A_523] {strides = array<i32>} : memref<64x128xf32, #tpu.memory_space<vmem>>, vector<16xf32>,
              %parallel_loop3A_525 = arith.constant 0 : i32
              %parallel_loop3A_526 = arith.constant 0 : i32
              %parallel_loop3A_527 = tpu.memref_slice %run_scoped3A[%rem3A_324, %parallel_loop3A_525, %parallel_loop3A_526] : memref<2x64x128xf32, #tpu.memory_space<vmem>> -> memref<1x64x128xf32, #tpu.memory_space<vmem>>
              %parallel_loop3A_528 = tpu.memref_squeeze %parallel_loop3A_527 : memref<1x64x128xf32, #tpu.memory_space<vmem>> -> memref<64x128xf32, #tpu.memory_space<vmem>>
              %parallel_loop3A_529 = arith.index_cast %parallel_loop3A_475 : i32 to index
              %parallel_loop3A_530 = arith.constant 112 : index
              %parallel_loop3A_531 = tpu.vector_load %parallel_loop3A_528[%parallel_loop3A_529, %parallel_loop3A_530] {strides = array<i32>} : memref<64x128xf32, #tpu.memory_space<vmem>>, vector<16xf32>,
              %parallel_loop3A_532 = arith.mulf %parallel_loop3A_482, %get3A_3 : vector<16xf32>
              %parallel_loop3A_533 = arith.mulf %parallel_loop3A_489, %get3A_5 : vector<16xf32>
              %parallel_loop3A_534 = arith.addf %parallel_loop3A_532, %parallel_loop3A_533 : vector<16xf32>
              %parallel_loop3A_535 = arith.mulf %parallel_loop3A_496, %get3A_7 : vector<16xf32>
              %parallel_loop3A_536 = arith.mulf %parallel_loop3A_503, %get3A_9 : vector<16xf32>
              %parallel_loop3A_537 = arith.addf %parallel_loop3A_535, %parallel_loop3A_536 : vector<16xf32>
              %parallel_loop3A_538 = arith.mulf %parallel_loop3A_510, %get3A_11 : vector<16xf32>
              %parallel_loop3A_539 = arith.mulf %parallel_loop3A_517, %get3A_13 : vector<16xf32>
              %parallel_loop3A_540 = arith.addf %parallel_loop3A_538, %parallel_loop3A_539 : vector<16xf32>
              %parallel_loop3A_541 = arith.mulf %parallel_loop3A_524, %get3A_15 : vector<16xf32>
              %parallel_loop3A_542 = arith.mulf %parallel_loop3A_531, %get3A_17 : vector<16xf32>
              %parallel_loop3A_543 = arith.addf %parallel_loop3A_541, %parallel_loop3A_542 : vector<16xf32>
              %parallel_loop3A_544 = arith.addf %parallel_loop3A_534, %parallel_loop3A_537 : vector<16xf32>
              %parallel_loop3A_545 = arith.addf %parallel_loop3A_540, %parallel_loop3A_543 : vector<16xf32>
              %parallel_loop3A_546 = arith.addf %parallel_loop3A_544, %parallel_loop3A_545 : vector<16xf32>
              %parallel_loop3A_547 = arith.constant true
              %parallel_loop3A_548 = vector.broadcast %parallel_loop3A_547 : i1 to vector<16xi1>
              %parallel_loop3A_549 = tpu.scan <sum>, %parallel_loop3A_546 masked %parallel_loop3A_548 : vector<16xf32>, vector<16xi1> -> vector<16xf32>
              %parallel_loop3A_550 = vector.extract %parallel_loop3A_549[15] : f32 from vector<16xf32>
              %parallel_loop3A_551 = vector.broadcast %parallel_loop3A_550 : f32 to vector<16xf32>
              %parallel_loop3A_552 = math.exp %parallel_loop3A_551 : vector<16xf32>
              %parallel_loop3A_553 = arith.mulf %parallel_loop3A_482, %parallel_loop3A_552 : vector<16xf32>
              %parallel_loop3A_554 = arith.constant 0 : i32
              %parallel_loop3A_555 = arith.constant 0 : i32
              %parallel_loop3A_556 = tpu.memref_slice %arg6[%parallel_loop3A_458, %parallel_loop3A_554, %parallel_loop3A_555] : memref<2x64x144xf32, #tpu.memory_space<vmem>> -> memref<1x64x144xf32, #tpu.memory_space<vmem>>
              %parallel_loop3A_557 = tpu.memref_squeeze %parallel_loop3A_556 : memref<1x64x144xf32, #tpu.memory_space<vmem>> -> memref<64x144xf32, #tpu.memory_space<vmem>>
              %parallel_loop3A_558 = arith.index_cast %parallel_loop3A_475 : i32 to index
              %parallel_loop3A_559 = arith.constant 0 : index
              %parallel_loop3A_560 = tpu.vector_load %parallel_loop3A_557[%parallel_loop3A_558, %parallel_loop3A_559] {strides = array<i32>} : memref<64x144xf32, #tpu.memory_space<vmem>>, vector<16xf32>,
              tpu.vector_store %parallel_loop3A_557[%parallel_loop3A_558, %parallel_loop3A_559], %parallel_loop3A_553 {strides = array<i32>} : memref<64x144xf32, #tpu.memory_space<vmem>>, vector<16xf32>,
              %parallel_loop3A_561 = arith.mulf %parallel_loop3A_489, %parallel_loop3A_552 : vector<16xf32>
              %parallel_loop3A_562 = arith.constant 0 : i32
              %parallel_loop3A_563 = arith.constant 0 : i32
              %parallel_loop3A_564 = tpu.memref_slice %arg6[%parallel_loop3A_458, %parallel_loop3A_562, %parallel_loop3A_563] : memref<2x64x144xf32, #tpu.memory_space<vmem>> -> memref<1x64x144xf32, #tpu.memory_space<vmem>>
              %parallel_loop3A_565 = tpu.memref_squeeze %parallel_loop3A_564 : memref<1x64x144xf32, #tpu.memory_space<vmem>> -> memref<64x144xf32, #tpu.memory_space<vmem>>
              %parallel_loop3A_566 = arith.index_cast %parallel_loop3A_475 : i32 to index
              %parallel_loop3A_567 = arith.constant 16 : index
              %parallel_loop3A_568 = tpu.vector_load %parallel_loop3A_565[%parallel_loop3A_566, %parallel_loop3A_567] {strides = array<i32>} : memref<64x144xf32, #tpu.memory_space<vmem>>, vector<16xf32>,
              tpu.vector_store %parallel_loop3A_565[%parallel_loop3A_566, %parallel_loop3A_567], %parallel_loop3A_561 {strides = array<i32>} : memref<64x144xf32, #tpu.memory_space<vmem>>, vector<16xf32>,
              %parallel_loop3A_569 = arith.mulf %parallel_loop3A_496, %parallel_loop3A_552 : vector<16xf32>
              %parallel_loop3A_570 = arith.constant 0 : i32
              %parallel_loop3A_571 = arith.constant 0 : i32
              %parallel_loop3A_572 = tpu.memref_slice %arg6[%parallel_loop3A_458, %parallel_loop3A_570, %parallel_loop3A_571] : memref<2x64x144xf32, #tpu.memory_space<vmem>> -> memref<1x64x144xf32, #tpu.memory_space<vmem>>
              %parallel_loop3A_573 = tpu.memref_squeeze %parallel_loop3A_572 : memref<1x64x144xf32, #tpu.memory_space<vmem>> -> memref<64x144xf32, #tpu.memory_space<vmem>>
              %parallel_loop3A_574 = arith.index_cast %parallel_loop3A_475 : i32 to index
              %parallel_loop3A_575 = arith.constant 32 : index
              %parallel_loop3A_576 = tpu.vector_load %parallel_loop3A_573[%parallel_loop3A_574, %parallel_loop3A_575] {strides = array<i32>} : memref<64x144xf32, #tpu.memory_space<vmem>>, vector<16xf32>,
              tpu.vector_store %parallel_loop3A_573[%parallel_loop3A_574, %parallel_loop3A_575], %parallel_loop3A_569 {strides = array<i32>} : memref<64x144xf32, #tpu.memory_space<vmem>>, vector<16xf32>,
              %parallel_loop3A_577 = arith.mulf %parallel_loop3A_503, %parallel_loop3A_552 : vector<16xf32>
              %parallel_loop3A_578 = arith.constant 0 : i32
              %parallel_loop3A_579 = arith.constant 0 : i32
              %parallel_loop3A_580 = tpu.memref_slice %arg6[%parallel_loop3A_458, %parallel_loop3A_578, %parallel_loop3A_579] : memref<2x64x144xf32, #tpu.memory_space<vmem>> -> memref<1x64x144xf32, #tpu.memory_space<vmem>>
              %parallel_loop3A_581 = tpu.memref_squeeze %parallel_loop3A_580 : memref<1x64x144xf32, #tpu.memory_space<vmem>> -> memref<64x144xf32, #tpu.memory_space<vmem>>
              %parallel_loop3A_582 = arith.index_cast %parallel_loop3A_475 : i32 to index
              %parallel_loop3A_583 = arith.constant 48 : index
              %parallel_loop3A_584 = tpu.vector_load %parallel_loop3A_581[%parallel_loop3A_582, %parallel_loop3A_583] {strides = array<i32>} : memref<64x144xf32, #tpu.memory_space<vmem>>, vector<16xf32>,
              tpu.vector_store %parallel_loop3A_581[%parallel_loop3A_582, %parallel_loop3A_583], %parallel_loop3A_577 {strides = array<i32>} : memref<64x144xf32, #tpu.memory_space<vmem>>, vector<16xf32>,
              %parallel_loop3A_585 = arith.mulf %parallel_loop3A_510, %parallel_loop3A_552 : vector<16xf32>
              %parallel_loop3A_586 = arith.constant 0 : i32
              %parallel_loop3A_587 = arith.constant 0 : i32
              %parallel_loop3A_588 = tpu.memref_slice %arg6[%parallel_loop3A_458, %parallel_loop3A_586, %parallel_loop3A_587] : memref<2x64x144xf32, #tpu.memory_space<vmem>> -> memref<1x64x144xf32, #tpu.memory_space<vmem>>
              %parallel_loop3A_589 = tpu.memref_squeeze %parallel_loop3A_588 : memref<1x64x144xf32, #tpu.memory_space<vmem>> -> memref<64x144xf32, #tpu.memory_space<vmem>>
              %parallel_loop3A_590 = arith.index_cast %parallel_loop3A_475 : i32 to index
              %parallel_loop3A_591 = arith.constant 64 : index
              %parallel_loop3A_592 = tpu.vector_load %parallel_loop3A_589[%parallel_loop3A_590, %parallel_loop3A_591] {strides = array<i32>} : memref<64x144xf32, #tpu.memory_space<vmem>>, vector<16xf32>,
              tpu.vector_store %parallel_loop3A_589[%parallel_loop3A_590, %parallel_loop3A_591], %parallel_loop3A_585 {strides = array<i32>} : memref<64x144xf32, #tpu.memory_space<vmem>>, vector<16xf32>,
              %parallel_loop3A_593 = arith.mulf %parallel_loop3A_517, %parallel_loop3A_552 : vector<16xf32>
              %parallel_loop3A_594 = arith.constant 0 : i32
              %parallel_loop3A_595 = arith.constant 0 : i32
              %parallel_loop3A_596 = tpu.memref_slice %arg6[%parallel_loop3A_458, %parallel_loop3A_594, %parallel_loop3A_595] : memref<2x64x144xf32, #tpu.memory_space<vmem>> -> memref<1x64x144xf32, #tpu.memory_space<vmem>>
              %parallel_loop3A_597 = tpu.memref_squeeze %parallel_loop3A_596 : memref<1x64x144xf32, #tpu.memory_space<vmem>> -> memref<64x144xf32, #tpu.memory_space<vmem>>
              %parallel_loop3A_598 = arith.index_cast %parallel_loop3A_475 : i32 to index
              %parallel_loop3A_599 = arith.constant 80 : index
              %parallel_loop3A_600 = tpu.vector_load %parallel_loop3A_597[%parallel_loop3A_598, %parallel_loop3A_599] {strides = array<i32>} : memref<64x144xf32, #tpu.memory_space<vmem>>, vector<16xf32>,
              tpu.vector_store %parallel_loop3A_597[%parallel_loop3A_598, %parallel_loop3A_599], %parallel_loop3A_593 {strides = array<i32>} : memref<64x144xf32, #tpu.memory_space<vmem>>, vector<16xf32>,
              %parallel_loop3A_601 = arith.mulf %parallel_loop3A_524, %parallel_loop3A_552 : vector<16xf32>
              %parallel_loop3A_602 = arith.constant 0 : i32
              %parallel_loop3A_603 = arith.constant 0 : i32
              %parallel_loop3A_604 = tpu.memref_slice %arg6[%parallel_loop3A_458, %parallel_loop3A_602, %parallel_loop3A_603] : memref<2x64x144xf32, #tpu.memory_space<vmem>> -> memref<1x64x144xf32, #tpu.memory_space<vmem>>
              %parallel_loop3A_605 = tpu.memref_squeeze %parallel_loop3A_604 : memref<1x64x144xf32, #tpu.memory_space<vmem>> -> memref<64x144xf32, #tpu.memory_space<vmem>>
              %parallel_loop3A_606 = arith.index_cast %parallel_loop3A_475 : i32 to index
              %parallel_loop3A_607 = arith.constant 96 : index
              %parallel_loop3A_608 = tpu.vector_load %parallel_loop3A_605[%parallel_loop3A_606, %parallel_loop3A_607] {strides = array<i32>} : memref<64x144xf32, #tpu.memory_space<vmem>>, vector<16xf32>,
              tpu.vector_store %parallel_loop3A_605[%parallel_loop3A_606, %parallel_loop3A_607], %parallel_loop3A_601 {strides = array<i32>} : memref<64x144xf32, #tpu.memory_space<vmem>>, vector<16xf32>,
              %parallel_loop3A_609 = arith.mulf %parallel_loop3A_531, %parallel_loop3A_552 : vector<16xf32>
              %parallel_loop3A_610 = arith.constant 0 : i32
              %parallel_loop3A_611 = arith.constant 0 : i32
              %parallel_loop3A_612 = tpu.memref_slice %arg6[%parallel_loop3A_458, %parallel_loop3A_610, %parallel_loop3A_611] : memref<2x64x144xf32, #tpu.memory_space<vmem>> -> memref<1x64x144xf32, #tpu.memory_space<vmem>>
              %parallel_loop3A_613 = tpu.memref_squeeze %parallel_loop3A_612 : memref<1x64x144xf32, #tpu.memory_space<vmem>> -> memref<64x144xf32, #tpu.memory_space<vmem>>
              %parallel_loop3A_614 = arith.index_cast %parallel_loop3A_475 : i32 to index
              %parallel_loop3A_615 = arith.constant 112 : index
              %parallel_loop3A_616 = tpu.vector_load %parallel_loop3A_613[%parallel_loop3A_614, %parallel_loop3A_615] {strides = array<i32>} : memref<64x144xf32, #tpu.memory_space<vmem>>, vector<16xf32>,
              tpu.vector_store %parallel_loop3A_613[%parallel_loop3A_614, %parallel_loop3A_615], %parallel_loop3A_609 {strides = array<i32>} : memref<64x144xf32, #tpu.memory_space<vmem>>, vector<16xf32>,
              %parallel_loop3A_617 = arith.mulf %parallel_loop3A_552, %convert_element_type3A_2 : vector<16xf32>
              %parallel_loop3A_618 = arith.constant 0 : i32
              %parallel_loop3A_619 = arith.constant 0 : i32
              %parallel_loop3A_620 = tpu.memref_slice %arg6[%parallel_loop3A_458, %parallel_loop3A_618, %parallel_loop3A_619] : memref<2x64x144xf32, #tpu.memory_space<vmem>> -> memref<1x64x144xf32, #tpu.memory_space<vmem>>
              %parallel_loop3A_621 = tpu.memref_squeeze %parallel_loop3A_620 : memref<1x64x144xf32, #tpu.memory_space<vmem>> -> memref<64x144xf32, #tpu.memory_space<vmem>>
              %parallel_loop3A_622 = arith.index_cast %parallel_loop3A_475 : i32 to index
              %parallel_loop3A_623 = arith.constant 128 : index
              %parallel_loop3A_624 = tpu.vector_load %parallel_loop3A_621[%parallel_loop3A_622, %parallel_loop3A_623] {strides = array<i32>} : memref<64x144xf32, #tpu.memory_space<vmem>>, vector<16xf32>,
              tpu.vector_store %parallel_loop3A_621[%parallel_loop3A_622, %parallel_loop3A_623], %parallel_loop3A_617 {strides = array<i32>} : memref<64x144xf32, #tpu.memory_space<vmem>>, vector<16xf32>,
            } {sc.loop_unroll_factor = 16 : i64, sc.parallel_access}
            %dma_start3A_459 = arith.constant 1 : i32
            %dma_start3A_460 = arith.constant 0 : i32
            %dma_start3A_461 = arith.constant 0 : i32
            %dma_start3A_462 = arith.constant 0 : i32
            %dma_start3A_463 = tpu.memref_slice %arg6[%dma_start3A_459, %dma_start3A_461, %dma_start3A_462] : memref<2x64x144xf32, #tpu.memory_space<vmem>> -> memref<1x64x144xf32, #tpu.memory_space<vmem>>
            %dma_start3A_464 = tpu.memref_squeeze %dma_start3A_463 : memref<1x64x144xf32, #tpu.memory_space<vmem>> -> memref<64x144xf32, #tpu.memory_space<vmem>>
            %dma_start3A_465 = arith.constant 0 : i32
            %dma_start3A_466 = arith.constant 0 : i32
            %dma_start3A_467 = tpu.memref_slice %run_scoped3A_78[%rem3A_326, %dma_start3A_465, %dma_start3A_466] : memref<2x1x64xi32, #tpu.memory_space<vmem>> -> memref<1x1x64xi32, #tpu.memory_space<vmem>>
            %dma_start3A_468 = tpu.memref_squeeze %dma_start3A_467 : memref<1x1x64xi32, #tpu.memory_space<vmem>> -> memref<1x64xi32, #tpu.memory_space<vmem>>
            %dma_start3A_469 = arith.constant 0 : i32
            %dma_start3A_470 = tpu.memref_slice %dma_start3A_468[%dma_start3A_460, %dma_start3A_469] : memref<1x64xi32, #tpu.memory_space<vmem>> -> memref<1x64xi32, #tpu.memory_space<vmem>>
            %dma_start3A_471 = tpu.memref_squeeze %dma_start3A_470 : memref<1x64xi32, #tpu.memory_space<vmem>> -> memref<64xi32, #tpu.memory_space<vmem>>
            %dma_start3A_472 = arith.constant 0 : i32
            %dma_start3A_473 = arith.constant 0 : i32
            %dma_start3A_474 = tpu.memref_slice %arg9[%dma_start3A_472, %dma_start3A_473] : memref<10240x144xf32, #tpu.memory_space<vmem_shared>> -> memref<10240x144xf32, #tpu.memory_space<vmem_shared>>
            tpu.enqueue_indirect_dma source(%dma_start3A_464 : memref<64x144xf32, #tpu.memory_space<vmem>>) target(%dma_start3A_474 : memref<10240x144xf32, #tpu.memory_space<vmem_shared>>) offsets(%dma_start3A_471 : memref<64xi32, #tpu.memory_space<vmem>>) semaphore(%arg12 : memref<!tpu.dma_semaphore, #tpu.memory_space<semaphore_mem>>) {add = true}
          } else {
          }
          %add3A_372 = arith.constant 1 : i32
          %add3A_373 = arith.addi %get3A_329, %add3A_372 : i32
          %swap3A_374 = arith.constant 0 : i32
          %swap3A_375 = arith.index_cast %swap3A_374 : i32 to index
          %swap3A_376 = memref.load %arg10[%swap3A_375] : memref<1xi32, #tpu.memory_space<smem>>
          memref.store %add3A_373, %arg10[%swap3A_375] : memref<1xi32, #tpu.memory_space<smem>>
          "tpu.trace_stop"() : () -> ()
          %ne3A_377 = arith.cmpi ne, %add3A_241, %add3A_259 : i32
          %or3A_378 = arith.constant false
          %or3A_379 = arith.ori %or3A_378, %ne3A_377 : i1
          %or3A_380 = arith.constant false
          %or3A_381 = arith.ori %or3A_379, %or3A_380 : i1
          %or3A_382 = arith.ori %or3A_381, %eq3A_240 : i1
          %convert_element_type3A_383 = arith.extui %or3A_382 : i1 to i32
          %cond3A_384 = arith.constant 0 : i32
          %cond3A_385 = arith.cmpi ne, %convert_element_type3A_383, %cond3A_384 : i32
          scf.if %cond3A_385 {
          } else {
          }
          %and3A_386 = arith.constant false
          %and3A_387 = arith.andi %or3A_382, %and3A_386 : i1
          %ne3A_388 = arith.cmpi ne, %add3A_241, %add3A_259 : i32
          %or3A_389 = arith.constant false
          %or3A_390 = arith.ori %or3A_389, %ne3A_388 : i1
          %or3A_391 = arith.constant false
          %or3A_392 = arith.ori %or3A_390, %or3A_391 : i1
          %or3A_393 = arith.ori %or3A_392, %eq3A_240 : i1
          %convert_element_type3A_394 = arith.extui %or3A_393 : i1 to i32
          %cond3A_395 = arith.constant 0 : i32
          %cond3A_396 = arith.cmpi ne, %convert_element_type3A_394, %cond3A_395 : i32
          scf.if %cond3A_396 {
          } else {
          }
          %and3A_397 = arith.constant false
          %and3A_398 = arith.andi %or3A_393, %and3A_397 : i1
          %ne3A_399 = arith.cmpi ne, %add3A_241, %add3A_251 : i32
          %or3A_400 = arith.constant false
          %or3A_401 = arith.ori %or3A_400, %ne3A_399 : i1
          %or3A_402 = arith.constant false
          %or3A_403 = arith.ori %or3A_401, %or3A_402 : i1
          %not3A_404 = arith.constant true
          %not3A_405 = arith.xori %eq3A_237, %not3A_404 : i1
          %and3A_406 = arith.andi %or3A_403, %not3A_405 : i1
          %convert_element_type3A_407 = arith.extui %and3A_406 : i1 to i32
          %cond3A_408 = arith.constant 0 : i32
          %cond3A_409 = arith.cmpi ne, %convert_element_type3A_407, %cond3A_408 : i32
          scf.if %cond3A_409 {
          } else {
          }
          %and3A_410 = arith.constant false
          %and3A_411 = arith.andi %and3A_406, %and3A_410 : i1
          %ne3A_412 = arith.cmpi ne, %add3A_241, %add3A_251 : i32
          %or3A_413 = arith.constant false
          %or3A_414 = arith.ori %or3A_413, %ne3A_412 : i1
          %or3A_415 = arith.constant false
          %or3A_416 = arith.ori %or3A_414, %or3A_415 : i1
          %not3A_417 = arith.constant true
          %not3A_418 = arith.xori %eq3A_237, %not3A_417 : i1
          %and3A_419 = arith.andi %or3A_416, %not3A_418 : i1
          %convert_element_type3A_420 = arith.extui %and3A_419 : i1 to i32
          %cond3A_421 = arith.constant 0 : i32
          %cond3A_422 = arith.cmpi ne, %convert_element_type3A_420, %cond3A_421 : i32
          scf.if %cond3A_422 {
          } else {
          }
          %and3A_423 = arith.constant false
          %and3A_424 = arith.andi %and3A_419, %and3A_423 : i1
          %ne3A_425 = arith.cmpi ne, %add3A_241, %add3A_259 : i32
          %or3A_426 = arith.constant false
          %or3A_427 = arith.ori %or3A_426, %ne3A_425 : i1
          %or3A_428 = arith.constant false
          %or3A_429 = arith.ori %or3A_427, %or3A_428 : i1
          %or3A_430 = arith.ori %or3A_429, %eq3A_240 : i1
          %add3A_431 = arith.constant 1 : i32
          %add3A_432 = arith.addi %while3A_230, %add3A_431 : i32
          %select_n3A_433 = arith.select %or3A_430, %add3A_432, %while3A_230 : i32
          %ne3A_434 = arith.cmpi ne, %add3A_241, %add3A_259 : i32
          %or3A_435 = arith.constant false
          %or3A_436 = arith.ori %or3A_435, %ne3A_434 : i1
          %or3A_437 = arith.constant false
          %or3A_438 = arith.ori %or3A_436, %or3A_437 : i1
          %or3A_439 = arith.ori %or3A_438, %eq3A_240 : i1
          %add3A_440 = arith.constant 1 : i32
          %add3A_441 = arith.addi %while3A_232, %add3A_440 : i32
          %select_n3A_442 = arith.select %or3A_439, %add3A_441, %while3A_232 : i32
          %add3A_443 = arith.constant 1 : i32
          %add3A_444 = arith.addi %while3A_233, %add3A_443 : i32
          %select_n3A_445 = arith.constant true
          %select_n3A_446 = arith.select %select_n3A_445, %add3A_444, %while3A_233 : i32
          %eq3A_447 = arith.cmpi eq, %select_n3A_446, %select_n3A : i32
          %select_n3A_448 = arith.constant 0 : i32
          %select_n3A_449 = arith.select %eq3A_447, %select_n3A_448, %select_n3A_446 : i32
          scf.yield %select_n3A_283, %select_n3A_433, %select_n3A_304, %select_n3A_442, %select_n3A_449 : i32, i32, i32, i32, i32
        }
        %while3A_175 = arith.constant 1 : i32
        %while3A_176:5 = scf.for %while3A_228 = %while3A_172 to %while3A_168 step %while3A_175 iter_args(%while3A_229 = %while3A_174#0, %while3A_230 = %while3A_174#1, %while3A_231 = %while3A_174#2, %while3A_232 = %while3A_174#3, %while3A_233 = %while3A_174#4) -> (i32, i32, i32, i32, i32)  : i32 {
          %mul3A_234 = arith.constant 1 : i32
          %mul3A_235 = arith.muli %mul3A_234, %select_n3A : i32
          %eq3A_236 = arith.constant 0 : i32
          %eq3A_237 = arith.cmpi eq, %while3A_228, %eq3A_236 : i32
          %sub3A_238 = arith.constant 1 : i32
          %sub3A_239 = arith.subi %mul3A_235, %sub3A_238 : i32
          %eq3A_240 = arith.cmpi eq, %while3A_228, %sub3A_239 : i32
          %add3A_241 = arith.addi %while3A_233, %select_n3A_45 : i32
          %sub3A_242 = arith.constant 1 : i32
          %sub3A_243 = arith.subi %while3A_233, %sub3A_242 : i32
          %select_n3A_244 = arith.constant true
          %select_n3A_245 = arith.select %select_n3A_244, %sub3A_243, %while3A_233 : i32
          %eq3A_246 = arith.constant -1 : i32
          %eq3A_247 = arith.cmpi eq, %select_n3A_245, %eq3A_246 : i32
          %sub3A_248 = arith.constant 1 : i32
          %sub3A_249 = arith.subi %select_n3A, %sub3A_248 : i32
          %select_n3A_250 = arith.select %eq3A_247, %sub3A_249, %select_n3A_245 : i32
          %add3A_251 = arith.addi %select_n3A_250, %select_n3A_45 : i32
          %add3A_252 = arith.constant 1 : i32
          %add3A_253 = arith.addi %while3A_233, %add3A_252 : i32
          %select_n3A_254 = arith.constant true
          %select_n3A_255 = arith.select %select_n3A_254, %add3A_253, %while3A_233 : i32
          %eq3A_256 = arith.cmpi eq, %select_n3A_255, %select_n3A : i32
          %select_n3A_257 = arith.constant 0 : i32
          %select_n3A_258 = arith.select %eq3A_256, %select_n3A_257, %select_n3A_255 : i32
          %add3A_259 = arith.addi %select_n3A_258, %select_n3A_45 : i32
          %add3A_260 = arith.constant 1 : i32
          %add3A_261 = arith.addi %select_n3A_258, %add3A_260 : i32
          %select_n3A_262 = arith.constant true
          %select_n3A_263 = arith.select %select_n3A_262, %add3A_261, %select_n3A_258 : i32
          %eq3A_264 = arith.cmpi eq, %select_n3A_263, %select_n3A : i32
          %select_n3A_265 = arith.constant 0 : i32
          %select_n3A_266 = arith.select %eq3A_264, %select_n3A_265, %select_n3A_263 : i32
          %add3A_267 = arith.addi %select_n3A_266, %select_n3A_45 : i32
          %ne3A = arith.cmpi ne, %add3A_241, %add3A_259 : i32
          %or3A = arith.constant false
          %or3A_268 = arith.ori %or3A, %ne3A : i1
          %or3A_269 = arith.constant false
          %or3A_270 = arith.ori %or3A_268, %or3A_269 : i1
          %sub3A_271 = arith.constant 2 : i32
          %sub3A_272 = arith.subi %mul3A_235, %sub3A_271 : i32
          %add3A_273 = arith.constant 1 : i32
          %add3A_274 = arith.addi %sub3A_272, %add3A_273 : i32
          %ge3A = arith.cmpi sge, %while3A_228, %add3A_274 : i32
          %not3A = arith.constant true
          %not3A_275 = arith.xori %ge3A, %not3A : i1
          %and3A = arith.andi %or3A_270, %not3A_275 : i1
          %convert_element_type3A_276 = arith.extui %and3A : i1 to i32
          %cond3A_277 = arith.constant 0 : i32
          %cond3A_278 = arith.cmpi ne, %convert_element_type3A_276, %cond3A_277 : i32
          scf.if %cond3A_278 {
            "tpu.trace_start"() <{level = 10 : i32, message = "ep_copy_in"}> : () -> ()
            %rem3A_450 = arith.constant 2 : i32
            %rem3A_451 = arith.remui %while3A_229, %rem3A_450 : i32
            %mul3A_452 = arith.constant 64 : i32
            %mul3A_453 = arith.muli %mul3A_452, %add3A_259 : i32
            %dma_start3A_454 = arith.constant 0 : i32
            %dma_start3A_455 = arith.constant 0 : i32
            %dma_start3A_456 = tpu.memref_slice %run_scoped3A[%rem3A_451, %dma_start3A_454, %dma_start3A_455] : memref<2x64x128xf32, #tpu.memory_space<vmem>> -> memref<1x64x128xf32, #tpu.memory_space<vmem>>
            %dma_start3A_457 = tpu.memref_squeeze %dma_start3A_456 : memref<1x64x128xf32, #tpu.memory_space<vmem>> -> memref<64x128xf32, #tpu.memory_space<vmem>>
            %dma_start3A_458 = arith.constant 0 : i32
            %dma_start3A_459 = tpu.memref_slice %arg2[%mul3A_453, %dma_start3A_458] : memref<320000x128xf32, #tpu.memory_space<hbm>> -> memref<64x128xf32, #tpu.memory_space<hbm>>
            %dma_start3A_460 = tpu.memref_slice %run_scoped3A_77[%rem3A_451] : memref<2x!tpu.dma_semaphore, #tpu.memory_space<semaphore_mem>> -> memref<1x!tpu.dma_semaphore, #tpu.memory_space<semaphore_mem>>
            %dma_start3A_461 = tpu.memref_squeeze %dma_start3A_460 : memref<1x!tpu.dma_semaphore, #tpu.memory_space<semaphore_mem>> -> memref<!tpu.dma_semaphore, #tpu.memory_space<semaphore_mem>>
            %dma_start3A_462 = arith.constant 0 : i32
            %dma_start3A_463 = arith.constant 0 : i32
            %dma_start3A_464 = tpu.memref_slice %run_scoped3A[%rem3A_451, %dma_start3A_462, %dma_start3A_463] : memref<2x64x128xf32, #tpu.memory_space<vmem>> -> memref<1x64x128xf32, #tpu.memory_space<vmem>>
            %dma_start3A_465 = tpu.memref_squeeze %dma_start3A_464 : memref<1x64x128xf32, #tpu.memory_space<vmem>> -> memref<64x128xf32, #tpu.memory_space<vmem>>
            %dma_start3A_466 = arith.constant 0 : i32
            %dma_start3A_467 = tpu.memref_slice %arg2[%mul3A_453, %dma_start3A_466] : memref<320000x128xf32, #tpu.memory_space<hbm>> -> memref<64x128xf32, #tpu.memory_space<hbm>>
            tpu.enqueue_dma source(%dma_start3A_467 : memref<64x128xf32, #tpu.memory_space<hbm>>) target(%dma_start3A_465 : memref<64x128xf32, #tpu.memory_space<vmem>>) target_semaphore(%dma_start3A_461 : memref<!tpu.dma_semaphore, #tpu.memory_space<semaphore_mem>>)
            "tpu.trace_stop"() : () -> ()
          } else {
          }
          %and3A_279 = arith.constant true
          %and3A_280 = arith.andi %and3A, %and3A_279 : i1
          %add3A_281 = arith.constant 1 : i32
          %add3A_282 = arith.addi %while3A_229, %add3A_281 : i32
          %select_n3A_283 = arith.select %and3A_280, %add3A_282, %while3A_229 : i32
          %ne3A_284 = arith.cmpi ne, %add3A_241, %add3A_259 : i32
          %or3A_285 = arith.constant false
          %or3A_286 = arith.ori %or3A_285, %ne3A_284 : i1
          %or3A_287 = arith.constant false
          %or3A_288 = arith.ori %or3A_286, %or3A_287 : i1
          %sub3A_289 = arith.constant 2 : i32
          %sub3A_290 = arith.subi %mul3A_235, %sub3A_289 : i32
          %add3A_291 = arith.constant 1 : i32
          %add3A_292 = arith.addi %sub3A_290, %add3A_291 : i32
          %ge3A_293 = arith.cmpi sge, %while3A_228, %add3A_292 : i32
          %not3A_294 = arith.constant true
          %not3A_295 = arith.xori %ge3A_293, %not3A_294 : i1
          %and3A_296 = arith.andi %or3A_288, %not3A_295 : i1
          %convert_element_type3A_297 = arith.extui %and3A_296 : i1 to i32
          %cond3A_298 = arith.constant 0 : i32
          %cond3A_299 = arith.cmpi ne, %convert_element_type3A_297, %cond3A_298 : i32
          scf.if %cond3A_299 {
            "tpu.trace_start"() <{level = 10 : i32, message = "ep_copy_in"}> : () -> ()
            %rem3A_450 = arith.constant 2 : i32
            %rem3A_451 = arith.remui %while3A_231, %rem3A_450 : i32
            %mul3A_452 = arith.constant 1 : i32
            %mul3A_453 = arith.muli %mul3A_452, %add3A_259 : i32
            %dma_start3A_454 = arith.constant 0 : i32
            %dma_start3A_455 = arith.constant 0 : i32
            %dma_start3A_456 = tpu.memref_slice %run_scoped3A_78[%rem3A_451, %dma_start3A_454, %dma_start3A_455] : memref<2x1x64xi32, #tpu.memory_space<vmem>> -> memref<1x1x64xi32, #tpu.memory_space<vmem>>
            %dma_start3A_457 = tpu.memref_squeeze %dma_start3A_456 : memref<1x1x64xi32, #tpu.memory_space<vmem>> -> memref<1x64xi32, #tpu.memory_space<vmem>>
            %dma_start3A_458 = arith.constant 0 : i32
            %dma_start3A_459 = tpu.memref_slice %arg3[%mul3A_453, %dma_start3A_458] : memref<5000x64xi32, #tpu.memory_space<hbm>> -> memref<1x64xi32, #tpu.memory_space<hbm>>
            %dma_start3A_460 = tpu.memref_slice %run_scoped3A_79[%rem3A_451] : memref<2x!tpu.dma_semaphore, #tpu.memory_space<semaphore_mem>> -> memref<1x!tpu.dma_semaphore, #tpu.memory_space<semaphore_mem>>
            %dma_start3A_461 = tpu.memref_squeeze %dma_start3A_460 : memref<1x!tpu.dma_semaphore, #tpu.memory_space<semaphore_mem>> -> memref<!tpu.dma_semaphore, #tpu.memory_space<semaphore_mem>>
            %dma_start3A_462 = arith.constant 0 : i32
            %dma_start3A_463 = arith.constant 0 : i32
            %dma_start3A_464 = tpu.memref_slice %run_scoped3A_78[%rem3A_451, %dma_start3A_462, %dma_start3A_463] : memref<2x1x64xi32, #tpu.memory_space<vmem>> -> memref<1x1x64xi32, #tpu.memory_space<vmem>>
            %dma_start3A_465 = tpu.memref_squeeze %dma_start3A_464 : memref<1x1x64xi32, #tpu.memory_space<vmem>> -> memref<1x64xi32, #tpu.memory_space<vmem>>
            %dma_start3A_466 = arith.constant 0 : i32
            %dma_start3A_467 = tpu.memref_slice %arg3[%mul3A_453, %dma_start3A_466] : memref<5000x64xi32, #tpu.memory_space<hbm>> -> memref<1x64xi32, #tpu.memory_space<hbm>>
            tpu.enqueue_dma source(%dma_start3A_467 : memref<1x64xi32, #tpu.memory_space<hbm>>) target(%dma_start3A_465 : memref<1x64xi32, #tpu.memory_space<vmem>>) target_semaphore(%dma_start3A_461 : memref<!tpu.dma_semaphore, #tpu.memory_space<semaphore_mem>>)
            "tpu.trace_stop"() : () -> ()
          } else {
          }
          %and3A_300 = arith.constant true
          %and3A_301 = arith.andi %and3A_296, %and3A_300 : i1
          %add3A_302 = arith.constant 1 : i32
          %add3A_303 = arith.addi %while3A_231, %add3A_302 : i32
          %select_n3A_304 = arith.select %and3A_301, %add3A_303, %while3A_231 : i32
          %ne3A_305 = arith.cmpi ne, %add3A_241, %add3A_251 : i32
          %or3A_306 = arith.constant false
          %or3A_307 = arith.ori %or3A_306, %ne3A_305 : i1
          %or3A_308 = arith.constant false
          %or3A_309 = arith.ori %or3A_307, %or3A_308 : i1
          %or3A_310 = arith.ori %or3A_309, %eq3A_237 : i1
          %convert_element_type3A_311 = arith.extui %or3A_310 : i1 to i32
          %cond3A_312 = arith.constant 0 : i32
          %cond3A_313 = arith.cmpi ne, %convert_element_type3A_311, %cond3A_312 : i32
          scf.if %cond3A_313 {
            "tpu.trace_start"() <{level = 10 : i32, message = "ep_wait_in"}> : () -> ()
            %mul3A_450 = arith.constant 64 : i32
            %mul3A_451 = arith.muli %mul3A_450, %add3A_241 : i32
            %rem3A_452 = arith.constant 2 : i32
            %rem3A_453 = arith.remui %while3A_230, %rem3A_452 : i32
            %dma_wait3A_454 = arith.constant 0 : i32
            %dma_wait3A_455 = arith.constant 0 : i32
            %dma_wait3A_456 = tpu.memref_slice %run_scoped3A[%rem3A_453, %dma_wait3A_454, %dma_wait3A_455] : memref<2x64x128xf32, #tpu.memory_space<vmem>> -> memref<1x64x128xf32, #tpu.memory_space<vmem>>
            %dma_wait3A_457 = tpu.memref_squeeze %dma_wait3A_456 : memref<1x64x128xf32, #tpu.memory_space<vmem>> -> memref<64x128xf32, #tpu.memory_space<vmem>>
            %dma_wait3A_458 = arith.constant 0 : i32
            %dma_wait3A_459 = tpu.memref_slice %arg2[%mul3A_451, %dma_wait3A_458] : memref<320000x128xf32, #tpu.memory_space<hbm>> -> memref<64x128xf32, #tpu.memory_space<hbm>>
            %dma_wait3A_460 = tpu.memref_slice %run_scoped3A_77[%rem3A_453] : memref<2x!tpu.dma_semaphore, #tpu.memory_space<semaphore_mem>> -> memref<1x!tpu.dma_semaphore, #tpu.memory_space<semaphore_mem>>
            %dma_wait3A_461 = tpu.memref_squeeze %dma_wait3A_460 : memref<1x!tpu.dma_semaphore, #tpu.memory_space<semaphore_mem>> -> memref<!tpu.dma_semaphore, #tpu.memory_space<semaphore_mem>>
            %dma_wait3A_462 = arith.constant 0 : i32
            %dma_wait3A_463 = arith.constant 0 : i32
            %dma_wait3A_464 = tpu.memref_slice %run_scoped3A[%rem3A_453, %dma_wait3A_462, %dma_wait3A_463] : memref<2x64x128xf32, #tpu.memory_space<vmem>> -> memref<1x64x128xf32, #tpu.memory_space<vmem>>
            %dma_wait3A_465 = tpu.memref_squeeze %dma_wait3A_464 : memref<1x64x128xf32, #tpu.memory_space<vmem>> -> memref<64x128xf32, #tpu.memory_space<vmem>>
            %dma_wait3A_466 = arith.constant 0 : i32
            %dma_wait3A_467 = tpu.memref_slice %arg2[%mul3A_451, %dma_wait3A_466] : memref<320000x128xf32, #tpu.memory_space<hbm>> -> memref<64x128xf32, #tpu.memory_space<hbm>>
            tpu.wait_dma2 semaphore(%dma_wait3A_461 : memref<!tpu.dma_semaphore, #tpu.memory_space<semaphore_mem>>) src(%dma_wait3A_467 : memref<64x128xf32, #tpu.memory_space<hbm>>) dst(%dma_wait3A_465 : memref<64x128xf32, #tpu.memory_space<vmem>>)
            "tpu.trace_stop"() : () -> ()
          } else {
          }
          %ne3A_314 = arith.cmpi ne, %add3A_241, %add3A_251 : i32
          %or3A_315 = arith.constant false
          %or3A_316 = arith.ori %or3A_315, %ne3A_314 : i1
          %or3A_317 = arith.constant false
          %or3A_318 = arith.ori %or3A_316, %or3A_317 : i1
          %or3A_319 = arith.ori %or3A_318, %eq3A_237 : i1
          %convert_element_type3A_320 = arith.extui %or3A_319 : i1 to i32
          %cond3A_321 = arith.constant 0 : i32
          %cond3A_322 = arith.cmpi ne, %convert_element_type3A_320, %cond3A_321 : i32
          scf.if %cond3A_322 {
            "tpu.trace_start"() <{level = 10 : i32, message = "ep_wait_in"}> : () -> ()
            %mul3A_450 = arith.constant 1 : i32
            %mul3A_451 = arith.muli %mul3A_450, %add3A_241 : i32
            %rem3A_452 = arith.constant 2 : i32
            %rem3A_453 = arith.remui %while3A_232, %rem3A_452 : i32
            %dma_wait3A_454 = arith.constant 0 : i32
            %dma_wait3A_455 = arith.constant 0 : i32
            %dma_wait3A_456 = tpu.memref_slice %run_scoped3A_78[%rem3A_453, %dma_wait3A_454, %dma_wait3A_455] : memref<2x1x64xi32, #tpu.memory_space<vmem>> -> memref<1x1x64xi32, #tpu.memory_space<vmem>>
            %dma_wait3A_457 = tpu.memref_squeeze %dma_wait3A_456 : memref<1x1x64xi32, #tpu.memory_space<vmem>> -> memref<1x64xi32, #tpu.memory_space<vmem>>
            %dma_wait3A_458 = arith.constant 0 : i32
            %dma_wait3A_459 = tpu.memref_slice %arg3[%mul3A_451, %dma_wait3A_458] : memref<5000x64xi32, #tpu.memory_space<hbm>> -> memref<1x64xi32, #tpu.memory_space<hbm>>
            %dma_wait3A_460 = tpu.memref_slice %run_scoped3A_79[%rem3A_453] : memref<2x!tpu.dma_semaphore, #tpu.memory_space<semaphore_mem>> -> memref<1x!tpu.dma_semaphore, #tpu.memory_space<semaphore_mem>>
            %dma_wait3A_461 = tpu.memref_squeeze %dma_wait3A_460 : memref<1x!tpu.dma_semaphore, #tpu.memory_space<semaphore_mem>> -> memref<!tpu.dma_semaphore, #tpu.memory_space<semaphore_mem>>
            %dma_wait3A_462 = arith.constant 0 : i32
            %dma_wait3A_463 = arith.constant 0 : i32
            %dma_wait3A_464 = tpu.memref_slice %run_scoped3A_78[%rem3A_453, %dma_wait3A_462, %dma_wait3A_463] : memref<2x1x64xi32, #tpu.memory_space<vmem>> -> memref<1x1x64xi32, #tpu.memory_space<vmem>>
            %dma_wait3A_465 = tpu.memref_squeeze %dma_wait3A_464 : memref<1x1x64xi32, #tpu.memory_space<vmem>> -> memref<1x64xi32, #tpu.memory_space<vmem>>
            %dma_wait3A_466 = arith.constant 0 : i32
            %dma_wait3A_467 = tpu.memref_slice %arg3[%mul3A_451, %dma_wait3A_466] : memref<5000x64xi32, #tpu.memory_space<hbm>> -> memref<1x64xi32, #tpu.memory_space<hbm>>
            tpu.wait_dma2 semaphore(%dma_wait3A_461 : memref<!tpu.dma_semaphore, #tpu.memory_space<semaphore_mem>>) src(%dma_wait3A_467 : memref<1x64xi32, #tpu.memory_space<hbm>>) dst(%dma_wait3A_465 : memref<1x64xi32, #tpu.memory_space<vmem>>)
            "tpu.trace_stop"() : () -> ()
          } else {
          }
          %rem3A_323 = arith.constant 2 : i32
          %rem3A_324 = arith.remui %while3A_230, %rem3A_323 : i32
          %rem3A_325 = arith.constant 2 : i32
          %rem3A_326 = arith.remui %while3A_232, %rem3A_325 : i32
          %get3A_327 = arith.constant 0 : i32
          "tpu.trace_start"() <{level = 10 : i32, message = "ep_run_kernel"}> : () -> ()
          %get3A_328 = arith.index_cast %get3A_327 : i32 to index
          %get3A_329 = memref.load %arg10[%get3A_328] : memref<1xi32, #tpu.memory_space<smem>>
          %jit3A_330 = arith.constant 2 : i32
          %eq3A_331 = arith.constant 0 : i32
          %eq3A_332 = arith.cmpi eq, %jit3A_330, %eq3A_331 : i32
          %jit3A_333 = arith.constant 1 : i32
          %select_n3A_334 = arith.select %eq3A_332, %jit3A_333, %jit3A_330 : i32
          %rem3A_335 = arith.remsi %get3A_329, %select_n3A_334 : i32
          %ne3A_336 = arith.constant 0 : i32
          %ne3A_337 = arith.cmpi ne, %rem3A_335, %ne3A_336 : i32
          %lt3A_338 = arith.constant 0 : i32
          %lt3A_339 = arith.cmpi slt, %rem3A_335, %lt3A_338 : i32
          %lt3A_340 = arith.constant 0 : i32
          %lt3A_341 = arith.cmpi slt, %select_n3A_334, %lt3A_340 : i32
          %ne3A_342 = arith.xori %lt3A_339, %lt3A_341 : i1
          %and3A_343 = arith.andi %ne3A_342, %ne3A_337 : i1
          %add3A_344 = arith.addi %rem3A_335, %select_n3A_334 : i32
          %select_n3A_345 = arith.select %and3A_343, %add3A_344, %rem3A_335 : i32
          %eq3A_346 = arith.constant 0 : i32
          %eq3A_347 = arith.cmpi eq, %select_n3A_345, %eq3A_346 : i32
          %convert_element_type3A_348 = arith.extui %eq3A_347 : i1 to i32
          %cond3A_349 = arith.constant 0 : i32
          %cond3A_350 = arith.cmpi ne, %convert_element_type3A_348, %cond3A_349 : i32
          scf.if %cond3A_350 {
            %ge3A_450 = arith.constant 2 : i32
            %ge3A_451 = arith.cmpi sge, %get3A_329, %ge3A_450 : i32
            %convert_element_type3A_452 = arith.extui %ge3A_451 : i1 to i32
            %cond3A_453 = arith.constant 0 : i32
            %cond3A_454 = arith.constant 0 : i32
            %cond3A_455 = arith.cmpi ne, %convert_element_type3A_452, %cond3A_454 : i32
            scf.if %cond3A_455 {
              %dma_wait3A_475 = arith.constant 0 : i32
              %dma_wait3A_476 = arith.constant 0 : i32
              %dma_wait3A_477 = arith.constant 0 : i32
              %dma_wait3A_478 = tpu.memref_slice %arg6[%cond3A_453, %dma_wait3A_476, %dma_wait3A_477] : memref<2x64x144xf32, #tpu.memory_space<vmem>> -> memref<1x64x144xf32, #tpu.memory_space<vmem>>
              %dma_wait3A_479 = tpu.memref_squeeze %dma_wait3A_478 : memref<1x64x144xf32, #tpu.memory_space<vmem>> -> memref<64x144xf32, #tpu.memory_space<vmem>>
              %dma_wait3A_480 = arith.constant 0 : i32
              %dma_wait3A_481 = tpu.memref_slice %arg7[%dma_wait3A_475, %dma_wait3A_480] : memref<1x64xi32, #tpu.memory_space<vmem>> -> memref<1x64xi32, #tpu.memory_space<vmem>>
              %dma_wait3A_482 = tpu.memref_squeeze %dma_wait3A_481 : memref<1x64xi32, #tpu.memory_space<vmem>> -> memref<64xi32, #tpu.memory_space<vmem>>
              %dma_wait3A_483 = arith.constant 0 : i32
              %dma_wait3A_484 = arith.constant 0 : i32
              %dma_wait3A_485 = tpu.memref_slice %arg9[%dma_wait3A_483, %dma_wait3A_484] : memref<10240x144xf32, #tpu.memory_space<vmem_shared>> -> memref<10240x144xf32, #tpu.memory_space<vmem_shared>>
              tpu.wait_indirect_dma semaphore(%arg11 : memref<!tpu.dma_semaphore, #tpu.memory_space<semaphore_mem>>) src(%dma_wait3A_479 : memref<64x144xf32, #tpu.memory_space<vmem>>) dst(%dma_wait3A_485 : memref<10240x144xf32, #tpu.memory_space<vmem_shared>>)
            } else {
            }
            %parallel_loop3A = arith.constant 0 : i32
            %parallel_loop3A_456 = arith.constant 64 : i32
            %parallel_loop3A_457 = arith.constant 1 : i32
            %parallel_loop3A_458 = arith.constant 0 : i32
            scf.for %parallel_loop3A_475 = %parallel_loop3A to %parallel_loop3A_456 step %parallel_loop3A_457  : i32 {
              %parallel_loop3A_476 = arith.constant 0 : i32
              %parallel_loop3A_477 = arith.constant 0 : i32
              %parallel_loop3A_478 = tpu.memref_slice %run_scoped3A[%rem3A_324, %parallel_loop3A_476, %parallel_loop3A_477] : memref<2x64x128xf32, #tpu.memory_space<vmem>> -> memref<1x64x128xf32, #tpu.memory_space<vmem>>
              %parallel_loop3A_479 = tpu.memref_squeeze %parallel_loop3A_478 : memref<1x64x128xf32, #tpu.memory_space<vmem>> -> memref<64x128xf32, #tpu.memory_space<vmem>>
              %parallel_loop3A_480 = arith.index_cast %parallel_loop3A_475 : i32 to index
              %parallel_loop3A_481 = arith.constant 0 : index
              %parallel_loop3A_482 = tpu.vector_load %parallel_loop3A_479[%parallel_loop3A_480, %parallel_loop3A_481] {strides = array<i32>} : memref<64x128xf32, #tpu.memory_space<vmem>>, vector<16xf32>,
              %parallel_loop3A_483 = arith.constant 0 : i32
              %parallel_loop3A_484 = arith.constant 0 : i32
              %parallel_loop3A_485 = tpu.memref_slice %run_scoped3A[%rem3A_324, %parallel_loop3A_483, %parallel_loop3A_484] : memref<2x64x128xf32, #tpu.memory_space<vmem>> -> memref<1x64x128xf32, #tpu.memory_space<vmem>>
              %parallel_loop3A_486 = tpu.memref_squeeze %parallel_loop3A_485 : memref<1x64x128xf32, #tpu.memory_space<vmem>> -> memref<64x128xf32, #tpu.memory_space<vmem>>
              %parallel_loop3A_487 = arith.index_cast %parallel_loop3A_475 : i32 to index
              %parallel_loop3A_488 = arith.constant 16 : index
              %parallel_loop3A_489 = tpu.vector_load %parallel_loop3A_486[%parallel_loop3A_487, %parallel_loop3A_488] {strides = array<i32>} : memref<64x128xf32, #tpu.memory_space<vmem>>, vector<16xf32>,
              %parallel_loop3A_490 = arith.constant 0 : i32
              %parallel_loop3A_491 = arith.constant 0 : i32
              %parallel_loop3A_492 = tpu.memref_slice %run_scoped3A[%rem3A_324, %parallel_loop3A_490, %parallel_loop3A_491] : memref<2x64x128xf32, #tpu.memory_space<vmem>> -> memref<1x64x128xf32, #tpu.memory_space<vmem>>
              %parallel_loop3A_493 = tpu.memref_squeeze %parallel_loop3A_492 : memref<1x64x128xf32, #tpu.memory_space<vmem>> -> memref<64x128xf32, #tpu.memory_space<vmem>>
              %parallel_loop3A_494 = arith.index_cast %parallel_loop3A_475 : i32 to index
              %parallel_loop3A_495 = arith.constant 32 : index
              %parallel_loop3A_496 = tpu.vector_load %parallel_loop3A_493[%parallel_loop3A_494, %parallel_loop3A_495] {strides = array<i32>} : memref<64x128xf32, #tpu.memory_space<vmem>>, vector<16xf32>,
              %parallel_loop3A_497 = arith.constant 0 : i32
              %parallel_loop3A_498 = arith.constant 0 : i32
              %parallel_loop3A_499 = tpu.memref_slice %run_scoped3A[%rem3A_324, %parallel_loop3A_497, %parallel_loop3A_498] : memref<2x64x128xf32, #tpu.memory_space<vmem>> -> memref<1x64x128xf32, #tpu.memory_space<vmem>>
              %parallel_loop3A_500 = tpu.memref_squeeze %parallel_loop3A_499 : memref<1x64x128xf32, #tpu.memory_space<vmem>> -> memref<64x128xf32, #tpu.memory_space<vmem>>
              %parallel_loop3A_501 = arith.index_cast %parallel_loop3A_475 : i32 to index
              %parallel_loop3A_502 = arith.constant 48 : index
              %parallel_loop3A_503 = tpu.vector_load %parallel_loop3A_500[%parallel_loop3A_501, %parallel_loop3A_502] {strides = array<i32>} : memref<64x128xf32, #tpu.memory_space<vmem>>, vector<16xf32>,
              %parallel_loop3A_504 = arith.constant 0 : i32
              %parallel_loop3A_505 = arith.constant 0 : i32
              %parallel_loop3A_506 = tpu.memref_slice %run_scoped3A[%rem3A_324, %parallel_loop3A_504, %parallel_loop3A_505] : memref<2x64x128xf32, #tpu.memory_space<vmem>> -> memref<1x64x128xf32, #tpu.memory_space<vmem>>
              %parallel_loop3A_507 = tpu.memref_squeeze %parallel_loop3A_506 : memref<1x64x128xf32, #tpu.memory_space<vmem>> -> memref<64x128xf32, #tpu.memory_space<vmem>>
              %parallel_loop3A_508 = arith.index_cast %parallel_loop3A_475 : i32 to index
              %parallel_loop3A_509 = arith.constant 64 : index
              %parallel_loop3A_510 = tpu.vector_load %parallel_loop3A_507[%parallel_loop3A_508, %parallel_loop3A_509] {strides = array<i32>} : memref<64x128xf32, #tpu.memory_space<vmem>>, vector<16xf32>,
              %parallel_loop3A_511 = arith.constant 0 : i32
              %parallel_loop3A_512 = arith.constant 0 : i32
              %parallel_loop3A_513 = tpu.memref_slice %run_scoped3A[%rem3A_324, %parallel_loop3A_511, %parallel_loop3A_512] : memref<2x64x128xf32, #tpu.memory_space<vmem>> -> memref<1x64x128xf32, #tpu.memory_space<vmem>>
              %parallel_loop3A_514 = tpu.memref_squeeze %parallel_loop3A_513 : memref<1x64x128xf32, #tpu.memory_space<vmem>> -> memref<64x128xf32, #tpu.memory_space<vmem>>
              %parallel_loop3A_515 = arith.index_cast %parallel_loop3A_475 : i32 to index
              %parallel_loop3A_516 = arith.constant 80 : index
              %parallel_loop3A_517 = tpu.vector_load %parallel_loop3A_514[%parallel_loop3A_515, %parallel_loop3A_516] {strides = array<i32>} : memref<64x128xf32, #tpu.memory_space<vmem>>, vector<16xf32>,
              %parallel_loop3A_518 = arith.constant 0 : i32
              %parallel_loop3A_519 = arith.constant 0 : i32
              %parallel_loop3A_520 = tpu.memref_slice %run_scoped3A[%rem3A_324, %parallel_loop3A_518, %parallel_loop3A_519] : memref<2x64x128xf32, #tpu.memory_space<vmem>> -> memref<1x64x128xf32, #tpu.memory_space<vmem>>
              %parallel_loop3A_521 = tpu.memref_squeeze %parallel_loop3A_520 : memref<1x64x128xf32, #tpu.memory_space<vmem>> -> memref<64x128xf32, #tpu.memory_space<vmem>>
              %parallel_loop3A_522 = arith.index_cast %parallel_loop3A_475 : i32 to index
              %parallel_loop3A_523 = arith.constant 96 : index
              %parallel_loop3A_524 = tpu.vector_load %parallel_loop3A_521[%parallel_loop3A_522, %parallel_loop3A_523] {strides = array<i32>} : memref<64x128xf32, #tpu.memory_space<vmem>>, vector<16xf32>,
              %parallel_loop3A_525 = arith.constant 0 : i32
              %parallel_loop3A_526 = arith.constant 0 : i32
              %parallel_loop3A_527 = tpu.memref_slice %run_scoped3A[%rem3A_324, %parallel_loop3A_525, %parallel_loop3A_526] : memref<2x64x128xf32, #tpu.memory_space<vmem>> -> memref<1x64x128xf32, #tpu.memory_space<vmem>>
              %parallel_loop3A_528 = tpu.memref_squeeze %parallel_loop3A_527 : memref<1x64x128xf32, #tpu.memory_space<vmem>> -> memref<64x128xf32, #tpu.memory_space<vmem>>
              %parallel_loop3A_529 = arith.index_cast %parallel_loop3A_475 : i32 to index
              %parallel_loop3A_530 = arith.constant 112 : index
              %parallel_loop3A_531 = tpu.vector_load %parallel_loop3A_528[%parallel_loop3A_529, %parallel_loop3A_530] {strides = array<i32>} : memref<64x128xf32, #tpu.memory_space<vmem>>, vector<16xf32>,
              %parallel_loop3A_532 = arith.mulf %parallel_loop3A_482, %get3A_3 : vector<16xf32>
              %parallel_loop3A_533 = arith.mulf %parallel_loop3A_489, %get3A_5 : vector<16xf32>
              %parallel_loop3A_534 = arith.addf %parallel_loop3A_532, %parallel_loop3A_533 : vector<16xf32>
              %parallel_loop3A_535 = arith.mulf %parallel_loop3A_496, %get3A_7 : vector<16xf32>
              %parallel_loop3A_536 = arith.mulf %parallel_loop3A_503, %get3A_9 : vector<16xf32>
              %parallel_loop3A_537 = arith.addf %parallel_loop3A_535, %parallel_loop3A_536 : vector<16xf32>
              %parallel_loop3A_538 = arith.mulf %parallel_loop3A_510, %get3A_11 : vector<16xf32>
              %parallel_loop3A_539 = arith.mulf %parallel_loop3A_517, %get3A_13 : vector<16xf32>
              %parallel_loop3A_540 = arith.addf %parallel_loop3A_538, %parallel_loop3A_539 : vector<16xf32>
              %parallel_loop3A_541 = arith.mulf %parallel_loop3A_524, %get3A_15 : vector<16xf32>
              %parallel_loop3A_542 = arith.mulf %parallel_loop3A_531, %get3A_17 : vector<16xf32>
              %parallel_loop3A_543 = arith.addf %parallel_loop3A_541, %parallel_loop3A_542 : vector<16xf32>
              %parallel_loop3A_544 = arith.addf %parallel_loop3A_534, %parallel_loop3A_537 : vector<16xf32>
              %parallel_loop3A_545 = arith.addf %parallel_loop3A_540, %parallel_loop3A_543 : vector<16xf32>
              %parallel_loop3A_546 = arith.addf %parallel_loop3A_544, %parallel_loop3A_545 : vector<16xf32>
              %parallel_loop3A_547 = arith.constant true
              %parallel_loop3A_548 = vector.broadcast %parallel_loop3A_547 : i1 to vector<16xi1>
              %parallel_loop3A_549 = tpu.scan <sum>, %parallel_loop3A_546 masked %parallel_loop3A_548 : vector<16xf32>, vector<16xi1> -> vector<16xf32>
              %parallel_loop3A_550 = vector.extract %parallel_loop3A_549[15] : f32 from vector<16xf32>
              %parallel_loop3A_551 = vector.broadcast %parallel_loop3A_550 : f32 to vector<16xf32>
              %parallel_loop3A_552 = math.exp %parallel_loop3A_551 : vector<16xf32>
              %parallel_loop3A_553 = arith.mulf %parallel_loop3A_482, %parallel_loop3A_552 : vector<16xf32>
              %parallel_loop3A_554 = arith.constant 0 : i32
              %parallel_loop3A_555 = arith.constant 0 : i32
              %parallel_loop3A_556 = tpu.memref_slice %arg6[%parallel_loop3A_458, %parallel_loop3A_554, %parallel_loop3A_555] : memref<2x64x144xf32, #tpu.memory_space<vmem>> -> memref<1x64x144xf32, #tpu.memory_space<vmem>>
              %parallel_loop3A_557 = tpu.memref_squeeze %parallel_loop3A_556 : memref<1x64x144xf32, #tpu.memory_space<vmem>> -> memref<64x144xf32, #tpu.memory_space<vmem>>
              %parallel_loop3A_558 = arith.index_cast %parallel_loop3A_475 : i32 to index
              %parallel_loop3A_559 = arith.constant 0 : index
              %parallel_loop3A_560 = tpu.vector_load %parallel_loop3A_557[%parallel_loop3A_558, %parallel_loop3A_559] {strides = array<i32>} : memref<64x144xf32, #tpu.memory_space<vmem>>, vector<16xf32>,
              tpu.vector_store %parallel_loop3A_557[%parallel_loop3A_558, %parallel_loop3A_559], %parallel_loop3A_553 {strides = array<i32>} : memref<64x144xf32, #tpu.memory_space<vmem>>, vector<16xf32>,
              %parallel_loop3A_561 = arith.mulf %parallel_loop3A_489, %parallel_loop3A_552 : vector<16xf32>
              %parallel_loop3A_562 = arith.constant 0 : i32
              %parallel_loop3A_563 = arith.constant 0 : i32
              %parallel_loop3A_564 = tpu.memref_slice %arg6[%parallel_loop3A_458, %parallel_loop3A_562, %parallel_loop3A_563] : memref<2x64x144xf32, #tpu.memory_space<vmem>> -> memref<1x64x144xf32, #tpu.memory_space<vmem>>
              %parallel_loop3A_565 = tpu.memref_squeeze %parallel_loop3A_564 : memref<1x64x144xf32, #tpu.memory_space<vmem>> -> memref<64x144xf32, #tpu.memory_space<vmem>>
              %parallel_loop3A_566 = arith.index_cast %parallel_loop3A_475 : i32 to index
              %parallel_loop3A_567 = arith.constant 16 : index
              %parallel_loop3A_568 = tpu.vector_load %parallel_loop3A_565[%parallel_loop3A_566, %parallel_loop3A_567] {strides = array<i32>} : memref<64x144xf32, #tpu.memory_space<vmem>>, vector<16xf32>,
              tpu.vector_store %parallel_loop3A_565[%parallel_loop3A_566, %parallel_loop3A_567], %parallel_loop3A_561 {strides = array<i32>} : memref<64x144xf32, #tpu.memory_space<vmem>>, vector<16xf32>,
              %parallel_loop3A_569 = arith.mulf %parallel_loop3A_496, %parallel_loop3A_552 : vector<16xf32>
              %parallel_loop3A_570 = arith.constant 0 : i32
              %parallel_loop3A_571 = arith.constant 0 : i32
              %parallel_loop3A_572 = tpu.memref_slice %arg6[%parallel_loop3A_458, %parallel_loop3A_570, %parallel_loop3A_571] : memref<2x64x144xf32, #tpu.memory_space<vmem>> -> memref<1x64x144xf32, #tpu.memory_space<vmem>>
              %parallel_loop3A_573 = tpu.memref_squeeze %parallel_loop3A_572 : memref<1x64x144xf32, #tpu.memory_space<vmem>> -> memref<64x144xf32, #tpu.memory_space<vmem>>
              %parallel_loop3A_574 = arith.index_cast %parallel_loop3A_475 : i32 to index
              %parallel_loop3A_575 = arith.constant 32 : index
              %parallel_loop3A_576 = tpu.vector_load %parallel_loop3A_573[%parallel_loop3A_574, %parallel_loop3A_575] {strides = array<i32>} : memref<64x144xf32, #tpu.memory_space<vmem>>, vector<16xf32>,
              tpu.vector_store %parallel_loop3A_573[%parallel_loop3A_574, %parallel_loop3A_575], %parallel_loop3A_569 {strides = array<i32>} : memref<64x144xf32, #tpu.memory_space<vmem>>, vector<16xf32>,
              %parallel_loop3A_577 = arith.mulf %parallel_loop3A_503, %parallel_loop3A_552 : vector<16xf32>
              %parallel_loop3A_578 = arith.constant 0 : i32
              %parallel_loop3A_579 = arith.constant 0 : i32
              %parallel_loop3A_580 = tpu.memref_slice %arg6[%parallel_loop3A_458, %parallel_loop3A_578, %parallel_loop3A_579] : memref<2x64x144xf32, #tpu.memory_space<vmem>> -> memref<1x64x144xf32, #tpu.memory_space<vmem>>
              %parallel_loop3A_581 = tpu.memref_squeeze %parallel_loop3A_580 : memref<1x64x144xf32, #tpu.memory_space<vmem>> -> memref<64x144xf32, #tpu.memory_space<vmem>>
              %parallel_loop3A_582 = arith.index_cast %parallel_loop3A_475 : i32 to index
              %parallel_loop3A_583 = arith.constant 48 : index
              %parallel_loop3A_584 = tpu.vector_load %parallel_loop3A_581[%parallel_loop3A_582, %parallel_loop3A_583] {strides = array<i32>} : memref<64x144xf32, #tpu.memory_space<vmem>>, vector<16xf32>,
              tpu.vector_store %parallel_loop3A_581[%parallel_loop3A_582, %parallel_loop3A_583], %parallel_loop3A_577 {strides = array<i32>} : memref<64x144xf32, #tpu.memory_space<vmem>>, vector<16xf32>,
              %parallel_loop3A_585 = arith.mulf %parallel_loop3A_510, %parallel_loop3A_552 : vector<16xf32>
              %parallel_loop3A_586 = arith.constant 0 : i32
              %parallel_loop3A_587 = arith.constant 0 : i32
              %parallel_loop3A_588 = tpu.memref_slice %arg6[%parallel_loop3A_458, %parallel_loop3A_586, %parallel_loop3A_587] : memref<2x64x144xf32, #tpu.memory_space<vmem>> -> memref<1x64x144xf32, #tpu.memory_space<vmem>>
              %parallel_loop3A_589 = tpu.memref_squeeze %parallel_loop3A_588 : memref<1x64x144xf32, #tpu.memory_space<vmem>> -> memref<64x144xf32, #tpu.memory_space<vmem>>
              %parallel_loop3A_590 = arith.index_cast %parallel_loop3A_475 : i32 to index
              %parallel_loop3A_591 = arith.constant 64 : index
              %parallel_loop3A_592 = tpu.vector_load %parallel_loop3A_589[%parallel_loop3A_590, %parallel_loop3A_591] {strides = array<i32>} : memref<64x144xf32, #tpu.memory_space<vmem>>, vector<16xf32>,
              tpu.vector_store %parallel_loop3A_589[%parallel_loop3A_590, %parallel_loop3A_591], %parallel_loop3A_585 {strides = array<i32>} : memref<64x144xf32, #tpu.memory_space<vmem>>, vector<16xf32>,
              %parallel_loop3A_593 = arith.mulf %parallel_loop3A_517, %parallel_loop3A_552 : vector<16xf32>
              %parallel_loop3A_594 = arith.constant 0 : i32
              %parallel_loop3A_595 = arith.constant 0 : i32
              %parallel_loop3A_596 = tpu.memref_slice %arg6[%parallel_loop3A_458, %parallel_loop3A_594, %parallel_loop3A_595] : memref<2x64x144xf32, #tpu.memory_space<vmem>> -> memref<1x64x144xf32, #tpu.memory_space<vmem>>
              %parallel_loop3A_597 = tpu.memref_squeeze %parallel_loop3A_596 : memref<1x64x144xf32, #tpu.memory_space<vmem>> -> memref<64x144xf32, #tpu.memory_space<vmem>>
              %parallel_loop3A_598 = arith.index_cast %parallel_loop3A_475 : i32 to index
              %parallel_loop3A_599 = arith.constant 80 : index
              %parallel_loop3A_600 = tpu.vector_load %parallel_loop3A_597[%parallel_loop3A_598, %parallel_loop3A_599] {strides = array<i32>} : memref<64x144xf32, #tpu.memory_space<vmem>>, vector<16xf32>,
              tpu.vector_store %parallel_loop3A_597[%parallel_loop3A_598, %parallel_loop3A_599], %parallel_loop3A_593 {strides = array<i32>} : memref<64x144xf32, #tpu.memory_space<vmem>>, vector<16xf32>,
              %parallel_loop3A_601 = arith.mulf %parallel_loop3A_524, %parallel_loop3A_552 : vector<16xf32>
              %parallel_loop3A_602 = arith.constant 0 : i32
              %parallel_loop3A_603 = arith.constant 0 : i32
              %parallel_loop3A_604 = tpu.memref_slice %arg6[%parallel_loop3A_458, %parallel_loop3A_602, %parallel_loop3A_603] : memref<2x64x144xf32, #tpu.memory_space<vmem>> -> memref<1x64x144xf32, #tpu.memory_space<vmem>>
              %parallel_loop3A_605 = tpu.memref_squeeze %parallel_loop3A_604 : memref<1x64x144xf32, #tpu.memory_space<vmem>> -> memref<64x144xf32, #tpu.memory_space<vmem>>
              %parallel_loop3A_606 = arith.index_cast %parallel_loop3A_475 : i32 to index
              %parallel_loop3A_607 = arith.constant 96 : index
              %parallel_loop3A_608 = tpu.vector_load %parallel_loop3A_605[%parallel_loop3A_606, %parallel_loop3A_607] {strides = array<i32>} : memref<64x144xf32, #tpu.memory_space<vmem>>, vector<16xf32>,
              tpu.vector_store %parallel_loop3A_605[%parallel_loop3A_606, %parallel_loop3A_607], %parallel_loop3A_601 {strides = array<i32>} : memref<64x144xf32, #tpu.memory_space<vmem>>, vector<16xf32>,
              %parallel_loop3A_609 = arith.mulf %parallel_loop3A_531, %parallel_loop3A_552 : vector<16xf32>
              %parallel_loop3A_610 = arith.constant 0 : i32
              %parallel_loop3A_611 = arith.constant 0 : i32
              %parallel_loop3A_612 = tpu.memref_slice %arg6[%parallel_loop3A_458, %parallel_loop3A_610, %parallel_loop3A_611] : memref<2x64x144xf32, #tpu.memory_space<vmem>> -> memref<1x64x144xf32, #tpu.memory_space<vmem>>
              %parallel_loop3A_613 = tpu.memref_squeeze %parallel_loop3A_612 : memref<1x64x144xf32, #tpu.memory_space<vmem>> -> memref<64x144xf32, #tpu.memory_space<vmem>>
              %parallel_loop3A_614 = arith.index_cast %parallel_loop3A_475 : i32 to index
              %parallel_loop3A_615 = arith.constant 112 : index
              %parallel_loop3A_616 = tpu.vector_load %parallel_loop3A_613[%parallel_loop3A_614, %parallel_loop3A_615] {strides = array<i32>} : memref<64x144xf32, #tpu.memory_space<vmem>>, vector<16xf32>,
              tpu.vector_store %parallel_loop3A_613[%parallel_loop3A_614, %parallel_loop3A_615], %parallel_loop3A_609 {strides = array<i32>} : memref<64x144xf32, #tpu.memory_space<vmem>>, vector<16xf32>,
              %parallel_loop3A_617 = arith.mulf %parallel_loop3A_552, %convert_element_type3A_2 : vector<16xf32>
              %parallel_loop3A_618 = arith.constant 0 : i32
              %parallel_loop3A_619 = arith.constant 0 : i32
              %parallel_loop3A_620 = tpu.memref_slice %arg6[%parallel_loop3A_458, %parallel_loop3A_618, %parallel_loop3A_619] : memref<2x64x144xf32, #tpu.memory_space<vmem>> -> memref<1x64x144xf32, #tpu.memory_space<vmem>>
              %parallel_loop3A_621 = tpu.memref_squeeze %parallel_loop3A_620 : memref<1x64x144xf32, #tpu.memory_space<vmem>> -> memref<64x144xf32, #tpu.memory_space<vmem>>
              %parallel_loop3A_622 = arith.index_cast %parallel_loop3A_475 : i32 to index
              %parallel_loop3A_623 = arith.constant 128 : index
              %parallel_loop3A_624 = tpu.vector_load %parallel_loop3A_621[%parallel_loop3A_622, %parallel_loop3A_623] {strides = array<i32>} : memref<64x144xf32, #tpu.memory_space<vmem>>, vector<16xf32>,
              tpu.vector_store %parallel_loop3A_621[%parallel_loop3A_622, %parallel_loop3A_623], %parallel_loop3A_617 {strides = array<i32>} : memref<64x144xf32, #tpu.memory_space<vmem>>, vector<16xf32>,
            } {sc.loop_unroll_factor = 16 : i64, sc.parallel_access}
            %dma_start3A_459 = arith.constant 0 : i32
            %dma_start3A_460 = arith.constant 0 : i32
            %dma_start3A_461 = arith.constant 0 : i32
            %dma_start3A_462 = arith.constant 0 : i32
            %dma_start3A_463 = tpu.memref_slice %arg6[%dma_start3A_459, %dma_start3A_461, %dma_start3A_462] : memref<2x64x144xf32, #tpu.memory_space<vmem>> -> memref<1x64x144xf32, #tpu.memory_space<vmem>>
            %dma_start3A_464 = tpu.memref_squeeze %dma_start3A_463 : memref<1x64x144xf32, #tpu.memory_space<vmem>> -> memref<64x144xf32, #tpu.memory_space<vmem>>
            %dma_start3A_465 = arith.constant 0 : i32
            %dma_start3A_466 = arith.constant 0 : i32
            %dma_start3A_467 = tpu.memref_slice %run_scoped3A_78[%rem3A_326, %dma_start3A_465, %dma_start3A_466] : memref<2x1x64xi32, #tpu.memory_space<vmem>> -> memref<1x1x64xi32, #tpu.memory_space<vmem>>
            %dma_start3A_468 = tpu.memref_squeeze %dma_start3A_467 : memref<1x1x64xi32, #tpu.memory_space<vmem>> -> memref<1x64xi32, #tpu.memory_space<vmem>>
            %dma_start3A_469 = arith.constant 0 : i32
            %dma_start3A_470 = tpu.memref_slice %dma_start3A_468[%dma_start3A_460, %dma_start3A_469] : memref<1x64xi32, #tpu.memory_space<vmem>> -> memref<1x64xi32, #tpu.memory_space<vmem>>
            %dma_start3A_471 = tpu.memref_squeeze %dma_start3A_470 : memref<1x64xi32, #tpu.memory_space<vmem>> -> memref<64xi32, #tpu.memory_space<vmem>>
            %dma_start3A_472 = arith.constant 0 : i32
            %dma_start3A_473 = arith.constant 0 : i32
            %dma_start3A_474 = tpu.memref_slice %arg9[%dma_start3A_472, %dma_start3A_473] : memref<10240x144xf32, #tpu.memory_space<vmem_shared>> -> memref<10240x144xf32, #tpu.memory_space<vmem_shared>>
            tpu.enqueue_indirect_dma source(%dma_start3A_464 : memref<64x144xf32, #tpu.memory_space<vmem>>) target(%dma_start3A_474 : memref<10240x144xf32, #tpu.memory_space<vmem_shared>>) offsets(%dma_start3A_471 : memref<64xi32, #tpu.memory_space<vmem>>) semaphore(%arg11 : memref<!tpu.dma_semaphore, #tpu.memory_space<semaphore_mem>>) {add = true}
          } else {
          }
          %jit3A_351 = arith.constant 2 : i32
          %eq3A_352 = arith.constant 0 : i32
          %eq3A_353 = arith.cmpi eq, %jit3A_351, %eq3A_352 : i32
          %jit3A_354 = arith.constant 1 : i32
          %select_n3A_355 = arith.select %eq3A_353, %jit3A_354, %jit3A_351 : i32
          %rem3A_356 = arith.remsi %get3A_329, %select_n3A_355 : i32
          %ne3A_357 = arith.constant 0 : i32
          %ne3A_358 = arith.cmpi ne, %rem3A_356, %ne3A_357 : i32
          %lt3A_359 = arith.constant 0 : i32
          %lt3A_360 = arith.cmpi slt, %rem3A_356, %lt3A_359 : i32
          %lt3A_361 = arith.constant 0 : i32
          %lt3A_362 = arith.cmpi slt, %select_n3A_355, %lt3A_361 : i32
          %ne3A_363 = arith.xori %lt3A_360, %lt3A_362 : i1
          %and3A_364 = arith.andi %ne3A_363, %ne3A_358 : i1
          %add3A_365 = arith.addi %rem3A_356, %select_n3A_355 : i32
          %select_n3A_366 = arith.select %and3A_364, %add3A_365, %rem3A_356 : i32
          %eq3A_367 = arith.constant 1 : i32
          %eq3A_368 = arith.cmpi eq, %select_n3A_366, %eq3A_367 : i32
          %convert_element_type3A_369 = arith.extui %eq3A_368 : i1 to i32
          %cond3A_370 = arith.constant 0 : i32
          %cond3A_371 = arith.cmpi ne, %convert_element_type3A_369, %cond3A_370 : i32
          scf.if %cond3A_371 {
            %ge3A_450 = arith.constant 2 : i32
            %ge3A_451 = arith.cmpi sge, %get3A_329, %ge3A_450 : i32
            %convert_element_type3A_452 = arith.extui %ge3A_451 : i1 to i32
            %cond3A_453 = arith.constant 1 : i32
            %cond3A_454 = arith.constant 0 : i32
            %cond3A_455 = arith.cmpi ne, %convert_element_type3A_452, %cond3A_454 : i32
            scf.if %cond3A_455 {
              %dma_wait3A_475 = arith.constant 0 : i32
              %dma_wait3A_476 = arith.constant 0 : i32
              %dma_wait3A_477 = arith.constant 0 : i32
              %dma_wait3A_478 = tpu.memref_slice %arg6[%cond3A_453, %dma_wait3A_476, %dma_wait3A_477] : memref<2x64x144xf32, #tpu.memory_space<vmem>> -> memref<1x64x144xf32, #tpu.memory_space<vmem>>
              %dma_wait3A_479 = tpu.memref_squeeze %dma_wait3A_478 : memref<1x64x144xf32, #tpu.memory_space<vmem>> -> memref<64x144xf32, #tpu.memory_space<vmem>>
              %dma_wait3A_480 = arith.constant 0 : i32
              %dma_wait3A_481 = tpu.memref_slice %arg7[%dma_wait3A_475, %dma_wait3A_480] : memref<1x64xi32, #tpu.memory_space<vmem>> -> memref<1x64xi32, #tpu.memory_space<vmem>>
              %dma_wait3A_482 = tpu.memref_squeeze %dma_wait3A_481 : memref<1x64xi32, #tpu.memory_space<vmem>> -> memref<64xi32, #tpu.memory_space<vmem>>
              %dma_wait3A_483 = arith.constant 0 : i32
              %dma_wait3A_484 = arith.constant 0 : i32
              %dma_wait3A_485 = tpu.memref_slice %arg9[%dma_wait3A_483, %dma_wait3A_484] : memref<10240x144xf32, #tpu.memory_space<vmem_shared>> -> memref<10240x144xf32, #tpu.memory_space<vmem_shared>>
              tpu.wait_indirect_dma semaphore(%arg12 : memref<!tpu.dma_semaphore, #tpu.memory_space<semaphore_mem>>) src(%dma_wait3A_479 : memref<64x144xf32, #tpu.memory_space<vmem>>) dst(%dma_wait3A_485 : memref<10240x144xf32, #tpu.memory_space<vmem_shared>>)
            } else {
            }
            %parallel_loop3A = arith.constant 0 : i32
            %parallel_loop3A_456 = arith.constant 64 : i32
            %parallel_loop3A_457 = arith.constant 1 : i32
            %parallel_loop3A_458 = arith.constant 1 : i32
            scf.for %parallel_loop3A_475 = %parallel_loop3A to %parallel_loop3A_456 step %parallel_loop3A_457  : i32 {
              %parallel_loop3A_476 = arith.constant 0 : i32
              %parallel_loop3A_477 = arith.constant 0 : i32
              %parallel_loop3A_478 = tpu.memref_slice %run_scoped3A[%rem3A_324, %parallel_loop3A_476, %parallel_loop3A_477] : memref<2x64x128xf32, #tpu.memory_space<vmem>> -> memref<1x64x128xf32, #tpu.memory_space<vmem>>
              %parallel_loop3A_479 = tpu.memref_squeeze %parallel_loop3A_478 : memref<1x64x128xf32, #tpu.memory_space<vmem>> -> memref<64x128xf32, #tpu.memory_space<vmem>>
              %parallel_loop3A_480 = arith.index_cast %parallel_loop3A_475 : i32 to index
              %parallel_loop3A_481 = arith.constant 0 : index
              %parallel_loop3A_482 = tpu.vector_load %parallel_loop3A_479[%parallel_loop3A_480, %parallel_loop3A_481] {strides = array<i32>} : memref<64x128xf32, #tpu.memory_space<vmem>>, vector<16xf32>,
              %parallel_loop3A_483 = arith.constant 0 : i32
              %parallel_loop3A_484 = arith.constant 0 : i32
              %parallel_loop3A_485 = tpu.memref_slice %run_scoped3A[%rem3A_324, %parallel_loop3A_483, %parallel_loop3A_484] : memref<2x64x128xf32, #tpu.memory_space<vmem>> -> memref<1x64x128xf32, #tpu.memory_space<vmem>>
              %parallel_loop3A_486 = tpu.memref_squeeze %parallel_loop3A_485 : memref<1x64x128xf32, #tpu.memory_space<vmem>> -> memref<64x128xf32, #tpu.memory_space<vmem>>
              %parallel_loop3A_487 = arith.index_cast %parallel_loop3A_475 : i32 to index
              %parallel_loop3A_488 = arith.constant 16 : index
              %parallel_loop3A_489 = tpu.vector_load %parallel_loop3A_486[%parallel_loop3A_487, %parallel_loop3A_488] {strides = array<i32>} : memref<64x128xf32, #tpu.memory_space<vmem>>, vector<16xf32>,
              %parallel_loop3A_490 = arith.constant 0 : i32
              %parallel_loop3A_491 = arith.constant 0 : i32
              %parallel_loop3A_492 = tpu.memref_slice %run_scoped3A[%rem3A_324, %parallel_loop3A_490, %parallel_loop3A_491] : memref<2x64x128xf32, #tpu.memory_space<vmem>> -> memref<1x64x128xf32, #tpu.memory_space<vmem>>
              %parallel_loop3A_493 = tpu.memref_squeeze %parallel_loop3A_492 : memref<1x64x128xf32, #tpu.memory_space<vmem>> -> memref<64x128xf32, #tpu.memory_space<vmem>>
              %parallel_loop3A_494 = arith.index_cast %parallel_loop3A_475 : i32 to index
              %parallel_loop3A_495 = arith.constant 32 : index
              %parallel_loop3A_496 = tpu.vector_load %parallel_loop3A_493[%parallel_loop3A_494, %parallel_loop3A_495] {strides = array<i32>} : memref<64x128xf32, #tpu.memory_space<vmem>>, vector<16xf32>,
              %parallel_loop3A_497 = arith.constant 0 : i32
              %parallel_loop3A_498 = arith.constant 0 : i32
              %parallel_loop3A_499 = tpu.memref_slice %run_scoped3A[%rem3A_324, %parallel_loop3A_497, %parallel_loop3A_498] : memref<2x64x128xf32, #tpu.memory_space<vmem>> -> memref<1x64x128xf32, #tpu.memory_space<vmem>>
              %parallel_loop3A_500 = tpu.memref_squeeze %parallel_loop3A_499 : memref<1x64x128xf32, #tpu.memory_space<vmem>> -> memref<64x128xf32, #tpu.memory_space<vmem>>
              %parallel_loop3A_501 = arith.index_cast %parallel_loop3A_475 : i32 to index
              %parallel_loop3A_502 = arith.constant 48 : index
              %parallel_loop3A_503 = tpu.vector_load %parallel_loop3A_500[%parallel_loop3A_501, %parallel_loop3A_502] {strides = array<i32>} : memref<64x128xf32, #tpu.memory_space<vmem>>, vector<16xf32>,
              %parallel_loop3A_504 = arith.constant 0 : i32
              %parallel_loop3A_505 = arith.constant 0 : i32
              %parallel_loop3A_506 = tpu.memref_slice %run_scoped3A[%rem3A_324, %parallel_loop3A_504, %parallel_loop3A_505] : memref<2x64x128xf32, #tpu.memory_space<vmem>> -> memref<1x64x128xf32, #tpu.memory_space<vmem>>
              %parallel_loop3A_507 = tpu.memref_squeeze %parallel_loop3A_506 : memref<1x64x128xf32, #tpu.memory_space<vmem>> -> memref<64x128xf32, #tpu.memory_space<vmem>>
              %parallel_loop3A_508 = arith.index_cast %parallel_loop3A_475 : i32 to index
              %parallel_loop3A_509 = arith.constant 64 : index
              %parallel_loop3A_510 = tpu.vector_load %parallel_loop3A_507[%parallel_loop3A_508, %parallel_loop3A_509] {strides = array<i32>} : memref<64x128xf32, #tpu.memory_space<vmem>>, vector<16xf32>,
              %parallel_loop3A_511 = arith.constant 0 : i32
              %parallel_loop3A_512 = arith.constant 0 : i32
              %parallel_loop3A_513 = tpu.memref_slice %run_scoped3A[%rem3A_324, %parallel_loop3A_511, %parallel_loop3A_512] : memref<2x64x128xf32, #tpu.memory_space<vmem>> -> memref<1x64x128xf32, #tpu.memory_space<vmem>>
              %parallel_loop3A_514 = tpu.memref_squeeze %parallel_loop3A_513 : memref<1x64x128xf32, #tpu.memory_space<vmem>> -> memref<64x128xf32, #tpu.memory_space<vmem>>
              %parallel_loop3A_515 = arith.index_cast %parallel_loop3A_475 : i32 to index
              %parallel_loop3A_516 = arith.constant 80 : index
              %parallel_loop3A_517 = tpu.vector_load %parallel_loop3A_514[%parallel_loop3A_515, %parallel_loop3A_516] {strides = array<i32>} : memref<64x128xf32, #tpu.memory_space<vmem>>, vector<16xf32>,
              %parallel_loop3A_518 = arith.constant 0 : i32
              %parallel_loop3A_519 = arith.constant 0 : i32
              %parallel_loop3A_520 = tpu.memref_slice %run_scoped3A[%rem3A_324, %parallel_loop3A_518, %parallel_loop3A_519] : memref<2x64x128xf32, #tpu.memory_space<vmem>> -> memref<1x64x128xf32, #tpu.memory_space<vmem>>
              %parallel_loop3A_521 = tpu.memref_squeeze %parallel_loop3A_520 : memref<1x64x128xf32, #tpu.memory_space<vmem>> -> memref<64x128xf32, #tpu.memory_space<vmem>>
              %parallel_loop3A_522 = arith.index_cast %parallel_loop3A_475 : i32 to index
              %parallel_loop3A_523 = arith.constant 96 : index
              %parallel_loop3A_524 = tpu.vector_load %parallel_loop3A_521[%parallel_loop3A_522, %parallel_loop3A_523] {strides = array<i32>} : memref<64x128xf32, #tpu.memory_space<vmem>>, vector<16xf32>,
              %parallel_loop3A_525 = arith.constant 0 : i32
              %parallel_loop3A_526 = arith.constant 0 : i32
              %parallel_loop3A_527 = tpu.memref_slice %run_scoped3A[%rem3A_324, %parallel_loop3A_525, %parallel_loop3A_526] : memref<2x64x128xf32, #tpu.memory_space<vmem>> -> memref<1x64x128xf32, #tpu.memory_space<vmem>>
              %parallel_loop3A_528 = tpu.memref_squeeze %parallel_loop3A_527 : memref<1x64x128xf32, #tpu.memory_space<vmem>> -> memref<64x128xf32, #tpu.memory_space<vmem>>
              %parallel_loop3A_529 = arith.index_cast %parallel_loop3A_475 : i32 to index
              %parallel_loop3A_530 = arith.constant 112 : index
              %parallel_loop3A_531 = tpu.vector_load %parallel_loop3A_528[%parallel_loop3A_529, %parallel_loop3A_530] {strides = array<i32>} : memref<64x128xf32, #tpu.memory_space<vmem>>, vector<16xf32>,
              %parallel_loop3A_532 = arith.mulf %parallel_loop3A_482, %get3A_3 : vector<16xf32>
              %parallel_loop3A_533 = arith.mulf %parallel_loop3A_489, %get3A_5 : vector<16xf32>
              %parallel_loop3A_534 = arith.addf %parallel_loop3A_532, %parallel_loop3A_533 : vector<16xf32>
              %parallel_loop3A_535 = arith.mulf %parallel_loop3A_496, %get3A_7 : vector<16xf32>
              %parallel_loop3A_536 = arith.mulf %parallel_loop3A_503, %get3A_9 : vector<16xf32>
              %parallel_loop3A_537 = arith.addf %parallel_loop3A_535, %parallel_loop3A_536 : vector<16xf32>
              %parallel_loop3A_538 = arith.mulf %parallel_loop3A_510, %get3A_11 : vector<16xf32>
              %parallel_loop3A_539 = arith.mulf %parallel_loop3A_517, %get3A_13 : vector<16xf32>
              %parallel_loop3A_540 = arith.addf %parallel_loop3A_538, %parallel_loop3A_539 : vector<16xf32>
              %parallel_loop3A_541 = arith.mulf %parallel_loop3A_524, %get3A_15 : vector<16xf32>
              %parallel_loop3A_542 = arith.mulf %parallel_loop3A_531, %get3A_17 : vector<16xf32>
              %parallel_loop3A_543 = arith.addf %parallel_loop3A_541, %parallel_loop3A_542 : vector<16xf32>
              %parallel_loop3A_544 = arith.addf %parallel_loop3A_534, %parallel_loop3A_537 : vector<16xf32>
              %parallel_loop3A_545 = arith.addf %parallel_loop3A_540, %parallel_loop3A_543 : vector<16xf32>
              %parallel_loop3A_546 = arith.addf %parallel_loop3A_544, %parallel_loop3A_545 : vector<16xf32>
              %parallel_loop3A_547 = arith.constant true
              %parallel_loop3A_548 = vector.broadcast %parallel_loop3A_547 : i1 to vector<16xi1>
              %parallel_loop3A_549 = tpu.scan <sum>, %parallel_loop3A_546 masked %parallel_loop3A_548 : vector<16xf32>, vector<16xi1> -> vector<16xf32>
              %parallel_loop3A_550 = vector.extract %parallel_loop3A_549[15] : f32 from vector<16xf32>
              %parallel_loop3A_551 = vector.broadcast %parallel_loop3A_550 : f32 to vector<16xf32>
              %parallel_loop3A_552 = math.exp %parallel_loop3A_551 : vector<16xf32>
              %parallel_loop3A_553 = arith.mulf %parallel_loop3A_482, %parallel_loop3A_552 : vector<16xf32>
              %parallel_loop3A_554 = arith.constant 0 : i32
              %parallel_loop3A_555 = arith.constant 0 : i32
              %parallel_loop3A_556 = tpu.memref_slice %arg6[%parallel_loop3A_458, %parallel_loop3A_554, %parallel_loop3A_555] : memref<2x64x144xf32, #tpu.memory_space<vmem>> -> memref<1x64x144xf32, #tpu.memory_space<vmem>>
              %parallel_loop3A_557 = tpu.memref_squeeze %parallel_loop3A_556 : memref<1x64x144xf32, #tpu.memory_space<vmem>> -> memref<64x144xf32, #tpu.memory_space<vmem>>
              %parallel_loop3A_558 = arith.index_cast %parallel_loop3A_475 : i32 to index
              %parallel_loop3A_559 = arith.constant 0 : index
              %parallel_loop3A_560 = tpu.vector_load %parallel_loop3A_557[%parallel_loop3A_558, %parallel_loop3A_559] {strides = array<i32>} : memref<64x144xf32, #tpu.memory_space<vmem>>, vector<16xf32>,
              tpu.vector_store %parallel_loop3A_557[%parallel_loop3A_558, %parallel_loop3A_559], %parallel_loop3A_553 {strides = array<i32>} : memref<64x144xf32, #tpu.memory_space<vmem>>, vector<16xf32>,
              %parallel_loop3A_561 = arith.mulf %parallel_loop3A_489, %parallel_loop3A_552 : vector<16xf32>
              %parallel_loop3A_562 = arith.constant 0 : i32
              %parallel_loop3A_563 = arith.constant 0 : i32
              %parallel_loop3A_564 = tpu.memref_slice %arg6[%parallel_loop3A_458, %parallel_loop3A_562, %parallel_loop3A_563] : memref<2x64x144xf32, #tpu.memory_space<vmem>> -> memref<1x64x144xf32, #tpu.memory_space<vmem>>
              %parallel_loop3A_565 = tpu.memref_squeeze %parallel_loop3A_564 : memref<1x64x144xf32, #tpu.memory_space<vmem>> -> memref<64x144xf32, #tpu.memory_space<vmem>>
              %parallel_loop3A_566 = arith.index_cast %parallel_loop3A_475 : i32 to index
              %parallel_loop3A_567 = arith.constant 16 : index
              %parallel_loop3A_568 = tpu.vector_load %parallel_loop3A_565[%parallel_loop3A_566, %parallel_loop3A_567] {strides = array<i32>} : memref<64x144xf32, #tpu.memory_space<vmem>>, vector<16xf32>,
              tpu.vector_store %parallel_loop3A_565[%parallel_loop3A_566, %parallel_loop3A_567], %parallel_loop3A_561 {strides = array<i32>} : memref<64x144xf32, #tpu.memory_space<vmem>>, vector<16xf32>,
              %parallel_loop3A_569 = arith.mulf %parallel_loop3A_496, %parallel_loop3A_552 : vector<16xf32>
              %parallel_loop3A_570 = arith.constant 0 : i32
              %parallel_loop3A_571 = arith.constant 0 : i32
              %parallel_loop3A_572 = tpu.memref_slice %arg6[%parallel_loop3A_458, %parallel_loop3A_570, %parallel_loop3A_571] : memref<2x64x144xf32, #tpu.memory_space<vmem>> -> memref<1x64x144xf32, #tpu.memory_space<vmem>>
              %parallel_loop3A_573 = tpu.memref_squeeze %parallel_loop3A_572 : memref<1x64x144xf32, #tpu.memory_space<vmem>> -> memref<64x144xf32, #tpu.memory_space<vmem>>
              %parallel_loop3A_574 = arith.index_cast %parallel_loop3A_475 : i32 to index
              %parallel_loop3A_575 = arith.constant 32 : index
              %parallel_loop3A_576 = tpu.vector_load %parallel_loop3A_573[%parallel_loop3A_574, %parallel_loop3A_575] {strides = array<i32>} : memref<64x144xf32, #tpu.memory_space<vmem>>, vector<16xf32>,
              tpu.vector_store %parallel_loop3A_573[%parallel_loop3A_574, %parallel_loop3A_575], %parallel_loop3A_569 {strides = array<i32>} : memref<64x144xf32, #tpu.memory_space<vmem>>, vector<16xf32>,
              %parallel_loop3A_577 = arith.mulf %parallel_loop3A_503, %parallel_loop3A_552 : vector<16xf32>
              %parallel_loop3A_578 = arith.constant 0 : i32
              %parallel_loop3A_579 = arith.constant 0 : i32
              %parallel_loop3A_580 = tpu.memref_slice %arg6[%parallel_loop3A_458, %parallel_loop3A_578, %parallel_loop3A_579] : memref<2x64x144xf32, #tpu.memory_space<vmem>> -> memref<1x64x144xf32, #tpu.memory_space<vmem>>
              %parallel_loop3A_581 = tpu.memref_squeeze %parallel_loop3A_580 : memref<1x64x144xf32, #tpu.memory_space<vmem>> -> memref<64x144xf32, #tpu.memory_space<vmem>>
              %parallel_loop3A_582 = arith.index_cast %parallel_loop3A_475 : i32 to index
              %parallel_loop3A_583 = arith.constant 48 : index
              %parallel_loop3A_584 = tpu.vector_load %parallel_loop3A_581[%parallel_loop3A_582, %parallel_loop3A_583] {strides = array<i32>} : memref<64x144xf32, #tpu.memory_space<vmem>>, vector<16xf32>,
              tpu.vector_store %parallel_loop3A_581[%parallel_loop3A_582, %parallel_loop3A_583], %parallel_loop3A_577 {strides = array<i32>} : memref<64x144xf32, #tpu.memory_space<vmem>>, vector<16xf32>,
              %parallel_loop3A_585 = arith.mulf %parallel_loop3A_510, %parallel_loop3A_552 : vector<16xf32>
              %parallel_loop3A_586 = arith.constant 0 : i32
              %parallel_loop3A_587 = arith.constant 0 : i32
              %parallel_loop3A_588 = tpu.memref_slice %arg6[%parallel_loop3A_458, %parallel_loop3A_586, %parallel_loop3A_587] : memref<2x64x144xf32, #tpu.memory_space<vmem>> -> memref<1x64x144xf32, #tpu.memory_space<vmem>>
              %parallel_loop3A_589 = tpu.memref_squeeze %parallel_loop3A_588 : memref<1x64x144xf32, #tpu.memory_space<vmem>> -> memref<64x144xf32, #tpu.memory_space<vmem>>
              %parallel_loop3A_590 = arith.index_cast %parallel_loop3A_475 : i32 to index
              %parallel_loop3A_591 = arith.constant 64 : index
              %parallel_loop3A_592 = tpu.vector_load %parallel_loop3A_589[%parallel_loop3A_590, %parallel_loop3A_591] {strides = array<i32>} : memref<64x144xf32, #tpu.memory_space<vmem>>, vector<16xf32>,
              tpu.vector_store %parallel_loop3A_589[%parallel_loop3A_590, %parallel_loop3A_591], %parallel_loop3A_585 {strides = array<i32>} : memref<64x144xf32, #tpu.memory_space<vmem>>, vector<16xf32>,
              %parallel_loop3A_593 = arith.mulf %parallel_loop3A_517, %parallel_loop3A_552 : vector<16xf32>
              %parallel_loop3A_594 = arith.constant 0 : i32
              %parallel_loop3A_595 = arith.constant 0 : i32
              %parallel_loop3A_596 = tpu.memref_slice %arg6[%parallel_loop3A_458, %parallel_loop3A_594, %parallel_loop3A_595] : memref<2x64x144xf32, #tpu.memory_space<vmem>> -> memref<1x64x144xf32, #tpu.memory_space<vmem>>
              %parallel_loop3A_597 = tpu.memref_squeeze %parallel_loop3A_596 : memref<1x64x144xf32, #tpu.memory_space<vmem>> -> memref<64x144xf32, #tpu.memory_space<vmem>>
              %parallel_loop3A_598 = arith.index_cast %parallel_loop3A_475 : i32 to index
              %parallel_loop3A_599 = arith.constant 80 : index
              %parallel_loop3A_600 = tpu.vector_load %parallel_loop3A_597[%parallel_loop3A_598, %parallel_loop3A_599] {strides = array<i32>} : memref<64x144xf32, #tpu.memory_space<vmem>>, vector<16xf32>,
              tpu.vector_store %parallel_loop3A_597[%parallel_loop3A_598, %parallel_loop3A_599], %parallel_loop3A_593 {strides = array<i32>} : memref<64x144xf32, #tpu.memory_space<vmem>>, vector<16xf32>,
              %parallel_loop3A_601 = arith.mulf %parallel_loop3A_524, %parallel_loop3A_552 : vector<16xf32>
              %parallel_loop3A_602 = arith.constant 0 : i32
              %parallel_loop3A_603 = arith.constant 0 : i32
              %parallel_loop3A_604 = tpu.memref_slice %arg6[%parallel_loop3A_458, %parallel_loop3A_602, %parallel_loop3A_603] : memref<2x64x144xf32, #tpu.memory_space<vmem>> -> memref<1x64x144xf32, #tpu.memory_space<vmem>>
              %parallel_loop3A_605 = tpu.memref_squeeze %parallel_loop3A_604 : memref<1x64x144xf32, #tpu.memory_space<vmem>> -> memref<64x144xf32, #tpu.memory_space<vmem>>
              %parallel_loop3A_606 = arith.index_cast %parallel_loop3A_475 : i32 to index
              %parallel_loop3A_607 = arith.constant 96 : index
              %parallel_loop3A_608 = tpu.vector_load %parallel_loop3A_605[%parallel_loop3A_606, %parallel_loop3A_607] {strides = array<i32>} : memref<64x144xf32, #tpu.memory_space<vmem>>, vector<16xf32>,
              tpu.vector_store %parallel_loop3A_605[%parallel_loop3A_606, %parallel_loop3A_607], %parallel_loop3A_601 {strides = array<i32>} : memref<64x144xf32, #tpu.memory_space<vmem>>, vector<16xf32>,
              %parallel_loop3A_609 = arith.mulf %parallel_loop3A_531, %parallel_loop3A_552 : vector<16xf32>
              %parallel_loop3A_610 = arith.constant 0 : i32
              %parallel_loop3A_611 = arith.constant 0 : i32
              %parallel_loop3A_612 = tpu.memref_slice %arg6[%parallel_loop3A_458, %parallel_loop3A_610, %parallel_loop3A_611] : memref<2x64x144xf32, #tpu.memory_space<vmem>> -> memref<1x64x144xf32, #tpu.memory_space<vmem>>
              %parallel_loop3A_613 = tpu.memref_squeeze %parallel_loop3A_612 : memref<1x64x144xf32, #tpu.memory_space<vmem>> -> memref<64x144xf32, #tpu.memory_space<vmem>>
              %parallel_loop3A_614 = arith.index_cast %parallel_loop3A_475 : i32 to index
              %parallel_loop3A_615 = arith.constant 112 : index
              %parallel_loop3A_616 = tpu.vector_load %parallel_loop3A_613[%parallel_loop3A_614, %parallel_loop3A_615] {strides = array<i32>} : memref<64x144xf32, #tpu.memory_space<vmem>>, vector<16xf32>,
              tpu.vector_store %parallel_loop3A_613[%parallel_loop3A_614, %parallel_loop3A_615], %parallel_loop3A_609 {strides = array<i32>} : memref<64x144xf32, #tpu.memory_space<vmem>>, vector<16xf32>,
              %parallel_loop3A_617 = arith.mulf %parallel_loop3A_552, %convert_element_type3A_2 : vector<16xf32>
              %parallel_loop3A_618 = arith.constant 0 : i32
              %parallel_loop3A_619 = arith.constant 0 : i32
              %parallel_loop3A_620 = tpu.memref_slice %arg6[%parallel_loop3A_458, %parallel_loop3A_618, %parallel_loop3A_619] : memref<2x64x144xf32, #tpu.memory_space<vmem>> -> memref<1x64x144xf32, #tpu.memory_space<vmem>>
              %parallel_loop3A_621 = tpu.memref_squeeze %parallel_loop3A_620 : memref<1x64x144xf32, #tpu.memory_space<vmem>> -> memref<64x144xf32, #tpu.memory_space<vmem>>
              %parallel_loop3A_622 = arith.index_cast %parallel_loop3A_475 : i32 to index
              %parallel_loop3A_623 = arith.constant 128 : index
              %parallel_loop3A_624 = tpu.vector_load %parallel_loop3A_621[%parallel_loop3A_622, %parallel_loop3A_623] {strides = array<i32>} : memref<64x144xf32, #tpu.memory_space<vmem>>, vector<16xf32>,
              tpu.vector_store %parallel_loop3A_621[%parallel_loop3A_622, %parallel_loop3A_623], %parallel_loop3A_617 {strides = array<i32>} : memref<64x144xf32, #tpu.memory_space<vmem>>, vector<16xf32>,
            } {sc.loop_unroll_factor = 16 : i64, sc.parallel_access}
            %dma_start3A_459 = arith.constant 1 : i32
            %dma_start3A_460 = arith.constant 0 : i32
            %dma_start3A_461 = arith.constant 0 : i32
            %dma_start3A_462 = arith.constant 0 : i32
            %dma_start3A_463 = tpu.memref_slice %arg6[%dma_start3A_459, %dma_start3A_461, %dma_start3A_462] : memref<2x64x144xf32, #tpu.memory_space<vmem>> -> memref<1x64x144xf32, #tpu.memory_space<vmem>>
            %dma_start3A_464 = tpu.memref_squeeze %dma_start3A_463 : memref<1x64x144xf32, #tpu.memory_space<vmem>> -> memref<64x144xf32, #tpu.memory_space<vmem>>
            %dma_start3A_465 = arith.constant 0 : i32
            %dma_start3A_466 = arith.constant 0 : i32
            %dma_start3A_467 = tpu.memref_slice %run_scoped3A_78[%rem3A_326, %dma_start3A_465, %dma_start3A_466] : memref<2x1x64xi32, #tpu.memory_space<vmem>> -> memref<1x1x64xi32, #tpu.memory_space<vmem>>
            %dma_start3A_468 = tpu.memref_squeeze %dma_start3A_467 : memref<1x1x64xi32, #tpu.memory_space<vmem>> -> memref<1x64xi32, #tpu.memory_space<vmem>>
            %dma_start3A_469 = arith.constant 0 : i32
            %dma_start3A_470 = tpu.memref_slice %dma_start3A_468[%dma_start3A_460, %dma_start3A_469] : memref<1x64xi32, #tpu.memory_space<vmem>> -> memref<1x64xi32, #tpu.memory_space<vmem>>
            %dma_start3A_471 = tpu.memref_squeeze %dma_start3A_470 : memref<1x64xi32, #tpu.memory_space<vmem>> -> memref<64xi32, #tpu.memory_space<vmem>>
            %dma_start3A_472 = arith.constant 0 : i32
            %dma_start3A_473 = arith.constant 0 : i32
            %dma_start3A_474 = tpu.memref_slice %arg9[%dma_start3A_472, %dma_start3A_473] : memref<10240x144xf32, #tpu.memory_space<vmem_shared>> -> memref<10240x144xf32, #tpu.memory_space<vmem_shared>>
            tpu.enqueue_indirect_dma source(%dma_start3A_464 : memref<64x144xf32, #tpu.memory_space<vmem>>) target(%dma_start3A_474 : memref<10240x144xf32, #tpu.memory_space<vmem_shared>>) offsets(%dma_start3A_471 : memref<64xi32, #tpu.memory_space<vmem>>) semaphore(%arg12 : memref<!tpu.dma_semaphore, #tpu.memory_space<semaphore_mem>>) {add = true}
          } else {
          }
          %add3A_372 = arith.constant 1 : i32
          %add3A_373 = arith.addi %get3A_329, %add3A_372 : i32
          %swap3A_374 = arith.constant 0 : i32
          %swap3A_375 = arith.index_cast %swap3A_374 : i32 to index
          %swap3A_376 = memref.load %arg10[%swap3A_375] : memref<1xi32, #tpu.memory_space<smem>>
          memref.store %add3A_373, %arg10[%swap3A_375] : memref<1xi32, #tpu.memory_space<smem>>
          "tpu.trace_stop"() : () -> ()
          %ne3A_377 = arith.cmpi ne, %add3A_241, %add3A_259 : i32
          %or3A_378 = arith.constant false
          %or3A_379 = arith.ori %or3A_378, %ne3A_377 : i1
          %or3A_380 = arith.constant false
          %or3A_381 = arith.ori %or3A_379, %or3A_380 : i1
          %or3A_382 = arith.ori %or3A_381, %eq3A_240 : i1
          %convert_element_type3A_383 = arith.extui %or3A_382 : i1 to i32
          %cond3A_384 = arith.constant 0 : i32
          %cond3A_385 = arith.cmpi ne, %convert_element_type3A_383, %cond3A_384 : i32
          scf.if %cond3A_385 {
          } else {
          }
          %and3A_386 = arith.constant false
          %and3A_387 = arith.andi %or3A_382, %and3A_386 : i1
          %ne3A_388 = arith.cmpi ne, %add3A_241, %add3A_259 : i32
          %or3A_389 = arith.constant false
          %or3A_390 = arith.ori %or3A_389, %ne3A_388 : i1
          %or3A_391 = arith.constant false
          %or3A_392 = arith.ori %or3A_390, %or3A_391 : i1
          %or3A_393 = arith.ori %or3A_392, %eq3A_240 : i1
          %convert_element_type3A_394 = arith.extui %or3A_393 : i1 to i32
          %cond3A_395 = arith.constant 0 : i32
          %cond3A_396 = arith.cmpi ne, %convert_element_type3A_394, %cond3A_395 : i32
          scf.if %cond3A_396 {
          } else {
          }
          %and3A_397 = arith.constant false
          %and3A_398 = arith.andi %or3A_393, %and3A_397 : i1
          %ne3A_399 = arith.cmpi ne, %add3A_241, %add3A_251 : i32
          %or3A_400 = arith.constant false
          %or3A_401 = arith.ori %or3A_400, %ne3A_399 : i1
          %or3A_402 = arith.constant false
          %or3A_403 = arith.ori %or3A_401, %or3A_402 : i1
          %not3A_404 = arith.constant true
          %not3A_405 = arith.xori %eq3A_237, %not3A_404 : i1
          %and3A_406 = arith.andi %or3A_403, %not3A_405 : i1
          %convert_element_type3A_407 = arith.extui %and3A_406 : i1 to i32
          %cond3A_408 = arith.constant 0 : i32
          %cond3A_409 = arith.cmpi ne, %convert_element_type3A_407, %cond3A_408 : i32
          scf.if %cond3A_409 {
          } else {
          }
          %and3A_410 = arith.constant false
          %and3A_411 = arith.andi %and3A_406, %and3A_410 : i1
          %ne3A_412 = arith.cmpi ne, %add3A_241, %add3A_251 : i32
          %or3A_413 = arith.constant false
          %or3A_414 = arith.ori %or3A_413, %ne3A_412 : i1
          %or3A_415 = arith.constant false
          %or3A_416 = arith.ori %or3A_414, %or3A_415 : i1
          %not3A_417 = arith.constant true
          %not3A_418 = arith.xori %eq3A_237, %not3A_417 : i1
          %and3A_419 = arith.andi %or3A_416, %not3A_418 : i1
          %convert_element_type3A_420 = arith.extui %and3A_419 : i1 to i32
          %cond3A_421 = arith.constant 0 : i32
          %cond3A_422 = arith.cmpi ne, %convert_element_type3A_420, %cond3A_421 : i32
          scf.if %cond3A_422 {
          } else {
          }
          %and3A_423 = arith.constant false
          %and3A_424 = arith.andi %and3A_419, %and3A_423 : i1
          %ne3A_425 = arith.cmpi ne, %add3A_241, %add3A_259 : i32
          %or3A_426 = arith.constant false
          %or3A_427 = arith.ori %or3A_426, %ne3A_425 : i1
          %or3A_428 = arith.constant false
          %or3A_429 = arith.ori %or3A_427, %or3A_428 : i1
          %or3A_430 = arith.ori %or3A_429, %eq3A_240 : i1
          %add3A_431 = arith.constant 1 : i32
          %add3A_432 = arith.addi %while3A_230, %add3A_431 : i32
          %select_n3A_433 = arith.select %or3A_430, %add3A_432, %while3A_230 : i32
          %ne3A_434 = arith.cmpi ne, %add3A_241, %add3A_259 : i32
          %or3A_435 = arith.constant false
          %or3A_436 = arith.ori %or3A_435, %ne3A_434 : i1
          %or3A_437 = arith.constant false
          %or3A_438 = arith.ori %or3A_436, %or3A_437 : i1
          %or3A_439 = arith.ori %or3A_438, %eq3A_240 : i1
          %add3A_440 = arith.constant 1 : i32
          %add3A_441 = arith.addi %while3A_232, %add3A_440 : i32
          %select_n3A_442 = arith.select %or3A_439, %add3A_441, %while3A_232 : i32
          %add3A_443 = arith.constant 1 : i32
          %add3A_444 = arith.addi %while3A_233, %add3A_443 : i32
          %select_n3A_445 = arith.constant true
          %select_n3A_446 = arith.select %select_n3A_445, %add3A_444, %while3A_233 : i32
          %eq3A_447 = arith.cmpi eq, %select_n3A_446, %select_n3A : i32
          %select_n3A_448 = arith.constant 0 : i32
          %select_n3A_449 = arith.select %eq3A_447, %select_n3A_448, %select_n3A_446 : i32
          scf.yield %select_n3A_283, %select_n3A_433, %select_n3A_304, %select_n3A_442, %select_n3A_449 : i32, i32, i32, i32, i32
        }
        %sub3A_177 = arith.constant 1 : i32
        %sub3A_178 = arith.subi %while3A_176#4, %sub3A_177 : i32
        %select_n3A_179 = arith.constant true
        %select_n3A_180 = arith.select %select_n3A_179, %sub3A_178, %while3A_176#4 : i32
        %eq3A_181 = arith.constant -1 : i32
        %eq3A_182 = arith.cmpi eq, %select_n3A_180, %eq3A_181 : i32
        %sub3A_183 = arith.constant 1 : i32
        %sub3A_184 = arith.subi %select_n3A, %sub3A_183 : i32
        %select_n3A_185 = arith.select %eq3A_182, %sub3A_184, %select_n3A_180 : i32
        %sub3A_186 = arith.constant 1 : i32
        %sub3A_187 = arith.subi %mul3A_47, %sub3A_186 : i32
        %mul3A_188 = arith.constant 1 : i32
        %mul3A_189 = arith.muli %mul3A_188, %select_n3A : i32
        %eq3A_190 = arith.constant 0 : i32
        %eq3A_191 = arith.cmpi eq, %sub3A_187, %eq3A_190 : i32
        %sub3A_192 = arith.constant 1 : i32
        %sub3A_193 = arith.subi %mul3A_189, %sub3A_192 : i32
        %eq3A_194 = arith.cmpi eq, %sub3A_187, %sub3A_193 : i32
        %add3A_195 = arith.addi %select_n3A_185, %select_n3A_45 : i32
        %sub3A_196 = arith.constant 1 : i32
        %sub3A_197 = arith.subi %select_n3A_185, %sub3A_196 : i32
        %select_n3A_198 = arith.constant true
        %select_n3A_199 = arith.select %select_n3A_198, %sub3A_197, %select_n3A_185 : i32
        %eq3A_200 = arith.constant -1 : i32
        %eq3A_201 = arith.cmpi eq, %select_n3A_199, %eq3A_200 : i32
        %sub3A_202 = arith.constant 1 : i32
        %sub3A_203 = arith.subi %select_n3A, %sub3A_202 : i32
        %select_n3A_204 = arith.select %eq3A_201, %sub3A_203, %select_n3A_199 : i32
        %add3A_205 = arith.addi %select_n3A_204, %select_n3A_45 : i32
        %add3A_206 = arith.constant 1 : i32
        %add3A_207 = arith.addi %select_n3A_185, %add3A_206 : i32
        %select_n3A_208 = arith.constant true
        %select_n3A_209 = arith.select %select_n3A_208, %add3A_207, %select_n3A_185 : i32
        %eq3A_210 = arith.cmpi eq, %select_n3A_209, %select_n3A : i32
        %select_n3A_211 = arith.constant 0 : i32
        %select_n3A_212 = arith.select %eq3A_210, %select_n3A_211, %select_n3A_209 : i32
        %add3A_213 = arith.addi %select_n3A_212, %select_n3A_45 : i32
        %add3A_214 = arith.constant 1 : i32
        %add3A_215 = arith.addi %select_n3A_212, %add3A_214 : i32
        %select_n3A_216 = arith.constant true
        %select_n3A_217 = arith.select %select_n3A_216, %add3A_215, %select_n3A_212 : i32
        %eq3A_218 = arith.cmpi eq, %select_n3A_217, %select_n3A : i32
        %select_n3A_219 = arith.constant 0 : i32
        %select_n3A_220 = arith.select %eq3A_218, %select_n3A_219, %select_n3A_217 : i32
        %add3A_221 = arith.addi %select_n3A_220, %select_n3A_45 : i32
        %convert_element_type3A_222 = arith.extui %eq3A_194 : i1 to i32
        %cond3A_223 = arith.constant 0 : i32
        %cond3A_224 = arith.cmpi ne, %convert_element_type3A_222, %cond3A_223 : i32
        scf.if %cond3A_224 {
        } else {
        }
        %convert_element_type3A_225 = arith.extui %eq3A_194 : i1 to i32
        %cond3A_226 = arith.constant 0 : i32
        %cond3A_227 = arith.cmpi ne, %convert_element_type3A_225, %cond3A_226 : i32
        scf.if %cond3A_227 {
        } else {
        }
      } else {
      }
      tpu.yield
    }) : () -> ()
    %dma_wait3A = arith.constant 0 : i32
    %dma_wait3A_48 = arith.constant 0 : i32
    %dma_wait3A_49 = arith.constant 0 : i32
    %dma_wait3A_50 = arith.constant 0 : i32
    %dma_wait3A_51 = tpu.memref_slice %arg6[%dma_wait3A, %dma_wait3A_49, %dma_wait3A_50] : memref<2x64x144xf32, #tpu.memory_space<vmem>> -> memref<1x64x144xf32, #tpu.memory_space<vmem>>
    %dma_wait3A_52 = tpu.memref_squeeze %dma_wait3A_51 : memref<1x64x144xf32, #tpu.memory_space<vmem>> -> memref<64x144xf32, #tpu.memory_space<vmem>>
    %dma_wait3A_53 = arith.constant 0 : i32
    %dma_wait3A_54 = tpu.memref_slice %arg7[%dma_wait3A_48, %dma_wait3A_53] : memref<1x64xi32, #tpu.memory_space<vmem>> -> memref<1x64xi32, #tpu.memory_space<vmem>>
    %dma_wait3A_55 = tpu.memref_squeeze %dma_wait3A_54 : memref<1x64xi32, #tpu.memory_space<vmem>> -> memref<64xi32, #tpu.memory_space<vmem>>
    %dma_wait3A_56 = arith.constant 0 : i32
    %dma_wait3A_57 = arith.constant 0 : i32
    %dma_wait3A_58 = tpu.memref_slice %arg9[%dma_wait3A_56, %dma_wait3A_57] : memref<10240x144xf32, #tpu.memory_space<vmem_shared>> -> memref<10240x144xf32, #tpu.memory_space<vmem_shared>>
    tpu.wait_indirect_dma semaphore(%arg11 : memref<!tpu.dma_semaphore, #tpu.memory_space<semaphore_mem>>) src(%dma_wait3A_52 : memref<64x144xf32, #tpu.memory_space<vmem>>) dst(%dma_wait3A_58 : memref<10240x144xf32, #tpu.memory_space<vmem_shared>>)
    %dma_wait3A_59 = arith.constant 1 : i32
    %dma_wait3A_60 = arith.constant 0 : i32
    %dma_wait3A_61 = arith.constant 0 : i32
    %dma_wait3A_62 = arith.constant 0 : i32
    %dma_wait3A_63 = tpu.memref_slice %arg6[%dma_wait3A_59, %dma_wait3A_61, %dma_wait3A_62] : memref<2x64x144xf32, #tpu.memory_space<vmem>> -> memref<1x64x144xf32, #tpu.memory_space<vmem>>
    %dma_wait3A_64 = tpu.memref_squeeze %dma_wait3A_63 : memref<1x64x144xf32, #tpu.memory_space<vmem>> -> memref<64x144xf32, #tpu.memory_space<vmem>>
    %dma_wait3A_65 = arith.constant 0 : i32
    %dma_wait3A_66 = tpu.memref_slice %arg7[%dma_wait3A_60, %dma_wait3A_65] : memref<1x64xi32, #tpu.memory_space<vmem>> -> memref<1x64xi32, #tpu.memory_space<vmem>>
    %dma_wait3A_67 = tpu.memref_squeeze %dma_wait3A_66 : memref<1x64xi32, #tpu.memory_space<vmem>> -> memref<64xi32, #tpu.memory_space<vmem>>
    %dma_wait3A_68 = arith.constant 0 : i32
    %dma_wait3A_69 = arith.constant 0 : i32
    %dma_wait3A_70 = tpu.memref_slice %arg9[%dma_wait3A_68, %dma_wait3A_69] : memref<10240x144xf32, #tpu.memory_space<vmem_shared>> -> memref<10240x144xf32, #tpu.memory_space<vmem_shared>>
    tpu.wait_indirect_dma semaphore(%arg12 : memref<!tpu.dma_semaphore, #tpu.memory_space<semaphore_mem>>) src(%dma_wait3A_64 : memref<64x144xf32, #tpu.memory_space<vmem>>) dst(%dma_wait3A_70 : memref<10240x144xf32, #tpu.memory_space<vmem_shared>>)
    %barrier3A_71 = arith.constant 0 : index
    tpu.barrier barrier_id(%barrier3A_71)
    %scan3A_72 = arith.constant 0 : i32
    %scan3A_73 = arith.constant 10 : i32
    %scan3A_74 = arith.addi %scan3A_72, %scan3A_73 : i32
    %scan3A_75 = arith.constant 1 : i32
    scf.for %scan3A_77 = %scan3A_72 to %scan3A_74 step %scan3A_75  : i32 {
      %mul3A_78 = arith.constant 1 : i32
      %mul3A_79 = arith.muli %scan3A_77, %mul3A_78 : i32
      %add3A_80 = arith.constant 0 : i32
      %add3A_81 = arith.addi %add3A_80, %mul3A_79 : i32
      %mul3A_82 = arith.constant 640 : i32
      %mul3A_83 = arith.muli %arg1, %mul3A_82 : i32
      %mul3A_84 = arith.constant 64 : i32
      %mul3A_85 = arith.muli %add3A_81, %mul3A_84 : i32
      %add3A_86 = arith.addi %mul3A_83, %mul3A_85 : i32
      %run_scoped3A = arith.constant 0 : i32
      "tpu.region"() ({
        %run_scoped3A_88 = tpu.sem_alloc : memref<!tpu.dma_semaphore, #tpu.memory_space<semaphore_mem>>
        %dma_start3A = arith.constant 0 : i32
        %dma_start3A_89 = arith.constant 0 : i32
        %dma_start3A_90 = tpu.memref_slice %arg6[%run_scoped3A, %dma_start3A, %dma_start3A_89] : memref<2x64x144xf32, #tpu.memory_space<vmem>> -> memref<1x64x144xf32, #tpu.memory_space<vmem>>
        %dma_start3A_91 = tpu.memref_squeeze %dma_start3A_90 : memref<1x64x144xf32, #tpu.memory_space<vmem>> -> memref<64x144xf32, #tpu.memory_space<vmem>>
        %dma_start3A_92 = arith.constant 0 : i32
        %dma_start3A_93 = tpu.memref_slice %arg9[%add3A_86, %dma_start3A_92] : memref<10240x144xf32, #tpu.memory_space<vmem_shared>> -> memref<64x144xf32, #tpu.memory_space<vmem_shared>>
        %dma_start3A_94 = arith.constant 0 : i32
        %dma_start3A_95 = arith.constant 0 : i32
        %dma_start3A_96 = tpu.memref_slice %arg6[%run_scoped3A, %dma_start3A_94, %dma_start3A_95] : memref<2x64x144xf32, #tpu.memory_space<vmem>> -> memref<1x64x144xf32, #tpu.memory_space<vmem>>
        %dma_start3A_97 = tpu.memref_squeeze %dma_start3A_96 : memref<1x64x144xf32, #tpu.memory_space<vmem>> -> memref<64x144xf32, #tpu.memory_space<vmem>>
        %dma_start3A_98 = arith.constant 0 : i32
        %dma_start3A_99 = tpu.memref_slice %arg9[%add3A_86, %dma_start3A_98] : memref<10240x144xf32, #tpu.memory_space<vmem_shared>> -> memref<64x144xf32, #tpu.memory_space<vmem_shared>>
        tpu.enqueue_dma source(%dma_start3A_99 : memref<64x144xf32, #tpu.memory_space<vmem_shared>>) target(%dma_start3A_97 : memref<64x144xf32, #tpu.memory_space<vmem>>) target_semaphore(%run_scoped3A_88 : memref<!tpu.dma_semaphore, #tpu.memory_space<semaphore_mem>>)
        %dma_wait3A_100 = arith.constant 0 : i32
        %dma_wait3A_101 = arith.constant 0 : i32
        %dma_wait3A_102 = tpu.memref_slice %arg6[%run_scoped3A, %dma_wait3A_100, %dma_wait3A_101] : memref<2x64x144xf32, #tpu.memory_space<vmem>> -> memref<1x64x144xf32, #tpu.memory_space<vmem>>
        %dma_wait3A_103 = tpu.memref_squeeze %dma_wait3A_102 : memref<1x64x144xf32, #tpu.memory_space<vmem>> -> memref<64x144xf32, #tpu.memory_space<vmem>>
        %dma_wait3A_104 = arith.constant 0 : i32
        %dma_wait3A_105 = tpu.memref_slice %arg9[%add3A_86, %dma_wait3A_104] : memref<10240x144xf32, #tpu.memory_space<vmem_shared>> -> memref<64x144xf32, #tpu.memory_space<vmem_shared>>
        %dma_wait3A_106 = arith.constant 0 : i32
        %dma_wait3A_107 = arith.constant 0 : i32
        %dma_wait3A_108 = tpu.memref_slice %arg6[%run_scoped3A, %dma_wait3A_106, %dma_wait3A_107] : memref<2x64x144xf32, #tpu.memory_space<vmem>> -> memref<1x64x144xf32, #tpu.memory_space<vmem>>
        %dma_wait3A_109 = tpu.memref_squeeze %dma_wait3A_108 : memref<1x64x144xf32, #tpu.memory_space<vmem>> -> memref<64x144xf32, #tpu.memory_space<vmem>>
        %dma_wait3A_110 = arith.constant 0 : i32
        %dma_wait3A_111 = tpu.memref_slice %arg9[%add3A_86, %dma_wait3A_110] : memref<10240x144xf32, #tpu.memory_space<vmem_shared>> -> memref<64x144xf32, #tpu.memory_space<vmem_shared>>
        tpu.wait_dma2 semaphore(%run_scoped3A_88 : memref<!tpu.dma_semaphore, #tpu.memory_space<semaphore_mem>>) src(%dma_wait3A_111 : memref<64x144xf32, #tpu.memory_space<vmem_shared>>) dst(%dma_wait3A_109 : memref<64x144xf32, #tpu.memory_space<vmem>>)
        tpu.yield
      }) : () -> ()
      %run_scoped3A_87 = arith.constant 0 : i32
      "tpu.region"() ({
        %run_scoped3A_88 = tpu.sem_alloc : memref<!tpu.dma_semaphore, #tpu.memory_space<semaphore_mem>>
        %dma_start3A = arith.constant 0 : i32
        %dma_start3A_89 = arith.constant 0 : i32
        %dma_start3A_90 = tpu.memref_slice %arg6[%run_scoped3A_87, %dma_start3A, %dma_start3A_89] : memref<2x64x144xf32, #tpu.memory_space<vmem>> -> memref<1x64x144xf32, #tpu.memory_space<vmem>>
        %dma_start3A_91 = tpu.memref_squeeze %dma_start3A_90 : memref<1x64x144xf32, #tpu.memory_space<vmem>> -> memref<64x144xf32, #tpu.memory_space<vmem>>
        %dma_start3A_92 = arith.constant 0 : i32
        %dma_start3A_93 = tpu.memref_slice %arg5[%arg0, %add3A_86, %dma_start3A_92] : memref<2x10240x144xf32, #tpu.memory_space<hbm>> -> memref<1x64x144xf32, #tpu.memory_space<hbm>>
        %dma_start3A_94 = tpu.memref_squeeze %dma_start3A_93 : memref<1x64x144xf32, #tpu.memory_space<hbm>> -> memref<64x144xf32, #tpu.memory_space<hbm>>
        %dma_start3A_95 = arith.constant 0 : i32
        %dma_start3A_96 = tpu.memref_slice %arg5[%arg0, %add3A_86, %dma_start3A_95] : memref<2x10240x144xf32, #tpu.memory_space<hbm>> -> memref<1x64x144xf32, #tpu.memory_space<hbm>>
        %dma_start3A_97 = tpu.memref_squeeze %dma_start3A_96 : memref<1x64x144xf32, #tpu.memory_space<hbm>> -> memref<64x144xf32, #tpu.memory_space<hbm>>
        %dma_start3A_98 = arith.constant 0 : i32
        %dma_start3A_99 = arith.constant 0 : i32
        %dma_start3A_100 = tpu.memref_slice %arg6[%run_scoped3A_87, %dma_start3A_98, %dma_start3A_99] : memref<2x64x144xf32, #tpu.memory_space<vmem>> -> memref<1x64x144xf32, #tpu.memory_space<vmem>>
        %dma_start3A_101 = tpu.memref_squeeze %dma_start3A_100 : memref<1x64x144xf32, #tpu.memory_space<vmem>> -> memref<64x144xf32, #tpu.memory_space<vmem>>
        tpu.enqueue_dma source(%dma_start3A_101 : memref<64x144xf32, #tpu.memory_space<vmem>>) target(%dma_start3A_97 : memref<64x144xf32, #tpu.memory_space<hbm>>) target_semaphore(%run_scoped3A_88 : memref<!tpu.dma_semaphore, #tpu.memory_space<semaphore_mem>>)
        %dma_wait3A_102 = arith.constant 0 : i32
        %dma_wait3A_103 = arith.constant 0 : i32
        %dma_wait3A_104 = tpu.memref_slice %arg6[%run_scoped3A_87, %dma_wait3A_102, %dma_wait3A_103] : memref<2x64x144xf32, #tpu.memory_space<vmem>> -> memref<1x64x144xf32, #tpu.memory_space<vmem>>
        %dma_wait3A_105 = tpu.memref_squeeze %dma_wait3A_104 : memref<1x64x144xf32, #tpu.memory_space<vmem>> -> memref<64x144xf32, #tpu.memory_space<vmem>>
        %dma_wait3A_106 = arith.constant 0 : i32
        %dma_wait3A_107 = tpu.memref_slice %arg5[%arg0, %add3A_86, %dma_wait3A_106] : memref<2x10240x144xf32, #tpu.memory_space<hbm>> -> memref<1x64x144xf32, #tpu.memory_space<hbm>>
        %dma_wait3A_108 = tpu.memref_squeeze %dma_wait3A_107 : memref<1x64x144xf32, #tpu.memory_space<hbm>> -> memref<64x144xf32, #tpu.memory_space<hbm>>
        %dma_wait3A_109 = arith.constant 0 : i32
        %dma_wait3A_110 = tpu.memref_slice %arg5[%arg0, %add3A_86, %dma_wait3A_109] : memref<2x10240x144xf32, #tpu.memory_space<hbm>> -> memref<1x64x144xf32, #tpu.memory_space<hbm>>
        %dma_wait3A_111 = tpu.memref_squeeze %dma_wait3A_110 : memref<1x64x144xf32, #tpu.memory_space<hbm>> -> memref<64x144xf32, #tpu.memory_space<hbm>>
        %dma_wait3A_112 = arith.constant 0 : i32
        %dma_wait3A_113 = arith.constant 0 : i32
        %dma_wait3A_114 = tpu.memref_slice %arg6[%run_scoped3A_87, %dma_wait3A_112, %dma_wait3A_113] : memref<2x64x144xf32, #tpu.memory_space<vmem>> -> memref<1x64x144xf32, #tpu.memory_space<vmem>>
        %dma_wait3A_115 = tpu.memref_squeeze %dma_wait3A_114 : memref<1x64x144xf32, #tpu.memory_space<vmem>> -> memref<64x144xf32, #tpu.memory_space<vmem>>
        tpu.wait_dma2 semaphore(%run_scoped3A_88 : memref<!tpu.dma_semaphore, #tpu.memory_space<semaphore_mem>>) src(%dma_wait3A_115 : memref<64x144xf32, #tpu.memory_space<vmem>>) dst(%dma_wait3A_111 : memref<64x144xf32, #tpu.memory_space<hbm>>)
        tpu.yield
      }) : () -> ()
    }
    %scan3A_76 = arith.constant 10 : i32
    return
  }
}

module attributes {stable_mosaic.version = 14 : i64} {
  func.func @_finish_body(%arg0: i32, %arg1: memref<2x2000x144xf32, #tpu.memory_space<vmem>>, %arg2: memref<128x128xf32, #tpu.memory_space<vmem>>, %arg3: memref<128xf32, #tpu.memory_space<vmem>>, %arg4: memref<2000x128xf32, #tpu.memory_space<vmem>>) attributes {dimension_semantics = [#tpu.dimension_semantics<arbitrary>], iteration_bounds = array<i64: 5>, scalar_prefetch = 0 : i64, scratch_operands = 0 : i64, tpu.core_type = #tpu.core_type<tc>, window_params = [{transform_indices = @transform_0, window_bounds = array<i64: 2, 2000, 144>}, {pipeline_mode = #tpu.pipeline_mode<synchronous>, transform_indices = @transform_1, window_bounds = array<i64: 128, 128>}, {pipeline_mode = #tpu.pipeline_mode<synchronous>, transform_indices = @transform_2, window_bounds = array<i64: 128>}, {transform_indices = @transform_3, window_bounds = array<i64: 2000, 128>}]} {
    %get3A = arith.constant 0 : index
    %get3A_0 = arith.constant 0 : index
    %get3A_1 = arith.constant 0 : index
    %get3A_2 = vector.load %arg1[%get3A, %get3A_0, %get3A_1] : memref<2x2000x144xf32, #tpu.memory_space<vmem>>, vector<1x2000x128xf32>
    %get3A_3 = vector.shape_cast %get3A_2 : vector<1x2000x128xf32> to vector<2000x128xf32>
    %get3A_4 = arith.constant 1 : index
    %get3A_5 = arith.constant 0 : index
    %get3A_6 = arith.constant 0 : index
    %get3A_7 = vector.load %arg1[%get3A_4, %get3A_5, %get3A_6] : memref<2x2000x144xf32, #tpu.memory_space<vmem>>, vector<1x2000x128xf32>
    %get3A_8 = vector.shape_cast %get3A_7 : vector<1x2000x128xf32> to vector<2000x128xf32>
    %add3A = arith.addf %get3A_3, %get3A_8 : vector<2000x128xf32>
    %get3A_9 = arith.constant 0 : index
    %get3A_10 = arith.constant 0 : index
    %get3A_11 = arith.constant 128 : index
    %get3A_12 = vector.load %arg1[%get3A_9, %get3A_10, %get3A_11] : memref<2x2000x144xf32, #tpu.memory_space<vmem>>, vector<1x2000x1xf32>
    %get3A_13 = vector.shape_cast %get3A_12 : vector<1x2000x1xf32> to vector<2000x1xf32>
    %get3A_14 = arith.constant 1 : index
    %get3A_15 = arith.constant 0 : index
    %get3A_16 = arith.constant 128 : index
    %get3A_17 = vector.load %arg1[%get3A_14, %get3A_15, %get3A_16] : memref<2x2000x144xf32, #tpu.memory_space<vmem>>, vector<1x2000x1xf32>
    %get3A_18 = vector.shape_cast %get3A_17 : vector<1x2000x1xf32> to vector<2000x1xf32>
    %add3A_19 = arith.addf %get3A_13, %get3A_18 : vector<2000x1xf32>
    %gt3A = arith.constant 0.000000e+00 : f32
    %gt3A_20 = vector.broadcast %gt3A : f32 to vector<2000x1xf32>
    %gt3A_21 = arith.cmpf ogt, %add3A_19, %gt3A_20 : vector<2000x1xf32>
    %div3A = arith.constant 1.000000e+00 : f32
    %div3A_22 = vector.broadcast %div3A : f32 to vector<2000x1xf32>
    %div3A_23 = arith.divf %div3A_22, %add3A_19 : vector<2000x1xf32>
    %jit3A = arith.constant 0.000000e+00 : f32
    %broadcast_in_dim3A = vector.broadcast %jit3A : f32 to vector<2000x1xf32>
    %select_n3A = arith.select %gt3A_21, %div3A_23, %broadcast_in_dim3A : vector<2000x1xi1>, vector<2000x1xf32>
    %mul3A = vector.broadcast %select_n3A : vector<2000x1xf32> to vector<2000x128xf32>
    %mul3A_24 = arith.mulf %add3A, %mul3A : vector<2000x128xf32>
    %gt3A_25 = arith.constant 0.000000e+00 : f32
    %gt3A_26 = vector.broadcast %gt3A_25 : f32 to vector<2000x1xf32>
    %gt3A_27 = arith.cmpf ogt, %add3A_19, %gt3A_26 : vector<2000x1xf32>
    %jit3A_28 = arith.constant 1.000000e+00 : f32
    %jit3A_29 = arith.constant 0.000000e+00 : f32
    %broadcast_in_dim3A_30 = vector.broadcast %jit3A_28 : f32 to vector<2000x1xf32>
    %broadcast_in_dim3A_31 = vector.broadcast %jit3A_29 : f32 to vector<2000x1xf32>
    %select_n3A_32 = arith.select %gt3A_27, %broadcast_in_dim3A_30, %broadcast_in_dim3A_31 : vector<2000x1xi1>, vector<2000x1xf32>
    %get3A_33 = arith.constant 0 : index
    %get3A_34 = vector.load %arg3[%get3A_33] : memref<128xf32, #tpu.memory_space<vmem>>, vector<128xf32>
    %reshape3A = vector.shape_cast %get3A_34 : vector<128xf32> to vector<1x128xf32>
    %mul3A_35 = vector.broadcast %select_n3A_32 : vector<2000x1xf32> to vector<2000x128xf32>
    %mul3A_36 = vector.broadcast %reshape3A : vector<1x128xf32> to vector<2000x128xf32>
    %mul3A_37 = arith.mulf %mul3A_35, %mul3A_36 : vector<2000x128xf32>
    %get3A_38 = arith.constant 0 : index
    %get3A_39 = arith.constant 0 : index
    %get3A_40 = vector.load %arg2[%get3A_38, %get3A_39] : memref<128x128xf32, #tpu.memory_space<vmem>>, vector<128x128xf32>
    %dot_general3A = arith.constant dense<0.000000e+00> : vector<2000x128xf32>
    %dot_general3A_41 = tpu.matmul %mul3A_24, %get3A_40, %dot_general3A {dimension_numbers = #tpu.dot_dimension_numbers<[1], [0], [0], [1], [0, 0, 1, 1], [], []>, transpose_lhs_hint = false} : vector<2000x128xf32>, vector<128x128xf32>, vector<2000x128xf32> -> vector<2000x128xf32>
    %add3A_42 = arith.addf %dot_general3A_41, %mul3A_37 : vector<2000x128xf32>
    %swap3A = arith.constant 0 : index
    %swap3A_43 = arith.constant 0 : index
    %swap3A_44 = vector.load %arg4[%swap3A, %swap3A_43] : memref<2000x128xf32, #tpu.memory_space<vmem>>, vector<2000x128xf32>
    tpu.vector_store %arg4[%swap3A, %swap3A_43], %add3A_42 {strides = array<i32>} : memref<2000x128xf32, #tpu.memory_space<vmem>>, vector<2000x128xf32>,
    return
  }
  func.func @transform_0(%arg0: i32) -> (i32, i32, i32) {
    %c0_i32 = arith.constant 0 : i32
    %c0_i32_0 = arith.constant 0 : i32
    %c0_i32_1 = arith.constant 0 : i32
    return %c0_i32, %arg0, %c0_i32_0 : i32, i32, i32
  }
  func.func @transform_1(%arg0: i32) -> (i32, i32) {
    %c0_i32 = arith.constant 0 : i32
    %c0_i32_0 = arith.constant 0 : i32
    %c0_i32_1 = arith.constant 0 : i32
    return %c0_i32, %c0_i32_0 : i32, i32
  }
  func.func @transform_2(%arg0: i32) -> i32 {
    %c0_i32 = arith.constant 0 : i32
    %c0_i32_0 = arith.constant 0 : i32
    return %c0_i32 : i32
  }
  func.func @transform_3(%arg0: i32) -> (i32, i32) {
    %c0_i32 = arith.constant 0 : i32
    %c0_i32_0 = arith.constant 0 : i32
    return %arg0, %c0_i32 : i32, i32
  }
}

</mosaic_0001>

<sc_bundles>
// kernel: kernel.4.cloned.1.call-start
scs
__scs_entry_jumppad:
0x0: {  	(pc) =	sbr.rel $0x88, $3  }
0x1: {  	(tag) =	ssettag $0x0;
	lr =	simm.s32 $0x1  }
0x2: {  	[smem:$0x3F9C] =	sst lr;
	_ =	strace $0xD0000000  }
0x3: {  	_ = 	snop  }
0x4: {  	_ = 	snop  }
0x5: {  	_ = 	snop  }
0x6: {  	_ = 	snop  }
0x7: {  	_ = 	snop  }
__scs_overlays_trampoline_lowered:
0x8: {  	[smem:$0x3FAB] =	sst s0  }
0x9: {  	[smem:$0x3FAC] =	sst s1  }
0xa: {  	[smem:$0x3FAD] =	sst s2  }
0xb: {  	[smem:$0x3FAE] =	sst s3  }
0xc: {  	[smem:$0x3FAF] =	sst s4  }
0xd: {  	[smem:$0x3FB0] =	sst s5  }
0xe: {  	[smem:$0x3FB1] =	sst s6  }
0xf: {  	[smem:$0x3FB2] =	sst s7  }
0x10: {  	[smem:$0x3FB3] =	sst s8  }
0x11: {  	[smem:$0x3FB4] =	sst s9;
	s0 =	simm.s32 @!p0 $0x0  }
0x12: {  	s1 =	sld [smem:$0x3F9A];
	s0 =	simm.s32 @p0 $0x1  }
0x13: {  	[smem:$0x3FB5] =	sst s0;
	s0 =	simm.s32 @!p1 $0x0  }
0x14: {  	s2 =	sld [smem:$0x3F99];
	s0 =	simm.s32 @p1 $0x1  }
0x15: {  	[smem:$0x3FB6] =	sst s0;
	s0 =	simm.s32 @!p2 $0x0  }
0x16: {  	s3 =	sld [smem:$0x3FDB];
	s0 =	simm.s32 @p2 $0x1  }
0x17: {  	s4 =	simm.s32 $0x1BF5;
	[smem:$0x3FB8] =	sst s0  }
0x18: {  	s0 =	sld [smem:$0x3F9B];
	_ =	swait.ge [sflag:s4], $0x0  }
0x19: {  	s7 =	sld [smem:$0x3F9C]  }
0x1a: {  	s8 =	sadd.s32 $0xFFFFE003, lr  }
0x1b: {  	s9 =	sadd.s32 $0xFFFFFEF7, lr;
	s5 =	simm.s32 $0xFFFFFFFF;
	p2 =	slt.u32 s8, $0xFFFFF086  }
0x1c: {  	p1 =	slt.u32 s9, $0xF7A;
	s5 =	simm.s32 @!p2 $0x0  }
0x1d: {  	s5 =	simm.s32 @p1 $0x1;
	p0 =	seq.s32 s7, s2  }
0x1e: {  	s7 =	smul.u32 @!p0 $0xF7A, s2;
	p2 =	seq.s32 @!p0 s5, $0x0  }
0x1f: {  	s9 =	smul.u32 $0xF7A, s1;
	s8 =	simm.s32 @!p0 $0x1BF5;
	p2 =	por !p2, p0  }
0x20: {  	[sflag:s8] =	ssyncset.s32 @!p0 $0xFFFFF086;
	s6 =	sadd.s32 @!p0 s3, s7;
	s7 =	simm.s32 @!p0 $0x108  }
0x21: {  	s3 =	sadd.s32 s3, s9;
	s6 =	sadd.s32 @!p0 $0x88, s6;
	s7 =	simm.s32 @p2 $0x1082  }
0x22: {  	[simem:s7], [sflag:s8] =	dma.local @!p0 [hbm:s6], $0xF7A  }
0x23: {  	s9 =	sor.u32 $0xD0000000, s2;
	s6 =	simm.s32 $0x108;
	_ =	swait.ge @!p0 [sflag:s8], $0x0  }
0x24: {  	s3 =	sadd.s32 $0x88, s3;
	s6 =	simm.s32 @!p1 $0x1082;
	[sflag:s4] =	ssyncset.s32 $0xFFFFF086  }
0x25: {  	[simem:s6], [sflag:s4] =	dma.local [hbm:s3], $0xF7A  }
0x26: {  	[smem:$0x3F9C] =	sst s1;
	(tag) =	ssettag s2;
	_ =	strace s9  }
0x27: {  	s1 =	sld [smem:$0x3FAC]  }
0x28: {  	s2 =	sld [smem:$0x3FAD]  }
0x29: {  	s4 =	sld [smem:$0x3FAF]  }
0x2a: {  	p0 =	seq.s32 s5, $0x0;
	s5 =	sld [smem:$0x3FB0]  }
0x2b: {  	s6 =	sld [smem:$0x3FB1]  }
0x2c: {  	s7 =	sld [smem:$0x3FB2]  }
0x2d: {  	s3 =	simm.s32 $0x108;
	s8 =	sld [smem:$0x3FB3]  }
0x2e: {  	s3 =	simm.s32 @!p0 $0x1082;
	s9 =	sld [smem:$0x3FB4]  }
0x2f: {  	lr =	sadd.s32 s0, s3;
	s0 =	sld [smem:$0x3FAB]  }
0x30: {  	s3 =	sld [smem:$0x3FAE]  }
0x31: {  	[smem:$0x3FB7] =	sst s10  }
0x32: {  	s10 =	sld [smem:$0x3FB5];
	_ =	sdelay $0x3  }
0x33: {  	p0 =	seq.s32 s10, $0x1;
	s10 =	sld [smem:$0x3FB7];
	_ =	sdelay $0x3  }
0x34: {  	[smem:$0x3FB7] =	sst s10  }
0x35: {  	s10 =	sld [smem:$0x3FB6];
	_ =	sdelay $0x3  }
0x36: {  	p1 =	seq.s32 s10, $0x1;
	s10 =	sld [smem:$0x3FB7];
	_ =	sdelay $0x3  }
0x37: {  	[smem:$0x3FB7] =	sst s10  }
0x38: {  	s10 =	sld [smem:$0x3FB8]  }
0x39: {  	_ = 	snop;
	(pc) =	sbr.ind lr, $3  }
0x3a: {  	_ = 	snop  }
0x3b: {  	_ = 	snop  }
0x3c: {  	p2 =	seq.s32 s10, $0x1;
	s10 =	sld [smem:$0x3FB7]  }
0x3d: {  	_ =	shalt  }
0x3e: {  	_ =	shalt  }
0x3f: {  	_ =	shalt  }
0x40: {  	_ =	shalt  }
0x41: {  	_ =	shalt  }
0x42: {  	_ =	shalt  }
0x43: {  	_ =	shalt  }
0x44: {  	_ =	shalt  }
0x45: {  	_ =	shalt  }
0x46: {  	_ =	shalt  }
0x47: {  	_ =	shalt  }
0x48: {  	_ =	shalt  }
0x49: {  	_ =	shalt  }
0x4a: {  	_ =	shalt  }
0x4b: {  	_ =	shalt  }
0x4c: {  	_ =	shalt  }
0x4d: {  	_ =	shalt  }
0x4e: {  	_ =	shalt  }
0x4f: {  	_ =	shalt  }
0x50: {  	_ =	shalt  }
0x51: {  	_ =	shalt  }
0x52: {  	_ =	shalt  }
0x53: {  	_ =	shalt  }
0x54: {  	_ =	shalt  }
0x55: {  	_ =	shalt  }
0x56: {  	_ =	shalt  }
0x57: {  	_ =	shalt  }
0x58: {  	_ =	shalt  }
0x59: {  	_ =	shalt  }
0x5a: {  	_ =	shalt  }
0x5b: {  	_ =	shalt  }
0x5c: {  	_ =	shalt  }
0x5d: {  	_ =	shalt  }
0x5e: {  	_ =	shalt  }
0x5f: {  	_ =	shalt  }
0x60: {  	_ =	shalt  }
0x61: {  	_ =	shalt  }
0x62: {  	_ =	shalt  }
0x63: {  	_ =	shalt  }
0x64: {  	_ =	shalt  }
0x65: {  	_ =	shalt  }
0x66: {  	_ =	shalt  }
0x67: {  	_ =	shalt  }
0x68: {  	_ =	shalt  }
0x69: {  	_ =	shalt  }
0x6a: {  	_ =	shalt  }
0x6b: {  	_ =	shalt  }
0x6c: {  	_ =	shalt  }
0x6d: {  	_ =	shalt  }
0x6e: {  	_ =	shalt  }
0x6f: {  	_ =	shalt  }
0x70: {  	_ =	shalt  }
0x71: {  	_ =	shalt  }
0x72: {  	_ =	shalt  }
0x73: {  	_ =	shalt  }
0x74: {  	_ =	shalt  }
0x75: {  	_ =	shalt  }
0x76: {  	_ =	shalt  }
0x77: {  	_ =	shalt  }
0x78: {  	_ =	shalt  }
0x79: {  	_ =	shalt  }
0x7a: {  	_ =	shalt  }
0x7b: {  	_ =	shalt  }
0x7c: {  	_ =	shalt  }
0x7d: {  	_ =	shalt  }
0x7e: {  	_ =	shalt  }
0x7f: {  	_ =	shalt  }
0x80: {  	_ =	shalt  }
0x81: {  	_ =	shalt  }
0x82: {  	_ =	shalt  }
0x83: {  	_ =	shalt  }
0x84: {  	_ =	shalt  }
0x85: {  	_ =	shalt  }
0x86: {  	_ =	shalt  }
0x87: {  	_ =	shalt  }
.Lfunc_end0:
.L_simem_size_0:
called_computation_lowered:
.L_overlay_start_0:
0x88: {  	s2 =	sld [smem:$0x3FD9]  }
0x89: {  	s3 =	sld [smem:$0x3FFE];
	_ =	sdelay $0x1  }
0x8a: {  	s1 =	srdreg.scid  }
0x8b: {  	s0 =	sand.u32 $0x1, s1  }
0x8c: {  	s17 =	sshll.u32 s0, $0xA;
	s2 =	sadd.s32 s3, s2  }
0x8d: {  	s2 =	sadd.s32 s2, s17  }
0x8e: {  	[smem:$0x3FC3] =	sst s2  }
0x8f: {  	_ = 	snop  }
0x90: {  	s2 =	sld [smem:$0x3FC9]  }
0x91: {  	s18 =	sld [smem:$0x3FC8]  }
0x92: {  	s4 =	sld [smem:$0x3FC7];
	(tm) =	ssettm $0x1  }
0x93: {  	s5 =	sld [smem:$0x3FFB];
	_ =	sdelay $0x3  }
0x94: {  	_ =	strace s5  }
0x95: {  	s5 =	sld [smem:$0x3FFC];
	_ =	sdelay $0x3  }
0x96: {  	_ =	strace s5  }
0x97: {  	s5 =	sld [smem:$0x3FFD];
	_ =	sdelay $0x3  }
0x98: {  	_ =	strace s5  }
0x99: {  	_ =	strace $0x8FFFFFFF  }
0x9a: {  	s19 =	sld [smem:$0x3FDB];
	_ =	sdelay $0x1  }
0x9b: {  	s6 =	simm.s32 $_scs_section_size  }
0x9c: {  	s7 =	simm.s32 $_size__tile_overlayer_lowered;
	s8 =	simm.s32 $_tile_overlayer_lowered  }
0x9d: {  	s22 =	simm.s32 $0x1BFF;
	s21 =	sshll.u32 s8, $0x1;
	s5 =	sadd.s32 s6, s19  }
0x9e: {  	s9 =	simm.s32 $0x0;
	s20 =	sshll.u32 s7, $0x1;
	s7 =	sadd.s32 s21, s5  }
0x9f: {  	[timem:s9], [sflag:s22] =	dma.local [hbm:s7], s20  }
0xa0: {  	_ =	swait.ge [sflag:s22], s20  }
0xa1: {  	s6 =	ssub.s32 $0x0, s20;
	[sflag:s22] =	ssyncset.done $0x0  }
0xa2: {  	[sflag:s22] =	ssyncadd.s32 s6;
	_ =	sdelay $0x1  }
0xa3: {  	s23 =	simm.s32 $0x1B8B  }
0xa4: {  	_ =	swait.ge [sflag:s23], $0x1  }
0xa5: {  	[sflag:s23] =	ssyncset.done $0x0  }
0xa6: {  	s25 =	simm.s32 $0x1B8E;
	s24 =	sld [smem:$0x3FFE];
	[sflag:s23] =	ssyncadd.s32 $0xFFFFFFFF  }
0xa7: {  	s26 =	simm.s32 $execute0_lowered;
	[smem:$0x3FD2] =	sst s25  }
0xa8: {  	s7 =	sshll.u32 s26, $0x1;
	_ =	strace $0x80000046;
	[dreg:$0x1] =	wrdreg $0xFFFFFFFF  }
0xa9: {  	s28 =	simm.s32 $_size_execute0_lowered;
	s5 =	sadd.s32 s5, s7;
	[dreg:$0x0] =	wrdreg $0x0  }
0xaa: {  	s7 =	sshll.u32 s28, $0x1;
	[dreg:$0x2] =	wrdreg s5  }
0xab: {  	[dreg:$0x3] =	wrdreg s7  }
0xac: {  	[dreg:$0x4] =	wrdreg $0xC0  }
0xad: {  	_ =	task [dreg:s9], $0x5FFFF  }
0xae: {  	[dreg:$0x1] =	wrdreg $0xFFFFFFFF  }
0xaf: {  	[dreg:$0x0] =	wrdreg $0x60  }
0xb0: {  	[dreg:$0x2] =	wrdreg s2  }
0xb1: {  	[dreg:$0x3] =	wrdreg s18  }
0xb2: {  	[dreg:$0x4] =	wrdreg s4  }
0xb3: {  	[dreg:$0x5] =	wrdreg s24  }
0xb4: {  	[dreg:$0x6] =	wrdreg $0x48800  }
0xb5: {  	[dreg:$0x7] =	wrdreg $0x9  }
0xb6: {  	_ =	task.clear_ibuf [dreg:s9], $0x8FFFF;
	_ =	strace $0x90000046  }
0xb7: {  	s29 =	simm.s32 $0x9;
	_ =	strace $0x8000004E  }
0xb8: {  	_ =	swait.ge [sflag:s29], $0x1  }
0xb9: {  	[sflag:s29] =	ssyncadd.s32 $0xFFFFFFFF  }
0xba: {  	_ =	strace $0x9000004E  }
0xbb: {  	_ =	sfence  }
0xbc: {  	s30 =	sld [smem:$0x0];
	_ =	sdelay $0x2  }
0xbd: {  	s31 =	sshll.u32 s1, $0xD;
	s1 =	sshrl.u32 s1, $0x2  }
0xbe: {  	s3 =	sand.u32 $0x4000, s31;
	s1 =	sadd.s32 s1, s30  }
0xbf: {  	s0 =	sor.u32 s3, s0;
	s1 =	sshll.u32 s1, $0x11  }
0xc0: {  	s0 =	sor.u32 s1, s0  }
0xc1: {  	s0 =	sadd.s32 $0x8F2B, s0  }
0xc2: {  	[sflag:s0] =	ssyncadd.remote.s32 $0x1  }
0xc3: {  	_ =	sfence.sel $0xFFFF  }
0xc4: {  	[dreg:$0x0] =	wrdreg $0xFFFFFFFF;
	(pc) =	sbr.abs _section_cstart, $3  }
0xc5: {  	[dreg:$0x1] =	wrdreg $0xFFFFFFFF  }
0xc6: {  	_ =	task.clear_ibuf [dreg:s9], $0x2FFFF;
	_ =	strace $0x9FFFFFFF  }
0xc7: {  	(tm) =	ssettm $0x7FFFFFFF  }
tec
execute0_lowered:
.L_overlay_start_1:
0x0: {  	(tag) =	ssettag $0x1  }
0x1: {  	s0 =	srdreg.scid  }
0x2: {  	s21 =	stileid.u32;
	s1 =	rddreg [dreg:$0x0]  }
0x3: {  	s7 =	rddreg [dreg:$0x3];
	s0 =	sand.u32 $0x1, s0;
	s5 =	smul.u32 $0x280, s21  }
0x4: {  	s3 =	simm.s32 $0x0;
	s12 =	smul.u32 $0x16800, s21;
	s2 =	sshll.u32 s0, $0x4  }
0x5: {  	[smem:$0x7FF] =	sst s3;
	s11 =	smul.u32 $0x168000, s0;
	s4 =	sor.u32 s21, s2  }
0x6: {  	s14 =	sadd.s32 $0x800, s7;
	s9 =	ssub.s32 $0x2, s0;
	s6 =	smul.u32 $0x9D, s4  }
0x7: {  	s2 =	rddreg [dreg:$0x1];
	s13 =	sor.u32 $0x40, s5;
	s8 =	smul.u32 $0x9C, s4  }
0x8: {  	s10 =	sshrl.u32 s9, $0x1;
	s17 =	sadd.s32 $0x80, s5;
	s0 =	smul.u32 $0x90, s13  }
0x9: {  	p0 =	slt.u32 s4, $0x8;
	s7 =	sadd.s32 s11, s12;
	s5 =	smul.u32 $0x90, s17  }
0xa: {  	s16 =	ssub.s32 s9, s10;
	s31 =	smul.u32 $0x240, s13;
	s9 =	sshrl.u32 s7, $0x3  }
0xb: {  	s13 =	smax.u32 s16, $0x1;
	s16 =	smul.u32 $0x240, s17;
	s4 =	sadd.s32 $0x8, s8  }
0xc: {  	s8 =	sadd.s32 s11, s0;
	s7 =	sadd.s32 s14, s9;
	s10 =	sadd.s32 s11, s5  }
0xd: {  	s4 =	smov.u32 @p0 s6;
	s6 =	sshrl.u32 s8, $0x3;
	[dreg:$0x6] =	wrdreg s7  }
0xe: {  	s7 =	sadd.s32 $0x9000, s12;
	s8 =	sshrl.u32 s10, $0x3;
	s10 =	sadd.s32 $0xFC00, s12  }
0xf: {  	s6 =	sadd.s32 s14, s6;
	s18 =	sadd.s32 s11, s7;
	s8 =	sadd.s32 s14, s8  }
0x10: {  	s26 =	sshll.u32 s4, $0xA;
	s28 =	sshll.u32 s4, $0x3;
	[dreg:$0x7] =	wrdreg s6  }
0x11: {  	s6 =	sadd.s32 $0x6C00, s12;
	[dreg:$0x8] =	wrdreg s8;
	s20 =	sshrl.u32 s18, $0x3  }
0x12: {  	s29 =	sand.u32 $0x1FFFFFF8, s28;
	s15 =	sadd.s32 s11, s6;
	s8 =	sadd.s32 s14, s20  }
0x13: {  	s20 =	sadd.s32 $0x14400, s12;
	s9 =	sshrl.u32 s15, $0x3;
	[dreg:$0xa] =	wrdreg s8  }
0x14: {  	s8 =	sadd.s32 $0xB400, s12;
	s19 =	sadd.s32 s14, s9;
	s9 =	sadd.s32 $0xD800, s12  }
0x15: {  	s15 =	sadd.s32 s11, s8;
	[dreg:$0x9] =	wrdreg s19;
	s18 =	sadd.s32 s11, s9  }
0x16: {  	s15 =	sshrl.u32 s15, $0x3;
	s19 =	sadd.s32 s11, s10;
	s18 =	sshrl.u32 s18, $0x3  }
0x17: {  	s15 =	sadd.s32 s14, s15;
	s23 =	sshrl.u32 s19, $0x3;
	s19 =	sadd.s32 $0x12000, s12  }
0x18: {  	[dreg:$0xb] =	wrdreg s15;
	s22 =	sadd.s32 s14, s18;
	s15 =	sadd.s32 s14, s23  }
0x19: {  	s24 =	sadd.s32 s11, s19;
	s11 =	sadd.s32 s11, s20;
	[dreg:$0xc] =	wrdreg s22  }
0x1a: {  	[dreg:$0xd] =	wrdreg s15;
	s25 =	sshrl.u32 s24, $0x3;
	s11 =	sshrl.u32 s11, $0x3  }
0x1b: {  	s15 =	rddreg [dreg:$0x4];
	s22 =	sshrl.u32 s16, $0x2;
	s18 =	sadd.s32 s14, s25  }
0x1c: {  	s11 =	sadd.s32 s14, s11;
	s14 =	smul.u32 $0x5A000, s21;
	[dreg:$0xe] =	wrdreg s18  }
0x1d: {  	s30 =	sadd.s32 s12, s15;
	s0 =	sadd.s32 s0, s15;
	[dreg:$0xf] =	wrdreg s11  }
0x1e: {  	s11 =	sand.u32 $0x1FFFFC00, s26;
	_ =	strace $0x80000047;
	[dreg:$0x12] =	wrdreg s30  }
0x1f: {  	s11 =	sadd.s32 s1, s11;
	[dreg:$0x13] =	wrdreg s13;
	s17 =	sshrl.u32 s14, $0x2  }
0x20: {  	s21 =	sadd.s32 $0x1B000, s14;
	s26 =	sadd.s32 $0x2D000, s14;
	[dreg:$0x1e] =	wrdreg s0  }
0x21: {  	s28 =	sadd.s32 $0x36000, s14;
	[dreg:$0x10] =	wrdreg s11;
	s11 =	sadd.s32 s2, s29  }
0x22: {  	s13 =	sadd.s32 s17, s15;
	s23 =	sshrl.u32 s21, $0x2;
	[dreg:$0x11] =	wrdreg s11  }
0x23: {  	s29 =	sshrl.u32 s26, $0x2;
	s26 =	sadd.s32 s8, s15;
	[dreg:$0x14] =	wrdreg s13  }
0x24: {  	s30 =	sshrl.u32 s28, $0x2;
	s28 =	sadd.s32 s9, s15;
	[smem:$0x7F9] =	sst s26  }
0x25: {  	s18 =	simm.s32 $0x9D;
	s24 =	sadd.s32 s23, s15;
	[smem:$0x7FA] =	sst s28  }
0x26: {  	s11 =	sshrl.u32 s31, $0x2;
	s31 =	sadd.s32 s30, s15;
	[dreg:$0x17] =	wrdreg s24  }
0x27: {  	s18 =	simm.s32 @!p0 $0x9C;
	s23 =	sadd.s32 s5, s15;
	[dreg:$0x1a] =	wrdreg s31  }
0x28: {  	s25 =	sadd.s32 $0x24000, s14;
	s30 =	sadd.s32 s19, s15;
	[dreg:$0x1f] =	wrdreg s23  }
0x29: {  	s12 =	sadd.s32 $0x3F000, s14;
	s11 =	sadd.s32 s11, s15;
	[smem:$0x7FC] =	sst s30  }
0x2a: {  	s16 =	sadd.s32 $0x51000, s14;
	s24 =	sadd.s32 s6, s15;
	[dreg:$0x15] =	wrdreg s11  }
0x2b: {  	s21 =	sshrl.u32 s16, $0x2;
	s31 =	sadd.s32 s20, s15;
	[smem:$0x7F7] =	sst s24  }
0x2c: {  	s16 =	sadd.s32 $0xFFFFFFFF, s18;
	s11 =	sadd.s32 s22, s15;
	[smem:$0x7FD] =	sst s31  }
0x2d: {  	s13 =	sadd.s32 $0x48000, s14;
	s22 =	sadd.s32 s21, s15;
	[dreg:$0x16] =	wrdreg s11  }
0x2e: {  	s11 =	sshrl.u32 s25, $0x2;
	[dreg:$0x1d] =	wrdreg s22;
	s25 =	sadd.s32 s7, s15  }
0x2f: {  	s19 =	simm.s32 $0x40;
	s11 =	sadd.s32 s11, s15;
	[smem:$0x7F8] =	sst s25  }
.Ltmp0:
0x30: {  	[dreg:$0x18] =	wrdreg s11;
	s11 =	sadd.s32 s29, s15;
	(pc) =	sbr.rel .LBB2_1-.Ltmp0, $4  }
0x31: {  	s29 =	sadd.s32 s10, s15;
	[dreg:$0x19] =	wrdreg s11;
	s11 =	sshrl.u32 s12, $0x2  }
0x32: {  	v0 =	vimm.f32 $0.0e+00;
	vm0 =	vcmask $0x300;
	s17 =	sshrl.u32 s13, $0x2;
	[smem:$0x7FB] =	sst s29;
	s11 =	sadd.s32 s11, s15  }
0x33: {  	v62 =	vsel vm0, $0x3F800000, v0;
	s5 =	simm.s32 $0x0;
	[dreg:$0x1b] =	wrdreg s11;
	s11 =	sadd.s32 s17, s15  }
0x34: {  	[tilespmem:$0x1FFF0] =	vst v62;
	s20 =	simm.s32 $0x2400;
	s17 =	simm.s32 $0x3;
	[dreg:$0x1c] =	wrdreg s11  }
.LBB2_12:
0x35: {  	s0 =	simm.s32 $0x1  }
0x36: {  	_ =	swait.ge [sflag:s0], $0x2400  }
0x37: {  	[sflag:s0] =	ssyncset.done $0x0  }
0x38: {  	s30 =	simm.s32 $0x2;
	[sflag:s0] =	ssyncadd.s32 $0xFFFFDC00  }
0x39: {  	_ =	swait.ge [sflag:s30], $0x2400  }
0x3a: {  	[sflag:s30] =	ssyncset.done $0x0  }
0x3b: {  	[sflag:s30] =	ssyncadd.s32 $0xFFFFDC00  }
0x3c: {  	[bflag:$0x0] =	sbarrier.arrive $0xFFFF  }
0x3d: {  	s31 =	rddreg [dreg:$0x12]  }
0x3e: {  	[tilespmem:s3], [sflag:$0x3] =	stream.linear.gather [spmem:s31], $0x2400, $0x38;
	[tilespmem:$0x1F100] =	vst v63  }
0x3f: {  	_ =	swait.ge [sflag:s17], $0x2400  }
0x40: {  	[sflag:s17] =	ssyncset.done $0x0  }
0x41: {  	s5 =	rddreg [dreg:$0x6];
	[sflag:s17] =	ssyncadd.s32 $0xFFFFDC00  }
0x42: {  	[hbm4b:s5+s3] =	stream.linear.scatter [tilespmem:s3], [sflag:$0x3], $0x2400, $0x38;
	[tilespmem:$0x1F100] =	vst v63  }
0x43: {  	_ =	swait.ge [sflag:s17], $0x2400  }
0x44: {  	[sflag:s17] =	ssyncset.done $0x0  }
0x45: {  	s6 =	rddreg [dreg:$0x1e];
	[sflag:s17] =	ssyncadd.s32 $0xFFFFDC00  }
0x46: {  	[tilespmem:s3], [sflag:$0x3] =	stream.linear.gather [spmem:s6], $0x2400, $0x38;
	[tilespmem:$0x1F100] =	vst v63  }
0x47: {  	_ =	swait.ge [sflag:s17], $0x2400  }
0x48: {  	[sflag:s17] =	ssyncset.done $0x0  }
0x49: {  	s7 =	rddreg [dreg:$0x7];
	[sflag:s17] =	ssyncadd.s32 $0xFFFFDC00  }
0x4a: {  	[hbm4b:s7+s3] =	stream.linear.scatter [tilespmem:s3], [sflag:$0x3], $0x2400, $0x38;
	[tilespmem:$0x1F100] =	vst v63  }
0x4b: {  	_ =	swait.ge [sflag:s17], $0x2400  }
0x4c: {  	[sflag:s17] =	ssyncset.done $0x0  }
0x4d: {  	s8 =	rddreg [dreg:$0x1f];
	[sflag:s17] =	ssyncadd.s32 $0xFFFFDC00  }
0x4e: {  	[tilespmem:s3], [sflag:$0x3] =	stream.linear.gather [spmem:s8], $0x2400, $0x38;
	[tilespmem:$0x1F100] =	vst v63  }
0x4f: {  	_ =	swait.ge [sflag:s17], $0x2400  }
0x50: {  	[sflag:s17] =	ssyncset.done $0x0  }
0x51: {  	s9 =	rddreg [dreg:$0x8];
	[sflag:s17] =	ssyncadd.s32 $0xFFFFDC00  }
0x52: {  	[hbm4b:s9+s3] =	stream.linear.scatter [tilespmem:s3], [sflag:$0x3], $0x2400, $0x38;
	[tilespmem:$0x1F100] =	vst v63  }
0x53: {  	_ =	swait.ge [sflag:s17], $0x2400  }
0x54: {  	s10 =	sld [smem:$0x7F7]  }
0x55: {  	[sflag:s17] =	ssyncset.done $0x0  }
0x56: {  	[sflag:s17] =	ssyncadd.s32 $0xFFFFDC00  }
0x57: {  	[tilespmem:s3], [sflag:$0x3] =	stream.linear.gather [spmem:s10], $0x2400, $0x38;
	[tilespmem:$0x1F100] =	vst v63  }
0x58: {  	_ =	swait.ge [sflag:s17], $0x2400  }
0x59: {  	[sflag:s17] =	ssyncset.done $0x0  }
0x5a: {  	s11 =	rddreg [dreg:$0x9];
	[sflag:s17] =	ssyncadd.s32 $0xFFFFDC00  }
0x5b: {  	[hbm4b:s11+s3] =	stream.linear.scatter [tilespmem:s3], [sflag:$0x3], $0x2400, $0x38;
	[tilespmem:$0x1F100] =	vst v63  }
0x5c: {  	_ =	swait.ge [sflag:s17], $0x2400  }
0x5d: {  	s12 =	sld [smem:$0x7F8]  }
0x5e: {  	[sflag:s17] =	ssyncset.done $0x0  }
0x5f: {  	[sflag:s17] =	ssyncadd.s32 $0xFFFFDC00  }
0x60: {  	[tilespmem:s3], [sflag:$0x3] =	stream.linear.gather [spmem:s12], $0x2400, $0x38;
	[tilespmem:$0x1F100] =	vst v63  }
0x61: {  	_ =	swait.ge [sflag:s17], $0x2400  }
0x62: {  	[sflag:s17] =	ssyncset.done $0x0  }
0x63: {  	s13 =	rddreg [dreg:$0xa];
	[sflag:s17] =	ssyncadd.s32 $0xFFFFDC00  }
0x64: {  	[hbm4b:s13+s3] =	stream.linear.scatter [tilespmem:s3], [sflag:$0x3], $0x2400, $0x38;
	[tilespmem:$0x1F100] =	vst v63  }
0x65: {  	_ =	swait.ge [sflag:s17], $0x2400  }
0x66: {  	s14 =	sld [smem:$0x7F9]  }
0x67: {  	[sflag:s17] =	ssyncset.done $0x0  }
0x68: {  	[sflag:s17] =	ssyncadd.s32 $0xFFFFDC00  }
0x69: {  	[tilespmem:s3], [sflag:$0x3] =	stream.linear.gather [spmem:s14], $0x2400, $0x38;
	[tilespmem:$0x1F100] =	vst v63  }
0x6a: {  	_ =	swait.ge [sflag:s17], $0x2400  }
0x6b: {  	[sflag:s17] =	ssyncset.done $0x0  }
0x6c: {  	s21 =	rddreg [dreg:$0xb];
	[sflag:s17] =	ssyncadd.s32 $0xFFFFDC00  }
0x6d: {  	[hbm4b:s21+s3] =	stream.linear.scatter [tilespmem:s3], [sflag:$0x3], $0x2400, $0x38;
	[tilespmem:$0x1F100] =	vst v63  }
0x6e: {  	_ =	swait.ge [sflag:s17], $0x2400  }
0x6f: {  	s22 =	sld [smem:$0x7FA]  }
0x70: {  	[sflag:s17] =	ssyncset.done $0x0  }
0x71: {  	[sflag:s17] =	ssyncadd.s32 $0xFFFFDC00  }
0x72: {  	[tilespmem:s3], [sflag:$0x3] =	stream.linear.gather [spmem:s22], $0x2400, $0x38;
	[tilespmem:$0x1F100] =	vst v63  }
0x73: {  	_ =	swait.ge [sflag:s17], $0x2400  }
0x74: {  	[sflag:s17] =	ssyncset.done $0x0  }
0x75: {  	s23 =	rddreg [dreg:$0xc];
	[sflag:s17] =	ssyncadd.s32 $0xFFFFDC00  }
0x76: {  	[hbm4b:s23+s3] =	stream.linear.scatter [tilespmem:s3], [sflag:$0x3], $0x2400, $0x38;
	[tilespmem:$0x1F100] =	vst v63  }
0x77: {  	_ =	swait.ge [sflag:s17], $0x2400  }
0x78: {  	s24 =	sld [smem:$0x7FB]  }
0x79: {  	[sflag:s17] =	ssyncset.done $0x0  }
0x7a: {  	[sflag:s17] =	ssyncadd.s32 $0xFFFFDC00  }
0x7b: {  	[tilespmem:s3], [sflag:$0x3] =	stream.linear.gather [spmem:s24], $0x2400, $0x38;
	[tilespmem:$0x1F100] =	vst v63  }
0x7c: {  	_ =	swait.ge [sflag:s17], $0x2400  }
0x7d: {  	[sflag:s17] =	ssyncset.done $0x0  }
0x7e: {  	s25 =	rddreg [dreg:$0xd];
	[sflag:s17] =	ssyncadd.s32 $0xFFFFDC00  }
0x7f: {  	[hbm4b:s25+s3] =	stream.linear.scatter [tilespmem:s3], [sflag:$0x3], $0x2400, $0x38;
	[tilespmem:$0x1F100] =	vst v63  }
0x80: {  	_ =	swait.ge [sflag:s17], $0x2400  }
0x81: {  	s26 =	sld [smem:$0x7FC]  }
0x82: {  	[sflag:s17] =	ssyncset.done $0x0  }
0x83: {  	[sflag:s17] =	ssyncadd.s32 $0xFFFFDC00  }
0x84: {  	[tilespmem:s3], [sflag:$0x3] =	stream.linear.gather [spmem:s26], $0x2400, $0x38;
	[tilespmem:$0x1F100] =	vst v63  }
0x85: {  	_ =	swait.ge [sflag:s17], $0x2400  }
0x86: {  	[sflag:s17] =	ssyncset.done $0x0  }
0x87: {  	s28 =	rddreg [dreg:$0xe];
	[sflag:s17] =	ssyncadd.s32 $0xFFFFDC00  }
0x88: {  	[hbm4b:s28+s3] =	stream.linear.scatter [tilespmem:s3], [sflag:$0x3], $0x2400, $0x38;
	[tilespmem:$0x1F100] =	vst v63  }
0x89: {  	_ =	swait.ge [sflag:s17], $0x2400  }
0x8a: {  	s29 =	sld [smem:$0x7FD]  }
0x8b: {  	[sflag:s17] =	ssyncset.done $0x0  }
0x8c: {  	[sflag:s17] =	ssyncadd.s32 $0xFFFFDC00  }
0x8d: {  	[tilespmem:s3], [sflag:$0x3] =	stream.linear.gather [spmem:s29], $0x2400, $0x38;
	[tilespmem:$0x1F100] =	vst v63  }
0x8e: {  	_ =	swait.ge [sflag:s17], $0x2400  }
0x8f: {  	[sflag:s17] =	ssyncset.done $0x0  }
0x90: {  	s30 =	rddreg [dreg:$0xf];
	[sflag:s17] =	ssyncadd.s32 $0xFFFFDC00  }
0x91: {  	[hbm4b:s30+s3] =	stream.linear.scatter [tilespmem:s3], [sflag:$0x3], $0x2400, $0x38;
	[tilespmem:$0x1F100] =	vst v63  }
0x92: {  	_ =	swait.ge [sflag:s17], $0x2400  }
0x93: {  	s5 =	sld [smem:$0x7F6];
	_ =	sdelay $0x2  }
0x94: {  	s31 =	rddreg [dreg:$0x13];
	s5 =	sadd.s32 $0x1, s5  }
0x95: {  	p0 =	sne.s32 s5, s31  }
.Ltmp1:
0x96: {  	_ = 	snop;
	(pc) =	sbr.rel @!p0 .LBB2_13-.Ltmp1, $3  }
0x97: {  	_ =	sdelay $0x1  }
0x98: {  	[sflag:s17] =	ssyncset.done $0x0  }
0x99: {  	v0 =	vimm.f32 $0.0e+00;
	[sflag:s17] =	ssyncadd.s32 $0xFFFFDC00  }
.LBB2_1:
0x9a: {  	[smem:$0x7F6] =	sst s5  }
0x9b: {  	s0 =	rddreg [dreg:$0x2];
	s31 =	simm.s32 $0x4800  }
0x9c: {  	[tilespmem:s31], [sflag:$0x3] =	stream.linear.gather [hbm4b:s0+s3], $0x80, $0x38;
	[tilespmem:$0x1F100] =	vst v63  }
0x9d: {  	_ =	swait.ge [sflag:s17], $0x80  }
0x9e: {  	[sflag:s17] =	ssyncset.done $0x0  }
0x9f: {  	[sflag:s17] =	ssyncadd.s32 $0xFFFFFF80  }
0xa0: {  	v35 =	vld [tilespmem:$0x4800]  }
0xa1: {  	v3 =	vld [tilespmem:$0x4810]  }
0xa2: {  	v4 =	vld [tilespmem:$0x4820]  }
0xa3: {  	v5 =	vld [tilespmem:$0x4830]  }
0xa4: {  	v6 =	vld [tilespmem:$0x4840]  }
0xa5: {  	v7 =	vld [tilespmem:$0x4850]  }
0xa6: {  	v8 =	vld [tilespmem:$0x4860]  }
0xa7: {  	s5 =	simm.s32 $0x240;
	s0 =	simm.s32 $0x0;
	v9 =	vld [tilespmem:$0x4870];
	[smem:$0x0] =	sst s3  }
.LBB2_2:
0xa8: {  	p0 =	sne.s32 s5, $0x8DC0;
	[tilespmem:s0+$0x80] =	vst v0  }
0xa9: {  	[tilespmem:s0+$0x0] =	vst v0  }
0xaa: {  	[tilespmem:s0+$0x10] =	vst v0  }
0xab: {  	[tilespmem:s0+$0x20] =	vst v0  }
.Ltmp2:
0xac: {  	[tilespmem:s0+$0x30] =	vst v0;
	(pc) =	sbr.rel @p0 .LBB2_2-.Ltmp2, $4  }
0xad: {  	[tilespmem:s0+$0x40] =	vst v0  }
0xae: {  	[tilespmem:s0+$0x50] =	vst v0  }
0xaf: {  	[tilespmem:s0+$0x60] =	vst v0  }
0xb0: {  	[tilespmem:s0+$0x70] =	vst v0;
	s0 =	sshra.s32 s5, $0x2;
	s5 =	sadd.s32 $0x240, s5  }
0xb1: {  	[tilespmem:s0+$0x80] =	vst v0  }
0xb2: {  	[tilespmem:s0+$0x0] =	vst v0  }
0xb3: {  	[tilespmem:s0+$0x10] =	vst v0  }
0xb4: {  	[tilespmem:s0+$0x20] =	vst v0  }
0xb5: {  	[tilespmem:s0+$0x30] =	vst v0  }
0xb6: {  	[tilespmem:s0+$0x40] =	vst v0  }
0xb7: {  	[tilespmem:s0+$0x50] =	vst v0  }
0xb8: {  	[tilespmem:s0+$0x60] =	vst v0  }
0xb9: {  	[tilespmem:s0+$0x70] =	vst v0;
	s30 =	simm.s32 $0x0;
	s8 =	rddreg [dreg:$0x14]  }
0xba: {  	[spmem:s8] =	stream.linear.scatter [tilespmem:s30], [sflag:$0x3], $0x2400, $0x38;
	[tilespmem:$0x1F100] =	vst v63  }
0xbb: {  	_ =	swait.ge [sflag:s17], $0x2400  }
0xbc: {  	[sflag:s17] =	ssyncset.done $0x0  }
0xbd: {  	s9 =	rddreg [dreg:$0x15];
	[sflag:s17] =	ssyncadd.s32 $0xFFFFDC00  }
0xbe: {  	[spmem:s9] =	stream.linear.scatter [tilespmem:s30], [sflag:$0x3], $0x2400, $0x38;
	[tilespmem:$0x1F100] =	vst v63  }
0xbf: {  	_ =	swait.ge [sflag:s17], $0x2400  }
0xc0: {  	[sflag:s17] =	ssyncset.done $0x0  }
0xc1: {  	s10 =	rddreg [dreg:$0x16];
	[sflag:s17] =	ssyncadd.s32 $0xFFFFDC00  }
0xc2: {  	[spmem:s10] =	stream.linear.scatter [tilespmem:s30], [sflag:$0x3], $0x2400, $0x38;
	[tilespmem:$0x1F100] =	vst v63  }
0xc3: {  	_ =	swait.ge [sflag:s17], $0x2400  }
0xc4: {  	[sflag:s17] =	ssyncset.done $0x0  }
0xc5: {  	s11 =	rddreg [dreg:$0x17];
	[sflag:s17] =	ssyncadd.s32 $0xFFFFDC00  }
0xc6: {  	[spmem:s11] =	stream.linear.scatter [tilespmem:s30], [sflag:$0x3], $0x2400, $0x38;
	[tilespmem:$0x1F100] =	vst v63  }
0xc7: {  	_ =	swait.ge [sflag:s17], $0x2400  }
0xc8: {  	[sflag:s17] =	ssyncset.done $0x0  }
0xc9: {  	s12 =	rddreg [dreg:$0x18];
	[sflag:s17] =	ssyncadd.s32 $0xFFFFDC00  }
0xca: {  	[spmem:s12] =	stream.linear.scatter [tilespmem:s30], [sflag:$0x3], $0x2400, $0x38;
	[tilespmem:$0x1F100] =	vst v63  }
0xcb: {  	_ =	swait.ge [sflag:s17], $0x2400  }
0xcc: {  	[sflag:s17] =	ssyncset.done $0x0  }
0xcd: {  	s13 =	rddreg [dreg:$0x19];
	[sflag:s17] =	ssyncadd.s32 $0xFFFFDC00  }
0xce: {  	[spmem:s13] =	stream.linear.scatter [tilespmem:s30], [sflag:$0x3], $0x2400, $0x38;
	[tilespmem:$0x1F100] =	vst v63  }
0xcf: {  	_ =	swait.ge [sflag:s17], $0x2400  }
0xd0: {  	[sflag:s17] =	ssyncset.done $0x0  }
0xd1: {  	s14 =	rddreg [dreg:$0x1a];
	[sflag:s17] =	ssyncadd.s32 $0xFFFFDC00  }
0xd2: {  	[spmem:s14] =	stream.linear.scatter [tilespmem:s30], [sflag:$0x3], $0x2400, $0x38;
	[tilespmem:$0x1F100] =	vst v63  }
0xd3: {  	_ =	swait.ge [sflag:s17], $0x2400  }
0xd4: {  	[sflag:s17] =	ssyncset.done $0x0  }
0xd5: {  	s21 =	rddreg [dreg:$0x1b];
	[sflag:s17] =	ssyncadd.s32 $0xFFFFDC00  }
0xd6: {  	[spmem:s21] =	stream.linear.scatter [tilespmem:s30], [sflag:$0x3], $0x2400, $0x38;
	[tilespmem:$0x1F100] =	vst v63  }
0xd7: {  	_ =	swait.ge [sflag:s17], $0x2400  }
0xd8: {  	[sflag:s17] =	ssyncset.done $0x0  }
0xd9: {  	s22 =	rddreg [dreg:$0x1c];
	[sflag:s17] =	ssyncadd.s32 $0xFFFFDC00  }
0xda: {  	[spmem:s22] =	stream.linear.scatter [tilespmem:s30], [sflag:$0x3], $0x2400, $0x38;
	[tilespmem:$0x1F100] =	vst v63  }
0xdb: {  	_ =	swait.ge [sflag:s17], $0x2400  }
0xdc: {  	[sflag:s17] =	ssyncset.done $0x0  }
0xdd: {  	s23 =	rddreg [dreg:$0x1d];
	[sflag:s17] =	ssyncadd.s32 $0xFFFFDC00  }
0xde: {  	[spmem:s23] =	stream.linear.scatter [tilespmem:s30], [sflag:$0x3], $0x2400, $0x38;
	[tilespmem:$0x1F100] =	vst v63  }
0xdf: {  	_ =	swait.ge [sflag:s17], $0x2400  }
0xe0: {  	[sflag:s17] =	ssyncset.done $0x0  }
0xe1: {  	[sflag:s17] =	ssyncadd.s32 $0xFFFFDC00  }
0xe2: {  	[bflag:$0x0] =	sbarrier.arrive $0xFFFF  }
0xe3: {  	s5 =	simm.s32 $0x1B080;
	s26 =	simm.s32 $0x1F080;
	_ =	strace $0x80000048  }
.Ltmp3:
0xe4: {  	s31 =	simm.s32 $0x1;
	s24 =	rddreg [dreg:$0x10];
	(pc) =	sbr.rel .LBB2_4-.Ltmp3, $4  }
0xe5: {  	[tilespmem:s5], [sflag:$0x3] =	stream.linear.gather [hbm4b:s24+s30], $0x2000, $0x200038;
	[tilespmem:$0x1F100] =	vst v63  }
0xe6: {  	s28 =	simm.s32 $0x0;
	s29 =	simm.s32 $0x0;
	s25 =	rddreg [dreg:$0x11]  }
0xe7: {  	[tilespmem:s26], [sflag:$0x5] =	stream.linear.gather [hbm4b:s25+s30], $0x40, $0x200038;
	[tilespmem:$0x1F100] =	vst v63  }
0xe8: {  	s25 =	simm.s32 $0x0;
	s26 =	simm.s32 $0x1;
	_ =	strace $0x90000048  }
.LBB2_11:
0xe9: {  	p2 =	por !p2, p0  }
0xea: {  	s0 =	simm.s32 $0x0;
	s5 =	sadd.s32 @!p1 $0x1, s31;
	s6 =	smov.u32 s31  }
0xeb: {  	p5 =	sne.s32 s30, s24;
	p6 =	seq.s32 s29, s16;
	s29 =	sadd.s32 $0x1, s29  }
0xec: {  	s0 =	simm.s32 @p2 $0x1;
	s6 =	smov.u32 @p2 s5;
	s5 =	simm.s32 $0x1  }
0xed: {  	s0 =	simm.s32 @p0 $0x0;
	s6 =	smov.u32 @p0 s31;
	p0 =	por p6, p5  }
0xee: {  	s5 =	simm.s32 @!p0 $0x0;
	p0 =	sne.s32 s29, s18  }
.Ltmp4:
0xef: {  	_ = 	snop;
	(pc) =	sbr.rel @!p0 .LBB2_12-.Ltmp4, $4  }
0xf0: {  	s23 =	sadd.s32 $0x1, s13  }
0xf1: {  	[smem:$0x0] =	sst s23  }
0xf2: {  	s30 =	smov.u32 s24;
	_ =	strace $0x9000004D;
	s26 =	sadd.s32 s26, s0  }
0xf3: {  	s31 =	smov.u32 s6;
	s28 =	sadd.s32 s5, s28;
	s25 =	sadd.s32 s5, s25  }
.LBB2_4:
0xf4: {  	s24 =	sadd.s32 $0x1, s30  }
0xf5: {  	p0 =	seq.s32 s24, s18  }
0xf6: {  	s24 =	simm.s32 @p0 $0x0;
	p0 =	sge.u32 s29, s16  }
0xf7: {  	p2 =	seq.s32 @!p0 s30, s24  }
0xf8: {  	p1 =	por p2, p0  }
0xf9: {  	s0 =	sadd.s32 @!p1 s4, s24;
	s5 =	sand.u32 @!p1 $0x1, s31  }
0xfa: {  	_ =	strace @!p1 $0x80000049;
	s8 =	simm.s32 @!p1 $0x0;
	s7 =	sshll.u32 @!p1 s0, $0xA  }
0xfb: {  	s6 =	sshll.u32 @!p1 s5, $0xD;
	s5 =	sadd.s32 @!p1 $0x3, s5;
	s7 =	sand.u32 @!p1 $0x1FFFFC00, s7  }
0xfc: {  	s0 =	sshll.u32 @!p1 s0, $0x3;
	s6 =	sadd.s32 @!p1 $0x1B080, s6;
	s7 =	sadd.s32 @!p1 s1, s7  }
0xfd: {  	[tilespmem:s6], [sflag:s5] =	stream.linear.gather @!p1 [hbm4b:s7+s8], $0x2000, $0x200038;
	[tilespmem:$0x1F100] =	vst v63  }
0xfe: {  	s0 =	sand.u32 @!p1 $0x1FFFFFF8, s0;
	s5 =	sand.u32 @!p1 $0x1, s26  }
0xff: {  	s0 =	sadd.s32 @!p1 s2, s0;
	_ =	strace @!p1 $0x90000049;
	s6 =	sshll.u32 @!p1 s5, $0x6  }
0x100: {  	s5 =	sadd.s32 @!p1 $0x5, s5;
	_ =	strace @!p1 $0x8000004A;
	s6 =	sor.u32 @!p1 $0x1F080, s6  }
0x101: {  	[tilespmem:s6], [sflag:s5] =	stream.linear.gather @!p1 [hbm4b:s0+s8], $0x40, $0x200038;
	[tilespmem:$0x1F100] =	vst v63  }
0x102: {  	s14 =	sand.u32 $0x1, s28;
	_ =	strace @!p1 $0x9000004A  }
0x103: {  	s22 =	sadd.s32 $0x3, s14;
	_ =	strace $0x8000004B  }
0x104: {  	_ =	swait.ge [sflag:s22], $0x2000  }
0x105: {  	[sflag:s22] =	ssyncset.done $0x0  }
0x106: {  	[sflag:s22] =	ssyncadd.s32 $0xFFFFE000  }
0x107: {  	s0 =	sand.u32 $0x1, s25;
	_ =	strace $0x9000004B  }
0x108: {  	s23 =	sadd.s32 $0x5, s0;
	_ =	strace $0x8000004C  }
0x109: {  	_ =	swait.ge [sflag:s23], $0x40  }
0x10a: {  	[sflag:s23] =	ssyncset.done $0x0  }
0x10b: {  	[sflag:s23] =	ssyncadd.s32 $0xFFFFFFC0  }
0x10c: {  	_ =	strace $0x9000004C  }
0x10d: {  	_ =	strace $0x8000004D  }
0x10e: {  	s13 =	sld [smem:$0x0];
	_ =	sdelay $0x2  }
0x10f: {  	s5 =	sand.u32 $0x1, s13  }
0x110: {  	p3 =	seq.s32 s5, $0x1  }
.Ltmp5:
0x111: {  	_ = 	snop;
	(pc) =	sbr.rel @p3 .LBB2_8-.Ltmp5, $1  }
0x112: {  	_ =	sdelay $0x3  }
0x113: {  	p3 =	slt.s32 s13, $0x2;
	s7 =	sshll.u32 s14, $0xD  }
0x114: {  	s6 =	simm.s32 @!p3 $0x1;
	s7 =	sadd.s32 $0x1B080, s7  }
0x115: {  	_ =	swait.ge @!p3 [sflag:s6], $0x2400;
	v10 =	vmov s7  }
0x116: {  	[sflag:s6] =	ssyncset.done @!p3 $0x0  }
0x117: {  	[sflag:s6] =	ssyncadd.s32 @!p3 $0xFFFFDC00;
	s6 =	simm.s32 $0x0  }
.LBB2_6:
0x118: {  	s7 =	sshll.u32 s6, $0x7  }
0x119: {  	s7 =	sand.u32 $0x3FFFFF80, s7  }
0x11a: {  	v15 =	vld.idx.msk [tilespmem:v10+s7+$0x0 ss:$0x1], $0xffff  }
0x11b: {  	v29 =	vld.idx.msk [tilespmem:v10+s7+$0x10 ss:$0x1], $0xffff  }
0x11c: {  	v16 =	vld.idx.msk [tilespmem:v10+s7+$0x20 ss:$0x1], $0xffff  }
0x11d: {  	v28 =	vld.idx.msk [tilespmem:v10+s7+$0x30 ss:$0x1], $0xffff  }
0x11e: {  	v17 =	vld.idx.msk [tilespmem:v10+s7+$0x40 ss:$0x1], $0xffff  }
0x11f: {  	s12 =	sor.u32 $0x1, s6;
	v22 =	vld.idx.msk [tilespmem:v10+s7+$0x50 ss:$0x1], $0xffff  }
0x120: {  	s8 =	sshll.u32 s12, $0x7;
	v18 =	vld.idx.msk [tilespmem:v10+s7+$0x60 ss:$0x1], $0xffff  }
0x121: {  	v23 =	vld.idx.msk [tilespmem:v10+s7+$0x70 ss:$0x1], $0xffff;
	s11 =	sand.u32 $0x3FFFFF80, s8  }
0x122: {  	v13 =	vld.idx.msk [tilespmem:v10+s11+$0x0 ss:$0x1], $0xffff  }
0x123: {  	v19 =	vld.idx.msk [tilespmem:v10+s11+$0x10 ss:$0x1], $0xffff;
	v11 =	vmul.f32 v15, v35;
	v12 =	vmul.f32 v29, v3  }
0x124: {  	v24 =	vld.idx.msk [tilespmem:v10+s11+$0x20 ss:$0x1], $0xffff;
	v14 =	vmul.f32 v16, v4;
	v21 =	vmul.f32 v28, v5  }
0x125: {  	v20 =	vld.idx.msk [tilespmem:v10+s11+$0x30 ss:$0x1], $0xffff;
	v25 =	vmul.f32 v17, v6;
	v26 =	vmul.f32 v22, v7  }
0x126: {  	v27 =	vld.idx.msk [tilespmem:v10+s11+$0x40 ss:$0x1], $0xffff;
	v30 =	vmul.f32 v18, v8;
	v31 =	vmul.f32 v23, v9  }
0x127: {  	v11 =	vadd.f32 v12, v11;
	v32 =	vadd.f32 v21, v14;
	v21 =	vld.idx.msk [tilespmem:v10+s11+$0x50 ss:$0x1], $0xffff  }
0x128: {  	v25 =	vadd.f32 v26, v25;
	v55 =	vadd.f32 v31, v30;
	v14 =	vld.idx.msk [tilespmem:v10+s11+$0x60 ss:$0x1], $0xffff  }
0x129: {  	v12 =	vld.idx.msk [tilespmem:v10+s11+$0x70 ss:$0x1], $0xffff  }
0x12a: {  	v11 =	vadd.f32 v32, v11;
	v25 =	vadd.f32 v55, v25  }
0x12b: {  	s9 =	sor.u32 $0x3, s6;
	v56 =	vmul.f32 v13, v35;
	v57 =	vmul.f32 v19, v3  }
0x12c: {  	s22 =	sshll.u32 s9, $0x7;
	v58 =	vmul.f32 v24, v4;
	v59 =	vmul.f32 v20, v5;
	v11 =	vadd.f32 v25, v11  }
0x12d: {  	s23 =	sand.u32 $0x3FFFFF80, s22;
	v60 =	vmul.f32 v27, v6;
	v33 =	vmul.f32 v21, v7  }
0x12e: {  	v42 =	vld.idx.msk [tilespmem:v10+s23+$0x0 ss:$0x1], $0xffff;
	v34 =	vmul.f32 v12, v9;
	(xrf2) =	vadd.scan.msk.f32 $0xffff, v11;
	v11 =	vmul.f32 v14, v8  }
0x12f: {  	v43 =	vld.idx.msk [tilespmem:v10+s23+$0x10 ss:$0x1], $0xffff;
	s11 =	sor.u32 $0x2, s6;
	v26 =	vadd.f32 v57, v56;
	v25 =	vadd.f32 v59, v58  }
0x130: {  	v44 =	vld.idx.msk [tilespmem:v10+s23+$0x20 ss:$0x1], $0xffff;
	s21 =	sshll.u32 s11, $0x7;
	v61 =	vadd.f32 v33, v60;
	v11 =	vadd.f32 v34, v11  }
0x131: {  	v38 =	vld.idx.msk [tilespmem:v10+s23+$0x40 ss:$0x1], $0xffff;
	s7 =	sand.u32 $0x3FFFFF80, s21  }
0x132: {  	v49 =	vld.idx.msk [tilespmem:v10+s7+$0x0 ss:$0x1], $0xffff;
	v25 =	vadd.f32 v25, v26;
	v11 =	vadd.f32 v11, v61  }
0x133: {  	v50 =	vld.idx.msk [tilespmem:v10+s7+$0x10 ss:$0x1], $0xffff  }
0x134: {  	v48 =	vld.idx.msk [tilespmem:v10+s7+$0x20 ss:$0x1], $0xffff;
	v11 =	vadd.f32 v11, v25  }
0x135: {  	v39 =	vld.idx.msk [tilespmem:v10+s7+$0x30 ss:$0x1], $0xffff  }
0x136: {  	v40 =	vld.idx.msk [tilespmem:v10+s7+$0x40 ss:$0x1], $0xffff;
	(xrf2) =	vadd.scan.msk.f32 $0xffff, v11  }
0x137: {  	v41 =	vld.idx.msk [tilespmem:v10+s7+$0x60 ss:$0x1], $0xffff  }
0x138: {  	v46 =	vld.idx.msk [tilespmem:v10+s7+$0x70 ss:$0x1], $0xffff  }
0x139: {  	v56 =	vmul.f32 v44, v4;
	v45 =	vld.idx.msk [tilespmem:v10+s7+$0x50 ss:$0x1], $0xffff;
	v60 =	vmul.f32 v42, v35;
	v11, _, _ =	vpop (xrf2)  }
0x13a: {  	s8 =	sor.u32 $0x4, s6;
	v0 =	vld.idx.msk [tilespmem:v10+s23+$0x50 ss:$0x1], $0xffff;
	v62 =	vmul.f32 v49, v35;
	v11 =	vmul.f32 $1.442695020e+00, v11  }
0x13b: {  	s10 =	sshll.u32 s8, $0x7;
	v32 =	vld.idx.msk [tilespmem:v10+s23+$0x30 ss:$0x1], $0xffff;
	v63 =	vmul.f32 v50, v3;
	v57 =	vmul.f32 v48, v4  }
0x13c: {  	v36 =	vld.idx.msk [tilespmem:v10+s23+$0x70 ss:$0x1], $0xffff;
	s10 =	sand.u32 $0x3FFFFF80, s10;
	v47 =	vmul.f32 v39, v5;
	v11 =	vbroadcast v11, $0xF  }
0x13d: {  	v37 =	vld.idx.msk [tilespmem:v10+s10+$0x10 ss:$0x1], $0xffff;
	v53 =	vmul.f32 v41, v8;
	v54 =	vmul.f32 v46, v9  }
0x13e: {  	v33 =	vld.idx.msk [tilespmem:v10+s23+$0x60 ss:$0x1], $0xffff;
	v51 =	vmul.f32 v40, v6;
	v52 =	vmul.f32 v45, v7  }
0x13f: {  	v30 =	vld.idx.msk [tilespmem:v10+s10+$0x40 ss:$0x1], $0xffff;
	v58 =	vadd.f32 v47, v57;
	v59 =	vadd.f32 v54, v53;
	v61 =	vmul.f32 v43, v3  }
0x140: {  	v26 =	vld.idx.msk [tilespmem:v10+s10+$0x60 ss:$0x1], $0xffff;
	v57 =	vmul.f32 v32, v5;
	v25 =	vadd.f32 v63, v62;
	(erf) = vpow2.f32 v11;
	v11, _, _ =	vpop (xrf2)  }
0x141: {  	[tilespmem:$0x1FFD0] =	vst v0;
	v34 =	vld.idx.msk [tilespmem:v10+s10+$0x0 ss:$0x1], $0xffff;
	v62 =	vmul.f32 v38, v6;
	v55 =	vmul.f32 $1.442695020e+00, v11;
	v11 =	vadd.f32 v52, v51  }
0x142: {  	v56 =	vadd.f32 v57, v56;
	v52 =	vadd.f32 v58, v25;
	v58 =	vmul.f32 v0, v7;
	v0 =	vld.idx.msk [tilespmem:v10+s10+$0x70 ss:$0x1], $0xffff  }
0x143: {  	v47 =	vld.idx.msk [tilespmem:v10+s10+$0x30 ss:$0x1], $0xffff;
	v57 =	vmul.f32 v33, v8;
	v51 =	vadd.f32 v59, v11;
	v59 =	vmul.f32 v36, v9  }
0x144: {  	v31 =	vld.idx.msk [tilespmem:v10+s10+$0x20 ss:$0x1], $0xffff;
	v53 =	vadd.f32 v61, v60  }
0x145: {  	v60 =	vmul.f32 v37, v3;
	v25 =	vld.idx.msk [tilespmem:v10+s10+$0x50 ss:$0x1], $0xffff;
	v54 =	vadd.f32 v58, v62;
	v57 =	vadd.f32 v59, v57  }
0x146: {  	v53 =	vadd.f32 v56, v53;
	v56 =	vmul.f32 v30, v6;
	v55 =	vbroadcast v55, $0xF  }
0x147: {  	v63 =	vmul.f32 v0, v9;
	v54 =	vadd.f32 v57, v54;
	v57 =	vmul.f32 v26, v8  }
0x148: {  	v61 =	vmul.f32 v47, v5;
	v58 =	vmul.f32 v34, v35  }
0x149: {  	(erf) = vpow2.f32 v55;
	v57 =	vadd.f32 v63, v57;
	v63 =	vadd.f32 v54, v53  }
0x14a: {  	v59 =	vmul.f32 v31, v4;
	v51 =	vadd.f32 v51, v52;
	v62 =	vmul.f32 v25, v7  }
0x14b: {  	v58 =	vadd.f32 v60, v58  }
0x14c: {  	v59 =	vadd.f32 v61, v59;
	(xrf2) =	vadd.scan.msk.f32 $0xffff, v51;
	v56 =	vadd.f32 v62, v56  }
0x14d: {  	s10 =	sor.u32 $0x5, s6;
	[tilespmem:$0x1FFE0] =	vst v0;
	v0 =	vld [tilespmem:$0x1FFF0];
	(xrf2) =	vadd.scan.msk.f32 $0xffff, v63;
	v63 =	vpop (erf)  }
0x14e: {  	s21 =	sshll.u32 s10, $0x7;
	v60 =	vadd.f32 v59, v58;
	v61 =	vadd.f32 v57, v56;
	v51 =	vmul.f32 v63, v15  }
0x14f: {  	v1 =	vld [tilespmem:$0x1FFF0];
	s22 =	smul.u32 $0x240, s6;
	s21 =	sand.u32 $0x3FFFFF80, s21;
	v29 =	vmul.f32 v63, v29;
	v53 =	vmul.f32 v63, v16  }
0x150: {  	v62 =	vadd.f32 v61, v60;
	v15 =	vld.idx.msk [tilespmem:v10+s21+$0x0 ss:$0x1], $0xffff;
	v28 =	vmul.f32 v63, v28;
	v54 =	vmul.f32 v63, v17  }
0x151: {  	s22 =	sshra.s32 s22, $0x2;
	v16 =	vld.idx.msk [tilespmem:v10+s21+$0x10 ss:$0x1], $0xffff;
	v55 =	vmul.f32 v63, v22;
	v56 =	vmul.f32 v63, v18  }
0x152: {  	v17 =	vld.idx.msk [tilespmem:v10+s21+$0x20 ss:$0x1], $0xffff;
	v57 =	vmul.f32 v63, v23;
	v58 =	vpop (erf);
	v52 =	vmul.f32 v0, v63;
	(xrf2) =	vadd.scan.msk.f32 $0xffff, v62;
	[tilespmem:s22+$0x0] =	vst v51  }
0x153: {  	v18 =	vld.idx.msk [tilespmem:v10+s21+$0x30 ss:$0x1], $0xffff;
	v59 =	vmul.f32 v58, v13;
	v60 =	vmul.f32 v58, v19;
	[tilespmem:s22+$0x10] =	vst v29  }
0x154: {  	v22 =	vld.idx.msk [tilespmem:v10+s21+$0x40 ss:$0x1], $0xffff;
	v61 =	vmul.f32 v58, v24;
	v62 =	vmul.f32 v58, v27;
	[tilespmem:s22+$0x20] =	vst v53  }
0x155: {  	s7 =	sor.u32 $0x6, s6;
	v23 =	vld.idx.msk [tilespmem:v10+s21+$0x70 ss:$0x1], $0xffff;
	v63 =	vmul.f32 v58, v21;
	v0 =	vmul.f32 v58, v12;
	[tilespmem:s22+$0x30] =	vst v28  }
0x156: {  	s23 =	sshll.u32 s7, $0x7;
	v13 =	vld.idx.msk [tilespmem:v10+s21+$0x50 ss:$0x1], $0xffff;
	v51 =	vmul.f32 v58, v20;
	v53 =	vmul.f32 v58, v14;
	[tilespmem:s22+$0x40] =	vst v54;
	v24, _, _ =	vpop (xrf2)  }
0x157: {  	s23 =	sand.u32 $0x3FFFFF80, s23;
	v19 =	vld.idx.msk [tilespmem:v10+s21+$0x60 ss:$0x1], $0xffff;
	v54 =	vmul.f32 v1, v58;
	[tilespmem:s22+$0x60] =	vst v56;
	v24 =	vmul.f32 $1.442695020e+00, v24  }
0x158: {  	s12 =	smul.u32 $0x240, s12;
	v21 =	vld.idx.msk [tilespmem:v10+s23+$0x20 ss:$0x1], $0xffff;
	[tilespmem:s22+$0x70] =	vst v57;
	v56 =	vmul.f32 v15, v35;
	v57 =	vmul.f32 v16, v3  }
0x159: {  	v20 =	vld.idx.msk [tilespmem:v10+s23+$0x0 ss:$0x1], $0xffff;
	[tilespmem:s22+$0x80] =	vst v52;
	v52 =	vmul.f32 v17, v4;
	v12 =	vbroadcast v24, $0xF;
	v27, _, _ =	vpop (xrf2)  }
0x15a: {  	[tilespmem:s22+$0x50] =	vst v55;
	s22 =	sshra.s32 s12, $0x2;
	v58 =	vmul.f32 v18, v5;
	v24 =	vld.idx.msk [tilespmem:v10+s23+$0x10 ss:$0x1], $0xffff;
	v14 =	vmul.f32 $1.442695020e+00, v27  }
0x15b: {  	[tilespmem:s22+$0x0] =	vst v59;
	v59 =	vmul.f32 v22, v6;
	(erf) = vpow2.f32 v12;
	v27 =	vld.idx.msk [tilespmem:v10+s23+$0x30 ss:$0x1], $0xffff  }
0x15c: {  	[tilespmem:s22+$0x10] =	vst v60;
	v60 =	vmul.f32 v23, v9;
	v12 =	vld.idx.msk [tilespmem:v10+s23+$0x70 ss:$0x1], $0xffff;
	v14 =	vbroadcast v14, $0xF;
	v29, _, _ =	vpop (xrf2)  }
0x15d: {  	v1 =	vmul.f32 v13, v7;
	v28 =	vmul.f32 $1.442695020e+00, v29;
	v29 =	vld.idx.msk [tilespmem:v10+s23+$0x50 ss:$0x1], $0xffff  }
0x15e: {  	v56 =	vadd.f32 v57, v56;
	v57 =	vmul.f32 v19, v8;
	(erf) = vpow2.f32 v14;
	v14 =	vld.idx.msk [tilespmem:v10+s23+$0x60 ss:$0x1], $0xffff  }
0x15f: {  	[tilespmem:s22+$0x20] =	vst v61;
	v52 =	vadd.f32 v58, v52;
	v55 =	vbroadcast v28, $0xF;
	v28 =	vld.idx.msk [tilespmem:v10+s23+$0x40 ss:$0x1], $0xffff  }
0x160: {  	[tilespmem:s22+$0x30] =	vst v51;
	v51 =	vmul.f32 v21, v4;
	v1 =	vadd.f32 v1, v59;
	v57 =	vadd.f32 v60, v57  }
0x161: {  	[tilespmem:s22+$0x40] =	vst v62;
	v58 =	vmul.f32 v20, v35;
	v61 =	vmul.f32 v24, v3  }
0x162: {  	s12 =	sor.u32 $0x7, s6;
	[tilespmem:s22+$0x50] =	vst v63;
	v52 =	vadd.f32 v52, v56;
	v1 =	vadd.f32 v57, v1;
	v59 =	vmul.f32 v27, v5  }
0x163: {  	[tilespmem:s22+$0x70] =	vst v0;
	v58 =	vadd.f32 v61, v58;
	v2 =	vmul.f32 v12, v9;
	s23 =	sshll.u32 s12, $0x7;
	v62 =	vmul.f32 v29, v7  }
0x164: {  	v11 =	vld [tilespmem:$0x1FFF0];
	[tilespmem:s22+$0x60] =	vst v53;
	v1 =	vadd.f32 v1, v52;
	s21 =	sand.u32 $0x3FFFFF80, s23;
	v63 =	vpop (erf);
	v61 =	vmul.f32 v14, v8;
	v60 =	vmul.f32 v28, v6  }
0x165: {  	[tilespmem:s22+$0x80] =	vst v54;
	v51 =	vadd.f32 v59, v51;
	(erf) = vpow2.f32 v55;
	v53 =	vmul.f32 v63, v39;
	v39 =	vld.idx.msk [tilespmem:v10+s21+$0x0 ss:$0x1], $0xffff  }
0x166: {  	s11 =	smul.u32 $0x240, s11;
	v52 =	vmul.f32 v63, v41;
	v41 =	vld.idx.msk [tilespmem:v10+s21+$0x20 ss:$0x1], $0xffff;
	v2 =	vadd.f32 v2, v61;
	v0 =	vadd.f32 v62, v60  }
0x167: {  	v51 =	vadd.f32 v51, v58;
	v48 =	vmul.f32 v63, v48;
	v54 =	vmul.f32 v63, v45;
	v45 =	vld.idx.msk [tilespmem:v10+s21+$0x40 ss:$0x1], $0xffff  }
0x168: {  	s22 =	sshra.s32 s11, $0x2;
	v49 =	vmul.f32 v63, v49;
	v60 =	vmul.f32 v63, v46;
	v61 =	vpop (erf);
	v46 =	vld.idx.msk [tilespmem:v10+s21+$0x50 ss:$0x1], $0xffff;
	v0 =	vadd.f32 v2, v0  }
0x169: {  	v50 =	vmul.f32 v63, v50;
	[tilespmem:s22+$0x20] =	vst v48;
	v48 =	vmul.f32 v61, v32;
	v32 =	vld.idx.msk [tilespmem:v10+s21+$0x60 ss:$0x1], $0xffff  }
0x16a: {  	[tilespmem:s22+$0x0] =	vst v49;
	v57 =	vmul.f32 v61, v33;
	v33 =	vld.idx.msk [tilespmem:v10+s21+$0x70 ss:$0x1], $0xffff;
	v0 =	vadd.f32 v0, v51  }
0x16b: {  	s11 =	sor.u32 $0x8, s6;
	(xrf2) =	vadd.scan.msk.f32 $0xffff, v1;
	[tilespmem:s22+$0x10] =	vst v50;
	v2 =	vmul.f32 v63, v40;
	v40 =	vld.idx.msk [tilespmem:v10+s21+$0x10 ss:$0x1], $0xffff  }
0x16c: {  	s23 =	sshll.u32 s11, $0x7;
	[tilespmem:s22+$0x30] =	vst v53;
	(xrf2) =	vadd.scan.msk.f32 $0xffff, v0;
	v0 =	vld [tilespmem:$0x1FFD0]  }
0x16d: {  	[tilespmem:s22+$0x50] =	vst v54;
	v51 =	vmul.f32 v61, v42;
	v42 =	vld.idx.msk [tilespmem:v10+s21+$0x30 ss:$0x1], $0xffff;
	s21 =	sand.u32 $0x3FFFFF80, s23  }
0x16e: {  	[tilespmem:s22+$0x60] =	vst v52;
	v62 =	vmul.f32 v11, v63;
	v43 =	vmul.f32 v61, v43;
	v11 =	vld.idx.msk [tilespmem:v10+s21+$0x0 ss:$0x1], $0xffff  }
0x16f: {  	s9 =	smul.u32 $0x240, s9;
	v44 =	vmul.f32 v61, v44;
	v50 =	vmul.f32 v61, v38;
	[tilespmem:s22+$0x70] =	vst v60;
	v1 =	vld.idx.msk [tilespmem:v10+s21+$0x10 ss:$0x1], $0xffff  }
0x170: {  	v49 =	vmul.f32 v41, v4;
	[tilespmem:s22+$0x40] =	vst v2;
	v2 =	vmul.f32 v61, v36;
	v58 =	vpop (erf);
	v38 =	vld.idx.msk [tilespmem:v10+s21+$0x40 ss:$0x1], $0xffff  }
0x171: {  	[tilespmem:s22+$0x80] =	vst v62;
	s22 =	sshra.s32 s9, $0x2;
	v54 =	vmul.f32 v58, v34;
	v53 =	vmul.f32 v61, v0;
	v0 =	vld [tilespmem:$0x1FFF0]  }
0x172: {  	v36 =	vld.idx.msk [tilespmem:v10+s21+$0x50 ss:$0x1], $0xffff;
	[tilespmem:s22+$0x20] =	vst v44;
	v59 =	vmul.f32 v58, v37;
	v52 =	vmul.f32 v58, v47  }
0x173: {  	s9 =	sor.u32 $0x9, s6;
	v44 =	vld.idx.msk [tilespmem:v10+s21+$0x60 ss:$0x1], $0xffff;
	v47 =	vmul.f32 v39, v35;
	[tilespmem:s22+$0x0] =	vst v51;
	v51 =	vmul.f32 v45, v6  }
0x174: {  	[tilespmem:s22+$0x10] =	vst v43;
	s23 =	sshll.u32 s9, $0x7;
	v34 =	vld.idx.msk [tilespmem:v10+s21+$0x20 ss:$0x1], $0xffff;
	v62 =	vmul.f32 v32, v8;
	v63 =	vmul.f32 v33, v9  }
0x175: {  	[tilespmem:s22+$0x30] =	vst v48;
	v37 =	vld.idx.msk [tilespmem:v10+s21+$0x30 ss:$0x1], $0xffff;
	s23 =	sand.u32 $0x3FFFFF80, s23;
	v55 =	vmul.f32 v40, v3;
	v60 =	vmul.f32 v42, v5  }
0x176: {  	[tilespmem:s22+$0x40] =	vst v50;
	v50 =	vld.idx.msk [tilespmem:v10+s23+$0x40 ss:$0x1], $0xffff;
	v56 =	vmul.f32 v0, v61;
	v61 =	vmul.f32 v46, v7  }
0x177: {  	v31 =	vmul.f32 v58, v31;
	v47 =	vadd.f32 v55, v47;
	v55 =	vld.idx.msk [tilespmem:v10+s21+$0x70 ss:$0x1], $0xffff;
	v49 =	vadd.f32 v60, v49  }
0x178: {  	v43, _, _ =	vpop (xrf2);
	v60 =	vmul.f32 v58, v30;
	v30 =	vld.idx.msk [tilespmem:v10+s23+$0x0 ss:$0x1], $0xffff;
	v48 =	vadd.f32 v61, v51;
	v51 =	vadd.f32 v63, v62  }
0x179: {  	[tilespmem:s22+$0x60] =	vst v57;
	v57 =	vmul.f32 v1, v3;
	v49 =	vadd.f32 v49, v47;
	v47 =	vld.idx.msk [tilespmem:v10+s23+$0x10 ss:$0x1], $0xffff;
	v0 =	vmul.f32 $1.442695020e+00, v43;
	v43, _, _ =	vpop (xrf2)  }
0x17a: {  	s8 =	smul.u32 $0x240, s8;
	[tilespmem:s22+$0x50] =	vst v53;
	v53 =	vmul.f32 v58, v25;
	v25 =	vld.idx.msk [tilespmem:v10+s23+$0x70 ss:$0x1], $0xffff;
	v43 =	vmul.f32 $1.442695020e+00, v43;
	v63 =	vadd.f32 v51, v48  }
0x17b: {  	v0 =	vbroadcast v0, $0xF;
	[tilespmem:s22+$0x80] =	vst v56;
	v56 =	vmul.f32 v11, v35;
	v48 =	vld.idx.msk [tilespmem:v10+s23+$0x20 ss:$0x1], $0xffff  }
0x17c: {  	[tilespmem:s22+$0x70] =	vst v2;
	s22 =	sshra.s32 s8, $0x2;
	v61 =	vmul.f32 v37, v5;
	v43 =	vbroadcast v43, $0xF;
	v51 =	vld.idx.msk [tilespmem:v10+s23+$0x50 ss:$0x1], $0xffff;
	v2 =	vadd.f32 v63, v49  }
0x17d: {  	[tilespmem:s22+$0x0] =	vst v54;
	(erf) = vpow2.f32 v0;
	v0 =	vmul.f32 v58, v26;
	v26 =	vld.idx.msk [tilespmem:v10+s23+$0x60 ss:$0x1], $0xffff  }
0x17e: {  	v54 =	vadd.f32 v57, v56;
	v56 =	vmul.f32 v38, v6;
	v63 =	vld [tilespmem:$0x1FFE0];
	(xrf2) =	vadd.scan.msk.f32 $0xffff, v2;
	v2 =	vmul.f32 v34, v4  }
0x17f: {  	v62 =	vld [tilespmem:$0x1FFF0];
	[tilespmem:s22+$0x30] =	vst v52;
	v57 =	vmul.f32 v36, v7;
	(erf) = vpow2.f32 v43  }
0x180: {  	v43 =	vmul.f32 v44, v8;
	v49 =	vld.idx.msk [tilespmem:v10+s23+$0x30 ss:$0x1], $0xffff;
	v2 =	vadd.f32 v61, v2;
	v61 =	vmul.f32 v55, v9  }
0x181: {  	[tilespmem:s22+$0x40] =	vst v60;
	v56 =	vadd.f32 v57, v56;
	v57 =	vmul.f32 v47, v3;
	v52 =	vmul.f32 v48, v4  }
0x182: {  	[tilespmem:s22+$0x50] =	vst v53;
	v60 =	vmul.f32 v51, v7;
	v53 =	vmul.f32 v26, v8;
	v61 =	vadd.f32 v61, v43  }
0x183: {  	s8 =	sor.u32 $0xA, s6;
	[tilespmem:s22+$0x10] =	vst v59;
	v59 =	vmul.f32 v58, v63;
	v63 =	vmul.f32 v25, v9  }
0x184: {  	[tilespmem:s22+$0x20] =	vst v31;
	s23 =	sshll.u32 s8, $0x7;
	v43 =	vmul.f32 v30, v35;
	v2 =	vadd.f32 v2, v54;
	v31 =	vadd.f32 v61, v56  }
0x185: {  	[tilespmem:s22+$0x60] =	vst v0;
	s21 =	sand.u32 $0x3FFFFF80, s23;
	v58 =	vmul.f32 v62, v58;
	v54 =	vmul.f32 v49, v5;
	v63 =	vadd.f32 v63, v53  }
0x186: {  	s10 =	smul.u32 $0x240, s10;
	v53 =	vld.idx.msk [tilespmem:v10+s21+$0x10 ss:$0x1], $0xffff;
	v56 =	vmul.f32 v50, v6;
	v43 =	vadd.f32 v57, v43;
	v61 =	vpop (erf);
	v2 =	vadd.f32 v31, v2  }
0x187: {  	[tilespmem:s22+$0x70] =	vst v59;
	v0 =	vmul.f32 v61, v15;
	v15 =	vmul.f32 v61, v16;
	v16 =	vadd.f32 v54, v52  }
0x188: {  	[tilespmem:s22+$0x80] =	vst v58;
	s22 =	sshra.s32 s10, $0x2;
	v54 =	vmul.f32 v61, v17;
	v17 =	vadd.f32 v60, v56;
	v18 =	vmul.f32 v61, v18  }
0x189: {  	v52 =	vld.idx.msk [tilespmem:v10+s21+$0x0 ss:$0x1], $0xffff;
	v57 =	vmul.f32 v61, v22;
	v13 =	vmul.f32 v61, v13;
	v60, _, _ =	vpop (xrf2);
	(xrf2) =	vadd.scan.msk.f32 $0xffff, v2;
	[tilespmem:s22+$0x0] =	vst v0  }
0x18a: {  	v22 =	vld.idx.msk [tilespmem:v10+s21+$0x20 ss:$0x1], $0xffff;
	v31 =	vmul.f32 $1.442695020e+00, v60;
	v16 =	vadd.f32 v16, v43;
	v63 =	vadd.f32 v63, v17;
	[tilespmem:s22+$0x10] =	vst v15  }
0x18b: {  	v60 =	vmul.f32 v61, v19;
	v17 =	vld.idx.msk [tilespmem:v10+s21+$0x30 ss:$0x1], $0xffff;
	v0 =	vmul.f32 v61, v23;
	[tilespmem:s22+$0x20] =	vst v54  }
0x18c: {  	v23 =	vld.idx.msk [tilespmem:v10+s21+$0x40 ss:$0x1], $0xffff;
	[tilespmem:s22+$0x30] =	vst v18;
	v2 =	vpop (erf);
	v31 =	vbroadcast v31, $0xF;
	v16 =	vadd.f32 v63, v16;
	v63 =	vmul.f32 v62, v61  }
0x18d: {  	v19 =	vld.idx.msk [tilespmem:v10+s21+$0x50 ss:$0x1], $0xffff;
	[tilespmem:s22+$0x40] =	vst v57;
	v43 =	vmul.f32 v2, v20;
	v54 =	vmul.f32 v2, v24  }
0x18e: {  	[tilespmem:s22+$0x50] =	vst v13;
	v20 =	vld.idx.msk [tilespmem:v10+s21+$0x60 ss:$0x1], $0xffff;
	v21 =	vmul.f32 v2, v21;
	v27 =	vmul.f32 v2, v27  }
0x18f: {  	s7 =	smul.u32 $0x240, s7;
	s10 =	sor.u32 $0xB, s6;
	v24 =	vld.idx.msk [tilespmem:v10+s21+$0x70 ss:$0x1], $0xffff;
	v28 =	vmul.f32 v2, v28;
	[tilespmem:s22+$0x60] =	vst v60;
	(erf) = vpow2.f32 v31  }
0x190: {  	s23 =	sshll.u32 s10, $0x7;
	[tilespmem:s22+$0x70] =	vst v0;
	v13 =	vmul.f32 v52, v35;
	(xrf2) =	vadd.scan.msk.f32 $0xffff, v16;
	v16 =	vmul.f32 v53, v3  }
0x191: {  	s7 =	sshra.s32 s7, $0x2;
	s21 =	sand.u32 $0x3FFFFF80, s23;
	v18 =	vmul.f32 v22, v4;
	[tilespmem:s22+$0x80] =	vst v63;
	v60 =	vmul.f32 v17, v5  }
0x192: {  	v29 =	vmul.f32 v2, v29;
	[tilespmem:s7+$0x0] =	vst v43;
	v13 =	vadd.f32 v16, v13;
	v16 =	vld.idx.msk [tilespmem:v10+s21+$0x10 ss:$0x1], $0xffff  }
0x193: {  	v0 =	vmul.f32 v23, v6;
	v56 =	vmul.f32 v19, v7;
	v31 =	vadd.f32 v60, v18;
	v18 =	vld.idx.msk [tilespmem:v10+s21+$0x20 ss:$0x1], $0xffff  }
0x194: {  	[tilespmem:s7+$0x10] =	vst v54;
	v57 =	vmul.f32 v20, v8;
	v61 =	vmul.f32 v24, v9;
	v63, _, _ =	vpop (xrf2)  }
0x195: {  	v15 =	vld.idx.msk [tilespmem:v10+s21+$0x0 ss:$0x1], $0xffff;
	v54 =	vmul.f32 v2, v12;
	[tilespmem:s7+$0x20] =	vst v21;
	v60 =	vmul.f32 $1.442695020e+00, v63  }
0x196: {  	[tilespmem:s7+$0x30] =	vst v27;
	v0 =	vadd.f32 v56, v0;
	v61 =	vadd.f32 v61, v57;
	v63 =	vmul.f32 v62, v2  }
0x197: {  	v14 =	vmul.f32 v2, v14;
	v21 =	vld.idx.msk [tilespmem:v10+s21+$0x30 ss:$0x1], $0xffff;
	[tilespmem:s7+$0x70] =	vst v54;
	v13 =	vadd.f32 v31, v13;
	v43 =	vbroadcast v60, $0xF  }
0x198: {  	v0 =	vadd.f32 v61, v0;
	[tilespmem:s7+$0x80] =	vst v63;
	v63 =	vmul.f32 v16, v3;
	v54 =	vmul.f32 v18, v4;
	v58 =	vpop (erf)  }
0x199: {  	s12 =	smul.u32 $0x240, s12;
	[tilespmem:s7+$0x40] =	vst v28;
	v12 =	vld.idx.msk [tilespmem:v10+s21+$0x50 ss:$0x1], $0xffff;
	v56 =	vmul.f32 v58, v39;
	v60 =	vmul.f32 v58, v40  }
0x19a: {  	[tilespmem:s7+$0x60] =	vst v14;
	v14 =	vld.idx.msk [tilespmem:v10+s21+$0x70 ss:$0x1], $0xffff;
	v0 =	vadd.f32 v0, v13;
	(erf) = vpow2.f32 v43;
	v61 =	vmul.f32 v58, v41  }
0x19b: {  	s12 =	sshra.s32 s12, $0x2;
	[tilespmem:s7+$0x50] =	vst v29;
	v13 =	vld.idx.msk [tilespmem:v10+s21+$0x60 ss:$0x1], $0xffff;
	v2, _, _ =	vpop (xrf2);
	v39 =	vmul.f32 v58, v42;
	v40 =	vmul.f32 v58, v45  }
0x19c: {  	v32 =	vmul.f32 v58, v32;
	v59 =	vmul.f32 $1.442695020e+00, v2;
	v2 =	vld.idx.msk [tilespmem:v10+s21+$0x40 ss:$0x1], $0xffff;
	(xrf2) =	vadd.scan.msk.f32 $0xffff, v0;
	[tilespmem:s12+$0x0] =	vst v56  }
0x19d: {  	v33 =	vmul.f32 v58, v33;
	v0 =	vmul.f32 v58, v46;
	[tilespmem:s12+$0x10] =	vst v60  }
0x19e: {  	v56 =	vmul.f32 v21, v5;
	[tilespmem:s12+$0x20] =	vst v61;
	v31 =	vbroadcast v59, $0xF  }
0x19f: {  	v61 =	vmul.f32 v14, v9;
	[tilespmem:s12+$0x30] =	vst v39;
	v59 =	vmul.f32 v12, v7  }
0x1a0: {  	[tilespmem:s12+$0x40] =	vst v40;
	(erf) = vpow2.f32 v31;
	v31 =	vmul.f32 v15, v35  }
0x1a1: {  	s7 =	sor.u32 $0xC, s6;
	[tilespmem:s12+$0x60] =	vst v32;
	v60 =	vmul.f32 v13, v8;
	v57 =	vmul.f32 v2, v6  }
0x1a2: {  	s22 =	sshll.u32 s7, $0x7;
	[tilespmem:s12+$0x70] =	vst v33;
	v27 =	vadd.f32 v56, v54;
	v31 =	vadd.f32 v63, v31  }
0x1a3: {  	s21 =	sand.u32 $0x3FFFFF80, s22;
	[tilespmem:s12+$0x50] =	vst v0;
	v0 =	vmul.f32 v62, v58;
	v29 =	vadd.f32 v61, v60;
	v28 =	vadd.f32 v59, v57;
	v63 =	vpop (erf)  }
0x1a4: {  	s11 =	smul.u32 $0x240, s11;
	v31 =	vadd.f32 v27, v31;
	v27 =	vld.idx.msk [tilespmem:v10+s21+$0x0 ss:$0x1], $0xffff;
	v11 =	vmul.f32 v63, v11;
	v1 =	vmul.f32 v63, v1  }
0x1a5: {  	v33 =	vld.idx.msk [tilespmem:v10+s21+$0x60 ss:$0x1], $0xffff;
	v29 =	vadd.f32 v29, v28;
	v34 =	vmul.f32 v63, v34;
	v37 =	vmul.f32 v63, v37  }
0x1a6: {  	s23 =	sshra.s32 s11, $0x2;
	[tilespmem:s12+$0x80] =	vst v0;
	v28 =	vld.idx.msk [tilespmem:v10+s21+$0x10 ss:$0x1], $0xffff;
	v38 =	vmul.f32 v63, v38;
	v0 =	vmul.f32 v63, v36;
	v46, _, _ =	vpop (xrf2)  }
0x1a7: {  	v56 =	vmul.f32 v63, v44;
	v32 =	vmul.f32 $1.442695020e+00, v46;
	v54 =	vadd.f32 v29, v31;
	v29 =	vld.idx.msk [tilespmem:v10+s21+$0x20 ss:$0x1], $0xffff;
	[tilespmem:s23+$0x0] =	vst v11  }
0x1a8: {  	v31 =	vld.idx.msk [tilespmem:v10+s21+$0x30 ss:$0x1], $0xffff;
	v11 =	vmul.f32 v63, v55;
	[tilespmem:s23+$0x10] =	vst v1;
	v1 =	vmul.f32 v62, v63  }
0x1a9: {  	[tilespmem:s23+$0x20] =	vst v34;
	v34 =	vld.idx.msk [tilespmem:v10+s21+$0x70 ss:$0x1], $0xffff;
	v40 =	vpop (erf);
	v57 =	vbroadcast v32, $0xF;
	v58 =	vmul.f32 v27, v35  }
0x1aa: {  	s11 =	sor.u32 $0xD, s6;
	v32 =	vld.idx.msk [tilespmem:v10+s21+$0x40 ss:$0x1], $0xffff;
	[tilespmem:s23+$0x80] =	vst v1;
	v1 =	vmul.f32 v33, v8;
	v39 =	vmul.f32 v40, v30  }
0x1ab: {  	s22 =	sshll.u32 s11, $0x7;
	v30 =	vld.idx.msk [tilespmem:v10+s21+$0x50 ss:$0x1], $0xffff;
	v43 =	vmul.f32 v40, v47;
	v44 =	vmul.f32 v40, v48  }
0x1ac: {  	(xrf2) =	vadd.scan.msk.f32 $0xffff, v54;
	v45 =	vmul.f32 v40, v49;
	v46 =	vmul.f32 v40, v50;
	s21 =	sand.u32 $0x3FFFFF80, s22  }
0x1ad: {  	[tilespmem:s23+$0x50] =	vst v0;
	v47 =	vmul.f32 v40, v51;
	v59 =	vmul.f32 v28, v3;
	v0 =	vld.idx.msk [tilespmem:v10+s21+$0x0 ss:$0x1], $0xffff  }
0x1ae: {  	[tilespmem:s23+$0x30] =	vst v37;
	(erf) = vpow2.f32 v57;
	v36 =	vld.idx.msk [tilespmem:v10+s21+$0x10 ss:$0x1], $0xffff;
	v60 =	vmul.f32 v29, v4  }
0x1af: {  	s9 =	smul.u32 $0x240, s9;
	[tilespmem:s23+$0x40] =	vst v38;
	v37 =	vld.idx.msk [tilespmem:v10+s21+$0x20 ss:$0x1], $0xffff;
	v61 =	vmul.f32 v31, v5;
	v57 =	vmul.f32 v34, v9  }
0x1b0: {  	[tilespmem:s23+$0x70] =	vst v11;
	v38 =	vld.idx.msk [tilespmem:v10+s21+$0x30 ss:$0x1], $0xffff;
	v11 =	vmul.f32 v32, v6;
	v63 =	vmul.f32 v30, v7  }
0x1b1: {  	s22 =	sshra.s32 s9, $0x2;
	v48 =	vmul.f32 v40, v25;
	v25 =	vld.idx.msk [tilespmem:v10+s21+$0x50 ss:$0x1], $0xffff;
	v41 =	vadd.f32 v59, v58;
	v58 =	vadd.f32 v61, v60  }
0x1b2: {  	[tilespmem:s22+$0x0] =	vst v39;
	v39 =	vld.idx.msk [tilespmem:v10+s21+$0x60 ss:$0x1], $0xffff;
	v1 =	vadd.f32 v57, v1;
	v11 =	vadd.f32 v63, v11  }
0x1b3: {  	[tilespmem:s23+$0x60] =	vst v56;
	v54 =	vmul.f32 v40, v26;
	s9 =	sor.u32 $0xE, s6;
	v50 =	vmul.f32 v62, v40;
	v42 =	vld.idx.msk [tilespmem:v10+s21+$0x70 ss:$0x1], $0xffff  }
0x1b4: {  	v26 =	vld.idx.msk [tilespmem:v10+s21+$0x40 ss:$0x1], $0xffff;
	s23 =	sshll.u32 s9, $0x7;
	[tilespmem:s22+$0x10] =	vst v43;
	v41 =	vadd.f32 v58, v41;
	v1 =	vadd.f32 v1, v11  }
0x1b5: {  	s23 =	sand.u32 $0x3FFFFF80, s23;
	[tilespmem:s22+$0x20] =	vst v44;
	v55 =	vmul.f32 v36, v3;
	v56 =	vmul.f32 v37, v4  }
0x1b6: {  	v40 =	vld.idx.msk [tilespmem:v10+s23+$0x0 ss:$0x1], $0xffff;
	v57 =	vmul.f32 v38, v5;
	v58 =	vmul.f32 v25, v7;
	v59, _, _ =	vpop (xrf2);
	v1 =	vadd.f32 v1, v41  }
0x1b7: {  	[tilespmem:s22+$0x40] =	vst v46;
	v43 =	vld.idx.msk [tilespmem:v10+s23+$0x20 ss:$0x1], $0xffff;
	v46 =	vmul.f32 v39, v8;
	v51 =	vpop (erf);
	v60 =	vmul.f32 $1.442695020e+00, v59  }
0x1b8: {  	[tilespmem:s22+$0x30] =	vst v45;
	v44 =	vld.idx.msk [tilespmem:v10+s23+$0x30 ss:$0x1], $0xffff;
	v59 =	vmul.f32 v42, v9;
	v11 =	vmul.f32 v51, v53;
	(xrf2) =	vadd.scan.msk.f32 $0xffff, v1  }
0x1b9: {  	v45 =	vld.idx.msk [tilespmem:v10+s23+$0x40 ss:$0x1], $0xffff;
	v61 =	vadd.f32 v57, v56;
	v53 =	vmul.f32 v0, v35;
	v1 =	vmul.f32 v26, v6  }
0x1ba: {  	[tilespmem:s22+$0x60] =	vst v54;
	v49 =	vmul.f32 v51, v52;
	v41 =	vld.idx.msk [tilespmem:v10+s23+$0x10 ss:$0x1], $0xffff;
	v52 =	vbroadcast v60, $0xF;
	v63 =	vadd.f32 v59, v46  }
0x1bb: {  	v60 =	vmul.f32 v51, v22;
	v22 =	vld.idx.msk [tilespmem:v10+s23+$0x50 ss:$0x1], $0xffff;
	v53 =	vadd.f32 v55, v53;
	v1 =	vadd.f32 v58, v1  }
0x1bc: {  	s12 =	sor.u32 $0xF, s6;
	[tilespmem:s22+$0x70] =	vst v48;
	v48 =	vmul.f32 v40, v35;
	v46 =	vld.idx.msk [tilespmem:v10+s23+$0x60 ss:$0x1], $0xffff;
	(erf) = vpow2.f32 v52  }
0x1bd: {  	s8 =	smul.u32 $0x240, s8;
	v52 =	vmul.f32 v51, v17;
	v17 =	vld.idx.msk [tilespmem:v10+s23+$0x70 ss:$0x1], $0xffff;
	s23 =	sshll.u32 s12, $0x7;
	v59 =	vadd.f32 v61, v53;
	v1 =	vadd.f32 v63, v1  }
0x1be: {  	[tilespmem:s22+$0x80] =	vst v50;
	v57 =	vmul.f32 v44, v5;
	v54 =	vmul.f32 v51, v23;
	s21 =	sand.u32 $0x3FFFFF80, s23  }
0x1bf: {  	s8 =	sshra.s32 s8, $0x2;
	v56 =	vmul.f32 v51, v19;
	v55 =	vmul.f32 v51, v24;
	v19 =	vld.idx.msk [tilespmem:v10+s21+$0x0 ss:$0x1], $0xffff;
	v1 =	vadd.f32 v1, v59  }
0x1c0: {  	[tilespmem:s8+$0x0] =	vst v49;
	v49 =	vmul.f32 v43, v4;
	v53 =	vmul.f32 v51, v20  }
0x1c1: {  	[tilespmem:s8+$0x10] =	vst v11;
	v50 =	vmul.f32 v41, v3;
	v20 =	vld.idx.msk [tilespmem:v10+s21+$0x10 ss:$0x1], $0xffff;
	v11 =	vmul.f32 v22, v7;
	(xrf2) =	vadd.scan.msk.f32 $0xffff, v1  }
0x1c2: {  	[tilespmem:s8+$0x20] =	vst v60;
	v23 =	vld.idx.msk [tilespmem:v10+s21+$0x20 ss:$0x1], $0xffff;
	v59 =	vmul.f32 v46, v8;
	v1 =	vmul.f32 v45, v6;
	v58, _, _ =	vpop (xrf2)  }
0x1c3: {  	v24 =	vld.idx.msk [tilespmem:v10+s21+$0x30 ss:$0x1], $0xffff;
	[tilespmem:s8+$0x30] =	vst v52;
	v60 =	vmul.f32 v17, v9;
	v52 =	vmul.f32 $1.442695020e+00, v58  }
0x1c4: {  	v57 =	vadd.f32 v57, v49;
	v49 =	vld.idx.msk [tilespmem:v10+s21+$0x70 ss:$0x1], $0xffff;
	v63 =	vmul.f32 v19, v35;
	v1 =	vadd.f32 v11, v1  }
0x1c5: {  	v61 =	vpop (erf);
	v11 =	vadd.f32 v60, v59;
	v58 =	vadd.f32 v50, v48;
	v48 =	vld.idx.msk [tilespmem:v10+s21+$0x50 ss:$0x1], $0xffff;
	v52 =	vbroadcast v52, $0xF  }
0x1c6: {  	[tilespmem:s8+$0x50] =	vst v56;
	v56 =	vmul.f32 v20, v3;
	v50 =	vld.idx.msk [tilespmem:v10+s21+$0x60 ss:$0x1], $0xffff;
	v2 =	vmul.f32 v61, v2  }
0x1c7: {  	s10 =	smul.u32 $0x240, s10;
	[tilespmem:s22+$0x50] =	vst v47;
	v47 =	vld.idx.msk [tilespmem:v10+s21+$0x40 ss:$0x1], $0xffff;
	v1 =	vadd.f32 v11, v1;
	v11 =	vmul.f32 v61, v16;
	(erf) = vpow2.f32 v52  }
0x1c8: {  	v16 =	vmul.f32 v61, v18;
	v18 =	vmul.f32 v61, v21;
	v60 =	vadd.f32 v57, v58  }
0x1c9: {  	s22 =	sshra.s32 s10, $0x2;
	v21 =	vadd.f32 v56, v63;
	v63 =	vmul.f32 v49, v9;
	v57 =	vmul.f32 v23, v4  }
0x1ca: {  	v58 =	vmul.f32 v24, v5;
	[tilespmem:s22+$0x40] =	vst v2;
	v2 =	vmul.f32 v61, v13;
	v1 =	vadd.f32 v1, v60  }
0x1cb: {  	[tilespmem:s22+$0x10] =	vst v11;
	v59 =	vmul.f32 v48, v7;
	v60 =	vmul.f32 v50, v8;
	v11, _, _ =	vpop (xrf2)  }
0x1cc: {  	[tilespmem:s8+$0x40] =	vst v54;
	(xrf2) =	vadd.scan.msk.f32 $0xffff, v1;
	v1 =	vmul.f32 v47, v6;
	v11 =	vmul.f32 $1.442695020e+00, v11  }
0x1cd: {  	v51 =	vmul.f32 v62, v51;
	[tilespmem:s8+$0x60] =	vst v53;
	v53 =	vadd.f32 v58, v57  }
0x1ce: {  	[tilespmem:s8+$0x70] =	vst v55;
	v55 =	vadd.f32 v63, v60;
	v1 =	vadd.f32 v59, v1;
	v11 =	vbroadcast v11, $0xF  }
0x1cf: {  	[tilespmem:s8+$0x80] =	vst v51;
	v15 =	vmul.f32 v61, v15;
	v12 =	vmul.f32 v61, v12  }
0x1d0: {  	[tilespmem:s22+$0x60] =	vst v2;
	v56 =	vadd.f32 v53, v21;
	v1 =	vadd.f32 v55, v1;
	v2 =	vpop (erf);
	(erf) = vpow2.f32 v11  }
0x1d1: {  	[tilespmem:s22+$0x0] =	vst v15  }
0x1d2: {  	[tilespmem:s22+$0x50] =	vst v12;
	v1 =	vadd.f32 v1, v56  }
0x1d3: {  	[tilespmem:s22+$0x20] =	vst v16;
	v11 =	vmul.f32 v62, v61  }
0x1d4: {  	s7 =	smul.u32 $0x240, s7;
	[tilespmem:s22+$0x30] =	vst v18;
	v57 =	vmul.f32 v61, v14  }
0x1d5: {  	[tilespmem:s22+$0x80] =	vst v11;
	v11 =	vmul.f32 v2, v28  }
0x1d6: {  	s7 =	sshra.s32 s7, $0x2;
	[tilespmem:s22+$0x70] =	vst v57;
	v58 =	vmul.f32 v2, v27;
	(xrf2) =	vadd.scan.msk.f32 $0xffff, v1;
	v1, _, _ =	vpop (xrf2)  }
0x1d7: {  	[tilespmem:s7+$0x10] =	vst v11;
	v11 =	vmul.f32 v2, v31;
	v1 =	vmul.f32 $1.442695020e+00, v1  }
0x1d8: {  	v59 =	vmul.f32 v2, v29;
	[tilespmem:s7+$0x0] =	vst v58  }
0x1d9: {  	s23 =	smul.u32 $0x240, s11;
	[tilespmem:s7+$0x30] =	vst v11;
	v11 =	vmul.f32 v2, v30;
	v1 =	vbroadcast v1, $0xF;
	v63 =	vpop (erf)  }
0x1da: {  	[tilespmem:s7+$0x20] =	vst v59;
	v0 =	vmul.f32 v63, v0  }
0x1db: {  	s8 =	sshra.s32 s23, $0x2;
	[tilespmem:s7+$0x50] =	vst v11;
	(erf) = vpow2.f32 v1;
	v1 =	vmul.f32 v62, v2  }
0x1dc: {  	[tilespmem:s8+$0x0] =	vst v0;
	v0 =	vmul.f32 v63, v37  }
0x1dd: {  	[tilespmem:s7+$0x80] =	vst v1;
	v1 =	vmul.f32 v63, v36  }
0x1de: {  	[tilespmem:s8+$0x20] =	vst v0;
	v0 =	vmul.f32 v63, v26  }
0x1df: {  	v60 =	vmul.f32 v2, v32;
	[tilespmem:s8+$0x10] =	vst v1;
	v1 =	vmul.f32 v63, v38  }
0x1e0: {  	v61 =	vmul.f32 v2, v33;
	[tilespmem:s8+$0x40] =	vst v0;
	v0 =	vmul.f32 v63, v39  }
0x1e1: {  	v11 =	vmul.f32 v2, v34;
	v2, _, _ =	vpop (xrf2);
	[tilespmem:s8+$0x30] =	vst v1;
	v1 =	vmul.f32 v63, v25  }
0x1e2: {  	[tilespmem:s7+$0x40] =	vst v60;
	v2 =	vmul.f32 $1.442695020e+00, v2  }
0x1e3: {  	[tilespmem:s8+$0x50] =	vst v1;
	v1 =	vmul.f32 v63, v42  }
0x1e4: {  	s10 =	smul.u32 $0x240, s9;
	v2 =	vbroadcast v2, $0xF;
	[tilespmem:s8+$0x60] =	vst v0;
	v0 =	vpop (erf)  }
0x1e5: {  	[tilespmem:s8+$0x70] =	vst v1;
	v1 =	vmul.f32 v0, v40  }
0x1e6: {  	s11 =	sshra.s32 s10, $0x2;
	[tilespmem:s7+$0x60] =	vst v61;
	(erf) = vpow2.f32 v2;
	v2 =	vmul.f32 v62, v63  }
0x1e7: {  	[tilespmem:s11+$0x0] =	vst v1;
	v1 =	vmul.f32 v0, v43  }
0x1e8: {  	[tilespmem:s8+$0x80] =	vst v2;
	v2 =	vmul.f32 v0, v41  }
0x1e9: {  	[tilespmem:s11+$0x20] =	vst v1;
	v1 =	vmul.f32 v0, v45  }
0x1ea: {  	[tilespmem:s11+$0x10] =	vst v2;
	v2 =	vmul.f32 v0, v44  }
0x1eb: {  	[tilespmem:s11+$0x40] =	vst v1;
	v1 =	vmul.f32 v0, v46  }
0x1ec: {  	[tilespmem:s11+$0x30] =	vst v2;
	v2 =	vmul.f32 v0, v22  }
0x1ed: {  	[tilespmem:s7+$0x70] =	vst v11  }
0x1ee: {  	[tilespmem:s11+$0x50] =	vst v2;
	v2 =	vmul.f32 v0, v17  }
0x1ef: {  	s21 =	smul.u32 $0x240, s12;
	v0 =	vmul.f32 v62, v0;
	[tilespmem:s11+$0x60] =	vst v1;
	v1 =	vpop (erf)  }
0x1f0: {  	[tilespmem:s11+$0x70] =	vst v2;
	v2 =	vmul.f32 v1, v19  }
0x1f1: {  	s22 =	sshra.s32 s21, $0x2;
	[tilespmem:s11+$0x80] =	vst v0;
	v0 =	vmul.f32 v1, v20  }
0x1f2: {  	[tilespmem:s22+$0x0] =	vst v2;
	v2 =	vmul.f32 v1, v23  }
0x1f3: {  	[tilespmem:s22+$0x10] =	vst v0;
	v0 =	vmul.f32 v1, v24  }
0x1f4: {  	[tilespmem:s22+$0x20] =	vst v2;
	v2 =	vmul.f32 v1, v47  }
0x1f5: {  	p3 =	slt.u32 s6, $0x30;
	[tilespmem:s22+$0x30] =	vst v0;
	v0 =	vmul.f32 v1, v48  }
.Ltmp6:
0x1f6: {  	[tilespmem:s22+$0x40] =	vst v2;
	v2 =	vmul.f32 v1, v50;
	(pc) =	sbr.rel @p3 .LBB2_6-.Ltmp6, $4  }
0x1f7: {  	[tilespmem:s22+$0x50] =	vst v0;
	v0 =	vmul.f32 v1, v49  }
0x1f8: {  	v1 =	vmul.f32 v62, v1;
	[tilespmem:s22+$0x60] =	vst v2  }
0x1f9: {  	s23 =	sadd.s32 $0x10, s6;
	[tilespmem:s22+$0x70] =	vst v0  }
0x1fa: {  	s6 =	smov.u32 s23;
	[tilespmem:s22+$0x80] =	vst v1  }
0x1fb: {  	p3 =	seq.s32 s5, $0x0  }
.Ltmp7:
0x1fc: {  	_ = 	snop;
	(pc) =	sbr.rel @p3 .LBB2_11-.Ltmp7, $4  }
0x1fd: {  	_ = 	snop  }
0x1fe: {  	s6 =	sshll.u32 s0, $0x6  }
0x1ff: {  	s6 =	sor.u32 $0x1F080, s6  }
0x200: {  	[spmem:s15] =	stream.indirect.scatter.add.f32 [tilespmem:s3], [sflag:$0x1], $0x90, s6, s19, $0x2000b8;
	[tilespmem:$0x1F100] =	vst v63  }
.LBB2_8:
0x201: {  	p3 =	slt.s32 s13, $0x2;
	s6 =	sshll.u32 s14, $0xD  }
0x202: {  	s5 =	simm.s32 @!p3 $0x2;
	s6 =	sadd.s32 $0x1B080, s6  }
0x203: {  	_ =	swait.ge @!p3 [sflag:s5], $0x2400;
	v10 =	vmov s6  }
0x204: {  	[sflag:s5] =	ssyncset.done @!p3 $0x0  }
0x205: {  	[sflag:s5] =	ssyncadd.s32 @!p3 $0xFFFFDC00;
	s5 =	simm.s32 $0x0  }
.LBB2_9:
0x206: {  	s6 =	sshll.u32 s5, $0x7  }
0x207: {  	s6 =	sand.u32 $0x3FFFFF80, s6  }
0x208: {  	v15 =	vld.idx.msk [tilespmem:v10+s6+$0x0 ss:$0x1], $0xffff  }
0x209: {  	v29 =	vld.idx.msk [tilespmem:v10+s6+$0x10 ss:$0x1], $0xffff  }
0x20a: {  	v16 =	vld.idx.msk [tilespmem:v10+s6+$0x20 ss:$0x1], $0xffff  }
0x20b: {  	v28 =	vld.idx.msk [tilespmem:v10+s6+$0x30 ss:$0x1], $0xffff  }
0x20c: {  	v17 =	vld.idx.msk [tilespmem:v10+s6+$0x40 ss:$0x1], $0xffff  }
0x20d: {  	s11 =	sor.u32 $0x1, s5;
	v22 =	vld.idx.msk [tilespmem:v10+s6+$0x50 ss:$0x1], $0xffff  }
0x20e: {  	s7 =	sshll.u32 s11, $0x7;
	v18 =	vld.idx.msk [tilespmem:v10+s6+$0x60 ss:$0x1], $0xffff  }
0x20f: {  	v23 =	vld.idx.msk [tilespmem:v10+s6+$0x70 ss:$0x1], $0xffff;
	s7 =	sand.u32 $0x3FFFFF80, s7  }
0x210: {  	v13 =	vld.idx.msk [tilespmem:v10+s7+$0x0 ss:$0x1], $0xffff  }
0x211: {  	v19 =	vld.idx.msk [tilespmem:v10+s7+$0x10 ss:$0x1], $0xffff  }
0x212: {  	v24 =	vld.idx.msk [tilespmem:v10+s7+$0x20 ss:$0x1], $0xffff  }
0x213: {  	s10 =	sor.u32 $0x2, s5;
	v20 =	vld.idx.msk [tilespmem:v10+s7+$0x30 ss:$0x1], $0xffff  }
0x214: {  	s8 =	sshll.u32 s10, $0x7;
	v27 =	vld.idx.msk [tilespmem:v10+s7+$0x40 ss:$0x1], $0xffff  }
0x215: {  	s6 =	sand.u32 $0x3FFFFF80, s8;
	v21 =	vld.idx.msk [tilespmem:v10+s7+$0x50 ss:$0x1], $0xffff;
	v0 =	vmul.f32 v15, v35;
	v1 =	vmul.f32 v29, v3  }
0x216: {  	v49 =	vld.idx.msk [tilespmem:v10+s6+$0x0 ss:$0x1], $0xffff;
	v2 =	vmul.f32 v16, v4;
	v11 =	vmul.f32 v28, v5  }
0x217: {  	v50 =	vld.idx.msk [tilespmem:v10+s6+$0x10 ss:$0x1], $0xffff;
	v12 =	vmul.f32 v17, v6;
	v14 =	vmul.f32 v22, v7  }
0x218: {  	v48 =	vld.idx.msk [tilespmem:v10+s6+$0x20 ss:$0x1], $0xffff;
	v25 =	vmul.f32 v18, v8;
	v26 =	vmul.f32 v23, v9  }
0x219: {  	v39 =	vld.idx.msk [tilespmem:v10+s6+$0x30 ss:$0x1], $0xffff;
	v0 =	vadd.f32 v1, v0;
	v1 =	vadd.f32 v11, v2  }
0x21a: {  	v2 =	vadd.f32 v14, v12;
	v11 =	vadd.f32 v26, v25;
	v14 =	vld.idx.msk [tilespmem:v10+s7+$0x60 ss:$0x1], $0xffff  }
0x21b: {  	s8 =	sor.u32 $0x3, s5;
	v12 =	vld.idx.msk [tilespmem:v10+s7+$0x70 ss:$0x1], $0xffff  }
0x21c: {  	v40 =	vld.idx.msk [tilespmem:v10+s6+$0x40 ss:$0x1], $0xffff;
	s9 =	sshll.u32 s8, $0x7;
	v0 =	vadd.f32 v1, v0;
	v1 =	vadd.f32 v11, v2  }
0x21d: {  	v41 =	vld.idx.msk [tilespmem:v10+s6+$0x60 ss:$0x1], $0xffff;
	s12 =	sand.u32 $0x3FFFFF80, s9;
	v45 =	vmul.f32 v20, v5;
	v46 =	vmul.f32 v27, v6  }
0x21e: {  	v42 =	vld.idx.msk [tilespmem:v10+s12+$0x0 ss:$0x1], $0xffff;
	v30 =	vmul.f32 v21, v7;
	v2 =	vmul.f32 v13, v35;
	v0 =	vadd.f32 v1, v0  }
0x21f: {  	v43 =	vld.idx.msk [tilespmem:v10+s12+$0x10 ss:$0x1], $0xffff;
	v11 =	vmul.f32 v19, v3;
	v1 =	vmul.f32 v24, v4  }
0x220: {  	v44 =	vld.idx.msk [tilespmem:v10+s12+$0x20 ss:$0x1], $0xffff;
	v31 =	vmul.f32 v12, v9;
	(xrf2) =	vadd.scan.msk.f32 $0xffff, v0;
	v0 =	vmul.f32 v14, v8  }
0x221: {  	v32 =	vld.idx.msk [tilespmem:v10+s12+$0x30 ss:$0x1], $0xffff;
	v2 =	vadd.f32 v11, v2;
	v11 =	vadd.f32 v30, v46  }
0x222: {  	v38 =	vld.idx.msk [tilespmem:v10+s12+$0x40 ss:$0x1], $0xffff;
	v1 =	vadd.f32 v45, v1;
	v0 =	vadd.f32 v31, v0  }
0x223: {  	v56 =	vld.idx.msk [tilespmem:v10+s12+$0x50 ss:$0x1], $0xffff  }
0x224: {  	v33 =	vld.idx.msk [tilespmem:v10+s12+$0x60 ss:$0x1], $0xffff;
	v1 =	vadd.f32 v1, v2;
	v0 =	vadd.f32 v0, v11  }
0x225: {  	v47 =	vmul.f32 v48, v4;
	s7 =	sor.u32 $0x4, s5;
	v46 =	vld.idx.msk [tilespmem:v10+s6+$0x70 ss:$0x1], $0xffff  }
0x226: {  	v57 =	vmul.f32 v39, v5;
	v58 =	vmul.f32 v40, v6;
	s9 =	sshll.u32 s7, $0x7;
	v45 =	vld.idx.msk [tilespmem:v10+s6+$0x50 ss:$0x1], $0xffff;
	v0 =	vadd.f32 v0, v1  }
0x227: {  	v36 =	vld.idx.msk [tilespmem:v10+s12+$0x70 ss:$0x1], $0xffff;
	v52 =	vmul.f32 v41, v8;
	v61 =	vmul.f32 v43, v3;
	s14 =	sand.u32 $0x3FFFFF80, s9  }
0x228: {  	v63 =	vmul.f32 v44, v4;
	v54 =	vmul.f32 v32, v5;
	v34 =	vld.idx.msk [tilespmem:v10+s14+$0x0 ss:$0x1], $0xffff;
	(xrf2) =	vadd.scan.msk.f32 $0xffff, v0  }
0x229: {  	[tilespmem:$0x1FFB0] =	vst v56;
	v55 =	vmul.f32 v38, v6;
	v56 =	vmul.f32 v56, v7;
	v37 =	vld.idx.msk [tilespmem:v10+s14+$0x10 ss:$0x1], $0xffff  }
0x22a: {  	v25 =	vld.idx.msk [tilespmem:v10+s14+$0x50 ss:$0x1], $0xffff;
	v2 =	vmul.f32 v49, v35;
	v11 =	vmul.f32 v50, v3  }
0x22b: {  	v55 =	vadd.f32 v56, v55;
	v31 =	vld.idx.msk [tilespmem:v10+s14+$0x20 ss:$0x1], $0xffff;
	v53 =	vmul.f32 v46, v9;
	v51 =	vmul.f32 v45, v7;
	v0, _, _ =	vpop (xrf2)  }
0x22c: {  	v2 =	vadd.f32 v11, v2;
	v11 =	vadd.f32 v57, v47;
	v47 =	vld.idx.msk [tilespmem:v10+s14+$0x30 ss:$0x1], $0xffff;
	v0 =	vmul.f32 $1.442695020e+00, v0  }
0x22d: {  	v26 =	vld.idx.msk [tilespmem:v10+s14+$0x60 ss:$0x1], $0xffff;
	v56 =	vmul.f32 v34, v35;
	v60 =	vadd.f32 v53, v52;
	v59 =	vadd.f32 v51, v58  }
0x22e: {  	v30 =	vld.idx.msk [tilespmem:v10+s14+$0x40 ss:$0x1], $0xffff;
	v2 =	vadd.f32 v11, v2;
	v11 =	vmul.f32 v42, v35;
	v1 =	vbroadcast v0, $0xF  }
0x22f: {  	v57 =	vmul.f32 v36, v9;
	v51 =	vadd.f32 v60, v59;
	v60 =	vmul.f32 v33, v8;
	v0 =	vld.idx.msk [tilespmem:v10+s14+$0x70 ss:$0x1], $0xffff  }
0x230: {  	v53 =	vadd.f32 v54, v63;
	v58 =	vmul.f32 v37, v3;
	v52 =	vadd.f32 v61, v11  }
0x231: {  	v54 =	vadd.f32 v57, v60;
	v57 =	vmul.f32 v31, v4;
	v59 =	vmul.f32 v47, v5  }
0x232: {  	v60 =	vmul.f32 v25, v7;
	(erf) = vpow2.f32 v1;
	v1, _, _ =	vpop (xrf2)  }
0x233: {  	v52 =	vadd.f32 v53, v52;
	v53 =	vmul.f32 v30, v6;
	v1 =	vmul.f32 $1.442695020e+00, v1  }
0x234: {  	v54 =	vadd.f32 v54, v55;
	v55 =	vmul.f32 v26, v8;
	v61 =	vmul.f32 v0, v9  }
0x235: {  	v56 =	vadd.f32 v58, v56;
	v57 =	vadd.f32 v59, v57;
	v1 =	vbroadcast v1, $0xF  }
0x236: {  	v53 =	vadd.f32 v60, v53;
	v55 =	vadd.f32 v61, v55  }
0x237: {  	(erf) = vpow2.f32 v1;
	v1 =	vadd.f32 v51, v2;
	v2 =	vadd.f32 v54, v52  }
0x238: {  	v61 =	vadd.f32 v57, v56;
	v63 =	vadd.f32 v55, v53;
	_ =	sdelay $0x1  }
0x239: {  	(xrf2) =	vadd.scan.msk.f32 $0xffff, v1;
	v1 =	vadd.f32 v63, v61  }
0x23a: {  	(xrf2) =	vadd.scan.msk.f32 $0xffff, v2;
	v2 =	vpop (erf)  }
0x23b: {  	s9 =	sor.u32 $0x5, s5;
	(xrf2) =	vadd.scan.msk.f32 $0xffff, v1;
	v1 =	vmul.f32 v2, v15  }
0x23c: {  	s22 =	smul.u32 $0x240, s5;
	s21 =	sshll.u32 s9, $0x7;
	v29 =	vmul.f32 v2, v29;
	v51 =	vmul.f32 v2, v16  }
0x23d: {  	s12 =	sand.u32 $0x3FFFFF80, s21;
	[tilespmem:$0x1FFC0] =	vst v0;
	v0 =	vld [tilespmem:$0x1FFF0];
	v28 =	vmul.f32 v2, v28;
	v52 =	vmul.f32 v2, v17  }
0x23e: {  	s14 =	sshra.s32 s22, $0x2;
	v15 =	vld.idx.msk [tilespmem:v10+s12+$0x0 ss:$0x1], $0xffff;
	v53 =	vmul.f32 v2, v22;
	v54 =	vmul.f32 v2, v18  }
0x23f: {  	v16 =	vld.idx.msk [tilespmem:v10+s12+$0x10 ss:$0x1], $0xffff;
	v55 =	vmul.f32 v2, v23;
	v2 =	vmul.f32 v62, v2;
	[tilespmem:s14+$0x2400] =	vst v1;
	v56 =	vpop (erf)  }
0x240: {  	v17 =	vld.idx.msk [tilespmem:v10+s12+$0x20 ss:$0x1], $0xffff;
	[tilespmem:s14+$0x2410] =	vst v29;
	v57 =	vmul.f32 v56, v13;
	v58 =	vmul.f32 v56, v19  }
0x241: {  	s6 =	sor.u32 $0x6, s5;
	v18 =	vld.idx.msk [tilespmem:v10+s12+$0x30 ss:$0x1], $0xffff;
	[tilespmem:s14+$0x2420] =	vst v51;
	v59 =	vmul.f32 v56, v24;
	v1 =	vmul.f32 v56, v20  }
0x242: {  	s21 =	sshll.u32 s6, $0x7;
	v22 =	vld.idx.msk [tilespmem:v10+s12+$0x40 ss:$0x1], $0xffff;
	[tilespmem:s14+$0x2430] =	vst v28;
	v60 =	vmul.f32 v56, v27;
	v61 =	vmul.f32 v56, v21  }
0x243: {  	s23 =	sand.u32 $0x3FFFFF80, s21;
	v23 =	vld.idx.msk [tilespmem:v10+s12+$0x70 ss:$0x1], $0xffff;
	[tilespmem:s14+$0x2440] =	vst v52;
	v51 =	vmul.f32 v56, v14;
	v62 =	vmul.f32 v56, v12  }
0x244: {  	s11 =	smul.u32 $0x240, s11;
	[tilespmem:s14+$0x2460] =	vst v54;
	v28 =	vld.idx.msk [tilespmem:v10+s23+$0x40 ss:$0x1], $0xffff;
	v52 =	vmul.f32 v0, v56;
	v54 =	vmul.f32 v15, v35;
	v24, _, _ =	vpop (xrf2)  }
0x245: {  	[tilespmem:s14+$0x2470] =	vst v55;
	v19 =	vld.idx.msk [tilespmem:v10+s12+$0x60 ss:$0x1], $0xffff;
	v55 =	vmul.f32 v16, v3;
	v24 =	vmul.f32 $1.442695020e+00, v24  }
0x246: {  	s21 =	sshra.s32 s11, $0x2;
	[tilespmem:s14+$0x2480] =	vst v2;
	v13 =	vld.idx.msk [tilespmem:v10+s12+$0x50 ss:$0x1], $0xffff;
	v2 =	vmul.f32 v17, v4;
	v56 =	vmul.f32 v18, v5  }
0x247: {  	v20 =	vld.idx.msk [tilespmem:v10+s23+$0x0 ss:$0x1], $0xffff;
	[tilespmem:s21+$0x2400] =	vst v57;
	v57 =	vmul.f32 v22, v6;
	v27, _, _ =	vpop (xrf2);
	v12 =	vbroadcast v24, $0xF  }
0x248: {  	v21 =	vld.idx.msk [tilespmem:v10+s23+$0x20 ss:$0x1], $0xffff;
	[tilespmem:s21+$0x2410] =	vst v58;
	v58 =	vmul.f32 v23, v9;
	v14 =	vmul.f32 $1.442695020e+00, v27;
	v29, _, _ =	vpop (xrf2)  }
0x249: {  	v27 =	vld.idx.msk [tilespmem:v10+s23+$0x30 ss:$0x1], $0xffff;
	v63 =	vmul.f32 $1.442695020e+00, v29;
	(erf) = vpow2.f32 v12  }
0x24a: {  	v54 =	vadd.f32 v55, v54;
	v24 =	vld.idx.msk [tilespmem:v10+s23+$0x10 ss:$0x1], $0xffff;
	v55 =	vmul.f32 v19, v8;
	v14 =	vbroadcast v14, $0xF  }
0x24b: {  	[tilespmem:s14+$0x2450] =	vst v53;
	v29 =	vld.idx.msk [tilespmem:v10+s23+$0x50 ss:$0x1], $0xffff;
	v53 =	vbroadcast v63, $0xF;
	v63 =	vmul.f32 v13, v7  }
0x24c: {  	[tilespmem:s21+$0x2420] =	vst v59;
	v2 =	vadd.f32 v56, v2;
	v12 =	vld.idx.msk [tilespmem:v10+s23+$0x70 ss:$0x1], $0xffff  }
0x24d: {  	[tilespmem:s21+$0x2430] =	vst v1;
	v55 =	vadd.f32 v58, v55;
	(erf) = vpow2.f32 v14;
	v14 =	vld.idx.msk [tilespmem:v10+s23+$0x60 ss:$0x1], $0xffff;
	v1 =	vadd.f32 v63, v57  }
0x24e: {  	s10 =	smul.u32 $0x240, s10;
	[tilespmem:s21+$0x2440] =	vst v60;
	v2 =	vadd.f32 v2, v54;
	v56 =	vmul.f32 v20, v35  }
0x24f: {  	[tilespmem:s21+$0x2450] =	vst v61;
	v57 =	vmul.f32 v21, v4;
	v63 =	vmul.f32 v27, v5;
	v1 =	vadd.f32 v55, v1  }
0x250: {  	s11 =	sor.u32 $0x7, s5;
	s14 =	sshra.s32 s10, $0x2;
	s10 =	sor.u32 $0x8, s5;
	[tilespmem:s21+$0x2460] =	vst v51;
	v58 =	vmul.f32 v28, v6;
	v59 =	vmul.f32 v24, v3  }
0x251: {  	s22 =	sshll.u32 s11, $0x7;
	[tilespmem:s21+$0x2470] =	vst v62;
	s23 =	sshll.u32 s10, $0x7;
	v60 =	vmul.f32 v29, v7;
	v57 =	vadd.f32 v63, v57;
	v1 =	vadd.f32 v1, v2  }
0x252: {  	v11 =	vld [tilespmem:$0x1FFF0];
	s12 =	sand.u32 $0x3FFFFF80, s22;
	[tilespmem:s21+$0x2480] =	vst v52;
	s22 =	sand.u32 $0x3FFFFF80, s23;
	v56 =	vadd.f32 v59, v56;
	v0 =	vmul.f32 v12, v9;
	v59 =	vmul.f32 v14, v8;
	v61 =	vpop (erf)  }
0x253: {  	v62 =	vadd.f32 v60, v58;
	(xrf2) =	vadd.scan.msk.f32 $0xffff, v1;
	v1 =	vld.idx.msk [tilespmem:v10+s22+$0x10 ss:$0x1], $0xffff;
	(erf) = vpow2.f32 v53;
	v49 =	vmul.f32 v61, v49  }
0x254: {  	v0 =	vadd.f32 v0, v59;
	v50 =	vmul.f32 v61, v50;
	v52 =	vmul.f32 v61, v39;
	v39 =	vld.idx.msk [tilespmem:v10+s12+$0x0 ss:$0x1], $0xffff  }
0x255: {  	v48 =	vmul.f32 v61, v48;
	v53 =	vmul.f32 v61, v40;
	v40 =	vld.idx.msk [tilespmem:v10+s12+$0x10 ss:$0x1], $0xffff;
	[tilespmem:s14+$0x2400] =	vst v49  }
0x256: {  	v51 =	vadd.f32 v57, v56;
	v2 =	vmul.f32 v61, v41;
	v41 =	vld.idx.msk [tilespmem:v10+s12+$0x20 ss:$0x1], $0xffff;
	[tilespmem:s14+$0x2410] =	vst v50  }
0x257: {  	v0 =	vadd.f32 v0, v62;
	v54 =	vmul.f32 v61, v45;
	v45 =	vld.idx.msk [tilespmem:v10+s12+$0x40 ss:$0x1], $0xffff;
	[tilespmem:s14+$0x2420] =	vst v48  }
0x258: {  	v63 =	vmul.f32 v61, v46;
	v46 =	vld.idx.msk [tilespmem:v10+s12+$0x50 ss:$0x1], $0xffff;
	[tilespmem:s14+$0x2430] =	vst v52  }
0x259: {  	v60 =	vpop (erf);
	v62 =	vmul.f32 v11, v61;
	v11 =	vld.idx.msk [tilespmem:v10+s22+$0x0 ss:$0x1], $0xffff;
	v0 =	vadd.f32 v0, v51;
	[tilespmem:s14+$0x2440] =	vst v53  }
0x25a: {  	v57 =	vmul.f32 v60, v33;
	v33 =	vld.idx.msk [tilespmem:v10+s12+$0x70 ss:$0x1], $0xffff;
	[tilespmem:s14+$0x2450] =	vst v54  }
0x25b: {  	s8 =	smul.u32 $0x240, s8;
	v43 =	vmul.f32 v60, v43;
	v44 =	vmul.f32 v60, v44;
	[tilespmem:s14+$0x2460] =	vst v2;
	(xrf2) =	vadd.scan.msk.f32 $0xffff, v0;
	v0 =	vld [tilespmem:$0x1FFB0]  }
0x25c: {  	v51 =	vmul.f32 v60, v42;
	v48 =	vmul.f32 v60, v32;
	v32 =	vld.idx.msk [tilespmem:v10+s12+$0x60 ss:$0x1], $0xffff;
	[tilespmem:s14+$0x2470] =	vst v63  }
0x25d: {  	v42 =	vld.idx.msk [tilespmem:v10+s12+$0x30 ss:$0x1], $0xffff;
	v50 =	vmul.f32 v60, v38;
	v53 =	vmul.f32 v60, v36;
	[tilespmem:s14+$0x2480] =	vst v62;
	s14 =	sshra.s32 s8, $0x2  }
0x25e: {  	v38 =	vld.idx.msk [tilespmem:v10+s22+$0x40 ss:$0x1], $0xffff;
	[tilespmem:s14+$0x2460] =	vst v57;
	v57 =	vmul.f32 v1, v3;
	v55 =	vmul.f32 v40, v3  }
0x25f: {  	v36 =	vld.idx.msk [tilespmem:v10+s22+$0x50 ss:$0x1], $0xffff;
	[tilespmem:s14+$0x2400] =	vst v51;
	v51 =	vmul.f32 v45, v6;
	v61 =	vmul.f32 v46, v7  }
0x260: {  	v63 =	vmul.f32 v33, v9;
	v58 =	vpop (erf);
	v52 =	vmul.f32 v60, v0;
	v0 =	vld [tilespmem:$0x1FFF0]  }
0x261: {  	[tilespmem:s14+$0x2420] =	vst v44;
	v44 =	vld.idx.msk [tilespmem:v10+s22+$0x60 ss:$0x1], $0xffff;
	v62 =	vmul.f32 v32, v8;
	v54 =	vmul.f32 v58, v34  }
0x262: {  	v59 =	vmul.f32 v58, v37;
	v2 =	vmul.f32 v58, v31;
	v37 =	vld.idx.msk [tilespmem:v10+s22+$0x30 ss:$0x1], $0xffff  }
0x263: {  	s8 =	sor.u32 $0x9, s5;
	[tilespmem:s14+$0x2410] =	vst v43;
	v31 =	vmul.f32 v58, v47;
	v47 =	vmul.f32 v39, v35;
	v34 =	vld.idx.msk [tilespmem:v10+s22+$0x20 ss:$0x1], $0xffff  }
0x264: {  	s23 =	sshll.u32 s8, $0x7;
	[tilespmem:s14+$0x2430] =	vst v48;
	v49 =	vmul.f32 v41, v4;
	v48 =	vadd.f32 v61, v51;
	v51 =	vadd.f32 v63, v62;
	v62 =	vld [tilespmem:$0x1FFF0]  }
0x265: {  	v43, _, _ =	vpop (xrf2);
	v47 =	vadd.f32 v55, v47;
	v55 =	vld.idx.msk [tilespmem:v10+s22+$0x70 ss:$0x1], $0xffff;
	s22 =	sand.u32 $0x3FFFFF80, s23;
	v56 =	vmul.f32 v0, v60;
	v60 =	vmul.f32 v42, v5  }
0x266: {  	[tilespmem:s14+$0x2450] =	vst v52;
	v63 =	vadd.f32 v51, v48;
	v52 =	vmul.f32 v58, v25;
	v48 =	vld.idx.msk [tilespmem:v10+s22+$0x20 ss:$0x1], $0xffff;
	v0 =	vmul.f32 $1.442695020e+00, v43;
	v43, _, _ =	vpop (xrf2)  }
0x267: {  	[tilespmem:s14+$0x2440] =	vst v50;
	v50 =	vld.idx.msk [tilespmem:v10+s22+$0x40 ss:$0x1], $0xffff;
	v61 =	vmul.f32 v37, v5;
	v43 =	vmul.f32 $1.442695020e+00, v43;
	v49 =	vadd.f32 v60, v49  }
0x268: {  	v51 =	vld.idx.msk [tilespmem:v10+s22+$0x50 ss:$0x1], $0xffff;
	v60 =	vmul.f32 v58, v30;
	v0 =	vbroadcast v0, $0xF  }
0x269: {  	s7 =	smul.u32 $0x240, s7;
	v30 =	vld.idx.msk [tilespmem:v10+s22+$0x0 ss:$0x1], $0xffff;
	[tilespmem:s14+$0x2480] =	vst v56;
	v56 =	vmul.f32 v11, v35;
	v49 =	vadd.f32 v49, v47  }
0x26a: {  	[tilespmem:s14+$0x2470] =	vst v53;
	v43 =	vbroadcast v43, $0xF;
	v47 =	vld.idx.msk [tilespmem:v10+s22+$0x10 ss:$0x1], $0xffff;
	(erf) = vpow2.f32 v0  }
0x26b: {  	s23 =	sshra.s32 s7, $0x2;
	v0 =	vmul.f32 v58, v26;
	v26 =	vld.idx.msk [tilespmem:v10+s22+$0x60 ss:$0x1], $0xffff;
	v53 =	vadd.f32 v63, v49;
	v63 =	vmul.f32 v34, v4  }
0x26c: {  	[tilespmem:s23+$0x2400] =	vst v54;
	v54 =	vmul.f32 v38, v6;
	(erf) = vpow2.f32 v43;
	v49 =	vld.idx.msk [tilespmem:v10+s22+$0x30 ss:$0x1], $0xffff  }
0x26d: {  	v43 =	vadd.f32 v57, v56;
	v56 =	vmul.f32 v36, v7;
	(xrf2) =	vadd.scan.msk.f32 $0xffff, v53;
	v53 =	vadd.f32 v61, v63;
	v63 =	vld [tilespmem:$0x1FFC0]  }
0x26e: {  	v25 =	vld.idx.msk [tilespmem:v10+s22+$0x70 ss:$0x1], $0xffff;
	[tilespmem:s23+$0x2420] =	vst v2;
	v57 =	vmul.f32 v44, v8;
	v61 =	vmul.f32 v55, v9  }
0x26f: {  	[tilespmem:s23+$0x2440] =	vst v60;
	v60 =	vmul.f32 v51, v7;
	v54 =	vadd.f32 v56, v54;
	v56 =	vmul.f32 v30, v35  }
0x270: {  	[tilespmem:s23+$0x2450] =	vst v52;
	v52 =	vmul.f32 v26, v8;
	v2 =	vadd.f32 v61, v57;
	v57 =	vmul.f32 v47, v3  }
0x271: {  	[tilespmem:s23+$0x2430] =	vst v31;
	v31 =	vadd.f32 v53, v43;
	v43 =	vmul.f32 v48, v4;
	v53 =	vmul.f32 v49, v5  }
0x272: {  	[tilespmem:s23+$0x2410] =	vst v59;
	v2 =	vadd.f32 v2, v54;
	v54 =	vmul.f32 v50, v6;
	v59 =	vmul.f32 v58, v63  }
0x273: {  	s7 =	sor.u32 $0xA, s5;
	v56 =	vadd.f32 v57, v56;
	v58 =	vmul.f32 v62, v58;
	v61 =	vpop (erf);
	v63 =	vmul.f32 v25, v9  }
0x274: {  	s9 =	smul.u32 $0x240, s9;
	s21 =	sshll.u32 s7, $0x7;
	[tilespmem:s23+$0x2460] =	vst v0;
	v0 =	vmul.f32 v61, v15;
	v15 =	vmul.f32 v61, v16;
	v16 =	vadd.f32 v53, v43  }
0x275: {  	s12 =	sand.u32 $0x3FFFFF80, s21;
	v43 =	vmul.f32 v61, v17;
	v17 =	vadd.f32 v60, v54;
	v2 =	vadd.f32 v2, v31;
	[tilespmem:s23+$0x2470] =	vst v59  }
0x276: {  	s22 =	sshra.s32 s9, $0x2;
	v18 =	vmul.f32 v61, v18;
	v53 =	vld.idx.msk [tilespmem:v10+s12+$0x10 ss:$0x1], $0xffff;
	v54 =	vadd.f32 v63, v52;
	[tilespmem:s23+$0x2480] =	vst v58  }
0x277: {  	v57 =	vmul.f32 v61, v22;
	v22 =	vld.idx.msk [tilespmem:v10+s12+$0x20 ss:$0x1], $0xffff;
	v13 =	vmul.f32 v61, v13;
	[tilespmem:s22+$0x2400] =	vst v0  }
0x278: {  	v52 =	vld.idx.msk [tilespmem:v10+s12+$0x0 ss:$0x1], $0xffff;
	v16 =	vadd.f32 v16, v56;
	(xrf2) =	vadd.scan.msk.f32 $0xffff, v2;
	[tilespmem:s22+$0x2410] =	vst v15;
	v54 =	vadd.f32 v54, v17;
	v60, _, _ =	vpop (xrf2)  }
0x279: {  	v0 =	vmul.f32 v61, v23;
	v23 =	vld.idx.msk [tilespmem:v10+s12+$0x40 ss:$0x1], $0xffff;
	[tilespmem:s22+$0x2420] =	vst v43;
	v2 =	vpop (erf);
	v63 =	vmul.f32 $1.442695020e+00, v60  }
0x27a: {  	v17 =	vld.idx.msk [tilespmem:v10+s12+$0x30 ss:$0x1], $0xffff;
	v60 =	vmul.f32 v61, v19;
	v16 =	vadd.f32 v54, v16;
	v54 =	vmul.f32 v2, v20  }
0x27b: {  	[tilespmem:s22+$0x2430] =	vst v18;
	v19 =	vld.idx.msk [tilespmem:v10+s12+$0x50 ss:$0x1], $0xffff;
	v43 =	vmul.f32 v2, v24;
	v21 =	vmul.f32 v2, v21  }
0x27c: {  	[tilespmem:s22+$0x2440] =	vst v57;
	v20 =	vld.idx.msk [tilespmem:v10+s12+$0x60 ss:$0x1], $0xffff;
	v27 =	vmul.f32 v2, v27;
	v31 =	vbroadcast v63, $0xF;
	(xrf2) =	vadd.scan.msk.f32 $0xffff, v16  }
0x27d: {  	s6 =	smul.u32 $0x240, s6;
	[tilespmem:s22+$0x2450] =	vst v13;
	v24 =	vld.idx.msk [tilespmem:v10+s12+$0x70 ss:$0x1], $0xffff;
	v28 =	vmul.f32 v2, v28;
	v29 =	vmul.f32 v2, v29  }
0x27e: {  	s9 =	sor.u32 $0xB, s5;
	[tilespmem:s22+$0x2470] =	vst v0;
	v63 =	vmul.f32 v62, v61;
	(erf) = vpow2.f32 v31  }
0x27f: {  	s6 =	sshra.s32 s6, $0x2;
	s23 =	sshll.u32 s9, $0x7;
	v13 =	vmul.f32 v52, v35;
	v16 =	vmul.f32 v53, v3;
	[tilespmem:s22+$0x2460] =	vst v60  }
0x280: {  	v18 =	vmul.f32 v22, v4;
	s12 =	sand.u32 $0x3FFFFF80, s23;
	v0 =	vmul.f32 v23, v6;
	[tilespmem:s6+$0x2400] =	vst v54  }
0x281: {  	v60 =	vmul.f32 v17, v5;
	v13 =	vadd.f32 v16, v13;
	v16 =	vld.idx.msk [tilespmem:v10+s12+$0x10 ss:$0x1], $0xffff;
	v56 =	vmul.f32 v19, v7  }
0x282: {  	v15 =	vld.idx.msk [tilespmem:v10+s12+$0x0 ss:$0x1], $0xffff;
	[tilespmem:s22+$0x2480] =	vst v63;
	v57 =	vmul.f32 v20, v8;
	v61 =	vmul.f32 v24, v9;
	v63, _, _ =	vpop (xrf2)  }
0x283: {  	v14 =	vmul.f32 v2, v14;
	[tilespmem:s6+$0x2410] =	vst v43;
	v31 =	vadd.f32 v60, v18;
	v18 =	vld.idx.msk [tilespmem:v10+s12+$0x20 ss:$0x1], $0xffff;
	v60 =	vmul.f32 $1.442695020e+00, v63  }
0x284: {  	[tilespmem:s6+$0x2420] =	vst v21;
	v0 =	vadd.f32 v56, v0;
	v61 =	vadd.f32 v61, v57;
	v63 =	vmul.f32 v62, v2  }
0x285: {  	v43 =	vmul.f32 v2, v12;
	v21 =	vld.idx.msk [tilespmem:v10+s12+$0x30 ss:$0x1], $0xffff;
	[tilespmem:s6+$0x2430] =	vst v27;
	v54 =	vbroadcast v60, $0xF  }
0x286: {  	v13 =	vadd.f32 v31, v13;
	v0 =	vadd.f32 v61, v0;
	[tilespmem:s6+$0x2480] =	vst v63;
	v63 =	vmul.f32 v16, v3;
	v2, _, _ =	vpop (xrf2)  }
0x287: {  	[tilespmem:s6+$0x2440] =	vst v28;
	v12 =	vld.idx.msk [tilespmem:v10+s12+$0x50 ss:$0x1], $0xffff;
	v58 =	vpop (erf);
	v59 =	vmul.f32 $1.442695020e+00, v2;
	(erf) = vpow2.f32 v54  }
0x288: {  	v0 =	vadd.f32 v0, v13;
	v13 =	vld.idx.msk [tilespmem:v10+s12+$0x60 ss:$0x1], $0xffff;
	v54 =	vmul.f32 v18, v4;
	v56 =	vmul.f32 v58, v39  }
0x289: {  	s11 =	smul.u32 $0x240, s11;
	[tilespmem:s6+$0x2460] =	vst v14;
	v14 =	vld.idx.msk [tilespmem:v10+s12+$0x70 ss:$0x1], $0xffff;
	v60 =	vmul.f32 v58, v40;
	v61 =	vmul.f32 v58, v41  }
0x28a: {  	[tilespmem:s6+$0x2450] =	vst v29;
	v2 =	vld.idx.msk [tilespmem:v10+s12+$0x40 ss:$0x1], $0xffff;
	(xrf2) =	vadd.scan.msk.f32 $0xffff, v0;
	v39 =	vmul.f32 v58, v42;
	v40 =	vmul.f32 v58, v45  }
0x28b: {  	s11 =	sshra.s32 s11, $0x2;
	[tilespmem:s6+$0x2470] =	vst v43;
	v0 =	vmul.f32 v58, v46;
	v32 =	vmul.f32 v58, v32  }
0x28c: {  	v31 =	vbroadcast v59, $0xF;
	v59 =	vmul.f32 v12, v7;
	[tilespmem:s11+$0x2400] =	vst v56  }
0x28d: {  	v56 =	vmul.f32 v21, v5;
	[tilespmem:s11+$0x2410] =	vst v60;
	v60 =	vmul.f32 v13, v8  }
0x28e: {  	[tilespmem:s11+$0x2420] =	vst v61;
	(erf) = vpow2.f32 v31;
	v31 =	vmul.f32 v15, v35  }
0x28f: {  	s6 =	sor.u32 $0xC, s5;
	v61 =	vmul.f32 v14, v9;
	[tilespmem:s11+$0x2440] =	vst v40;
	v57 =	vmul.f32 v2, v6  }
0x290: {  	s14 =	sshll.u32 s6, $0x7;
	v33 =	vmul.f32 v58, v33;
	[tilespmem:s11+$0x2450] =	vst v0;
	v27 =	vadd.f32 v56, v54;
	v31 =	vadd.f32 v63, v31  }
0x291: {  	s12 =	sand.u32 $0x3FFFFF80, s14;
	v0 =	vmul.f32 v62, v58;
	[tilespmem:s11+$0x2460] =	vst v32;
	v29 =	vadd.f32 v61, v60;
	v28 =	vadd.f32 v59, v57;
	v63 =	vpop (erf)  }
0x292: {  	s10 =	smul.u32 $0x240, s10;
	[tilespmem:s11+$0x2470] =	vst v33;
	v33 =	vld.idx.msk [tilespmem:v10+s12+$0x60 ss:$0x1], $0xffff;
	v31 =	vadd.f32 v27, v31;
	v11 =	vmul.f32 v63, v11  }
0x293: {  	v27 =	vld.idx.msk [tilespmem:v10+s12+$0x0 ss:$0x1], $0xffff;
	v29 =	vadd.f32 v29, v28;
	v1 =	vmul.f32 v63, v1;
	v34 =	vmul.f32 v63, v34  }
0x294: {  	s21 =	sshra.s32 s10, $0x2;
	[tilespmem:s11+$0x2480] =	vst v0;
	v28 =	vld.idx.msk [tilespmem:v10+s12+$0x10 ss:$0x1], $0xffff;
	v37 =	vmul.f32 v63, v37;
	v46, _, _ =	vpop (xrf2);
	v38 =	vmul.f32 v63, v38  }
0x295: {  	v0 =	vmul.f32 v63, v36;
	v32 =	vmul.f32 $1.442695020e+00, v46;
	v54 =	vadd.f32 v29, v31;
	v29 =	vld.idx.msk [tilespmem:v10+s12+$0x20 ss:$0x1], $0xffff;
	[tilespmem:s21+$0x2400] =	vst v11  }
0x296: {  	v56 =	vmul.f32 v63, v44;
	v31 =	vld.idx.msk [tilespmem:v10+s12+$0x30 ss:$0x1], $0xffff;
	v11 =	vmul.f32 v63, v55;
	[tilespmem:s21+$0x2410] =	vst v1  }
0x297: {  	v1 =	vmul.f32 v62, v63;
	[tilespmem:s21+$0x2420] =	vst v34;
	v34 =	vld.idx.msk [tilespmem:v10+s12+$0x70 ss:$0x1], $0xffff;
	v40 =	vpop (erf);
	v57 =	vbroadcast v32, $0xF  }
0x298: {  	s10 =	sor.u32 $0xD, s5;
	[tilespmem:s11+$0x2430] =	vst v39;
	v32 =	vld.idx.msk [tilespmem:v10+s12+$0x40 ss:$0x1], $0xffff;
	v58 =	vmul.f32 v27, v35;
	v39 =	vmul.f32 v40, v30  }
0x299: {  	s22 =	sshll.u32 s10, $0x7;
	v30 =	vld.idx.msk [tilespmem:v10+s12+$0x50 ss:$0x1], $0xffff;
	v43 =	vmul.f32 v40, v47;
	v44 =	vmul.f32 v40, v48  }
0x29a: {  	[tilespmem:s21+$0x2450] =	vst v0;
	(xrf2) =	vadd.scan.msk.f32 $0xffff, v54;
	v45 =	vmul.f32 v40, v49;
	v46 =	vmul.f32 v40, v50;
	s12 =	sand.u32 $0x3FFFFF80, s22  }
0x29b: {  	v59 =	vmul.f32 v28, v3;
	[tilespmem:s21+$0x2480] =	vst v1;
	v1 =	vmul.f32 v33, v8;
	v0 =	vld.idx.msk [tilespmem:v10+s12+$0x0 ss:$0x1], $0xffff  }
0x29c: {  	[tilespmem:s21+$0x2430] =	vst v37;
	(erf) = vpow2.f32 v57;
	v36 =	vld.idx.msk [tilespmem:v10+s12+$0x10 ss:$0x1], $0xffff;
	v60 =	vmul.f32 v29, v4  }
0x29d: {  	s8 =	smul.u32 $0x240, s8;
	[tilespmem:s21+$0x2440] =	vst v38;
	v37 =	vld.idx.msk [tilespmem:v10+s12+$0x20 ss:$0x1], $0xffff;
	v61 =	vmul.f32 v31, v5;
	v57 =	vmul.f32 v34, v9  }
0x29e: {  	[tilespmem:s21+$0x2470] =	vst v11;
	v38 =	vld.idx.msk [tilespmem:v10+s12+$0x30 ss:$0x1], $0xffff;
	v11 =	vmul.f32 v32, v6;
	v63 =	vmul.f32 v30, v7  }
0x29f: {  	s14 =	sshra.s32 s8, $0x2;
	v48 =	vmul.f32 v40, v25;
	v25 =	vld.idx.msk [tilespmem:v10+s12+$0x50 ss:$0x1], $0xffff;
	v41 =	vadd.f32 v59, v58;
	v58 =	vadd.f32 v61, v60  }
0x2a0: {  	s8 =	sor.u32 $0xE, s5;
	[tilespmem:s14+$0x2400] =	vst v39;
	v39 =	vld.idx.msk [tilespmem:v10+s12+$0x60 ss:$0x1], $0xffff;
	v1 =	vadd.f32 v57, v1;
	v11 =	vadd.f32 v63, v11  }
0x2a1: {  	s23 =	sshll.u32 s8, $0x7;
	v47 =	vmul.f32 v40, v51;
	v54 =	vmul.f32 v40, v26;
	v42 =	vld.idx.msk [tilespmem:v10+s12+$0x70 ss:$0x1], $0xffff  }
0x2a2: {  	s11 =	sand.u32 $0x3FFFFF80, s23;
	v50 =	vmul.f32 v62, v40;
	v26 =	vld.idx.msk [tilespmem:v10+s12+$0x40 ss:$0x1], $0xffff;
	v41 =	vadd.f32 v58, v41;
	v1 =	vadd.f32 v1, v11  }
0x2a3: {  	[tilespmem:s21+$0x2460] =	vst v56;
	v40 =	vld.idx.msk [tilespmem:v10+s11+$0x0 ss:$0x1], $0xffff;
	v55 =	vmul.f32 v36, v3;
	v56 =	vmul.f32 v37, v4  }
0x2a4: {  	[tilespmem:s14+$0x2410] =	vst v43;
	v57 =	vmul.f32 v38, v5;
	v58 =	vmul.f32 v25, v7;
	v59, _, _ =	vpop (xrf2);
	v1 =	vadd.f32 v1, v41  }
0x2a5: {  	v43 =	vld.idx.msk [tilespmem:v10+s11+$0x20 ss:$0x1], $0xffff;
	[tilespmem:s14+$0x2440] =	vst v46;
	v46 =	vmul.f32 v39, v8;
	v51 =	vpop (erf);
	v60 =	vmul.f32 $1.442695020e+00, v59  }
0x2a6: {  	[tilespmem:s14+$0x2420] =	vst v44;
	v44 =	vld.idx.msk [tilespmem:v10+s11+$0x30 ss:$0x1], $0xffff;
	v59 =	vmul.f32 v42, v9;
	v11 =	vmul.f32 v51, v53;
	(xrf2) =	vadd.scan.msk.f32 $0xffff, v1  }
0x2a7: {  	[tilespmem:s14+$0x2430] =	vst v45;
	v61 =	vadd.f32 v57, v56;
	v53 =	vmul.f32 v0, v35;
	v1 =	vmul.f32 v26, v6  }
0x2a8: {  	v45 =	vld.idx.msk [tilespmem:v10+s11+$0x40 ss:$0x1], $0xffff;
	[tilespmem:s14+$0x2470] =	vst v48;
	v49 =	vmul.f32 v51, v52;
	v52 =	vbroadcast v60, $0xF;
	v63 =	vadd.f32 v59, v46  }
0x2a9: {  	v48 =	vmul.f32 v40, v35;
	v41 =	vld.idx.msk [tilespmem:v10+s11+$0x10 ss:$0x1], $0xffff;
	v53 =	vadd.f32 v55, v53;
	v1 =	vadd.f32 v58, v1  }
0x2aa: {  	s21 =	sor.u32 $0xF, s5;
	[tilespmem:s14+$0x2460] =	vst v54;
	v60 =	vmul.f32 v51, v22;
	v22 =	vld.idx.msk [tilespmem:v10+s11+$0x50 ss:$0x1], $0xffff;
	(erf) = vpow2.f32 v52  }
0x2ab: {  	s7 =	smul.u32 $0x240, s7;
	s22 =	sshll.u32 s21, $0x7;
	v57 =	vmul.f32 v44, v5;
	v46 =	vld.idx.msk [tilespmem:v10+s11+$0x60 ss:$0x1], $0xffff;
	v59 =	vadd.f32 v61, v53;
	v1 =	vadd.f32 v63, v1  }
0x2ac: {  	s12 =	sand.u32 $0x3FFFFF80, s22;
	[tilespmem:s14+$0x2480] =	vst v50;
	v54 =	vmul.f32 v51, v23;
	v52 =	vmul.f32 v51, v17;
	v17 =	vld.idx.msk [tilespmem:v10+s11+$0x70 ss:$0x1], $0xffff  }
0x2ad: {  	s7 =	sshra.s32 s7, $0x2;
	v56 =	vmul.f32 v51, v19;
	v19 =	vld.idx.msk [tilespmem:v10+s12+$0x0 ss:$0x1], $0xffff;
	v55 =	vmul.f32 v51, v24;
	v1 =	vadd.f32 v1, v59  }
0x2ae: {  	[tilespmem:s7+$0x2400] =	vst v49;
	v49 =	vmul.f32 v43, v4;
	v53 =	vmul.f32 v51, v20  }
0x2af: {  	[tilespmem:s7+$0x2410] =	vst v11;
	v20 =	vld.idx.msk [tilespmem:v10+s12+$0x10 ss:$0x1], $0xffff;
	v50 =	vmul.f32 v41, v3;
	v11 =	vmul.f32 v22, v7;
	(xrf2) =	vadd.scan.msk.f32 $0xffff, v1  }
0x2b0: {  	v23 =	vld.idx.msk [tilespmem:v10+s12+$0x20 ss:$0x1], $0xffff;
	[tilespmem:s7+$0x2420] =	vst v60;
	v59 =	vmul.f32 v46, v8;
	v1 =	vmul.f32 v45, v6;
	v58, _, _ =	vpop (xrf2)  }
0x2b1: {  	v24 =	vld.idx.msk [tilespmem:v10+s12+$0x30 ss:$0x1], $0xffff;
	[tilespmem:s7+$0x2430] =	vst v52;
	v60 =	vmul.f32 v17, v9;
	v52 =	vmul.f32 $1.442695020e+00, v58  }
0x2b2: {  	v57 =	vadd.f32 v57, v49;
	v49 =	vld.idx.msk [tilespmem:v10+s12+$0x70 ss:$0x1], $0xffff;
	v63 =	vmul.f32 v19, v35;
	v1 =	vadd.f32 v11, v1  }
0x2b3: {  	v61 =	vpop (erf);
	v11 =	vadd.f32 v60, v59;
	v58 =	vadd.f32 v50, v48;
	v48 =	vld.idx.msk [tilespmem:v10+s12+$0x50 ss:$0x1], $0xffff;
	v52 =	vbroadcast v52, $0xF  }
0x2b4: {  	[tilespmem:s7+$0x2450] =	vst v56;
	v56 =	vmul.f32 v20, v3;
	v50 =	vld.idx.msk [tilespmem:v10+s12+$0x60 ss:$0x1], $0xffff;
	v2 =	vmul.f32 v61, v2  }
0x2b5: {  	s9 =	smul.u32 $0x240, s9;
	[tilespmem:s14+$0x2450] =	vst v47;
	v47 =	vld.idx.msk [tilespmem:v10+s12+$0x40 ss:$0x1], $0xffff;
	v1 =	vadd.f32 v11, v1;
	v11 =	vmul.f32 v61, v16;
	(erf) = vpow2.f32 v52  }
0x2b6: {  	v16 =	vmul.f32 v61, v18;
	v18 =	vmul.f32 v61, v21;
	v60 =	vadd.f32 v57, v58  }
0x2b7: {  	s23 =	sshra.s32 s9, $0x2;
	v21 =	vadd.f32 v56, v63;
	v63 =	vmul.f32 v49, v9;
	v57 =	vmul.f32 v23, v4  }
0x2b8: {  	v58 =	vmul.f32 v24, v5;
	[tilespmem:s23+$0x2440] =	vst v2;
	v2 =	vmul.f32 v61, v13;
	v1 =	vadd.f32 v1, v60  }
0x2b9: {  	[tilespmem:s23+$0x2410] =	vst v11;
	v59 =	vmul.f32 v48, v7;
	v60 =	vmul.f32 v50, v8;
	v11, _, _ =	vpop (xrf2)  }
0x2ba: {  	[tilespmem:s7+$0x2440] =	vst v54;
	(xrf2) =	vadd.scan.msk.f32 $0xffff, v1;
	v1 =	vmul.f32 v47, v6;
	v11 =	vmul.f32 $1.442695020e+00, v11  }
0x2bb: {  	v51 =	vmul.f32 v62, v51;
	[tilespmem:s7+$0x2460] =	vst v53;
	v53 =	vadd.f32 v58, v57  }
0x2bc: {  	[tilespmem:s7+$0x2470] =	vst v55;
	v55 =	vadd.f32 v63, v60;
	v1 =	vadd.f32 v59, v1;
	v11 =	vbroadcast v11, $0xF  }
0x2bd: {  	[tilespmem:s7+$0x2480] =	vst v51;
	v15 =	vmul.f32 v61, v15;
	v12 =	vmul.f32 v61, v12  }
0x2be: {  	[tilespmem:s23+$0x2460] =	vst v2;
	v56 =	vadd.f32 v53, v21;
	v1 =	vadd.f32 v55, v1;
	v2 =	vpop (erf);
	(erf) = vpow2.f32 v11  }
0x2bf: {  	[tilespmem:s23+$0x2400] =	vst v15  }
0x2c0: {  	[tilespmem:s23+$0x2450] =	vst v12;
	v1 =	vadd.f32 v1, v56  }
0x2c1: {  	[tilespmem:s23+$0x2420] =	vst v16;
	v11 =	vmul.f32 v62, v61  }
0x2c2: {  	s6 =	smul.u32 $0x240, s6;
	[tilespmem:s23+$0x2430] =	vst v18;
	v57 =	vmul.f32 v61, v14  }
0x2c3: {  	[tilespmem:s23+$0x2480] =	vst v11;
	v11 =	vmul.f32 v2, v28  }
0x2c4: {  	s6 =	sshra.s32 s6, $0x2;
	[tilespmem:s23+$0x2470] =	vst v57;
	v58 =	vmul.f32 v2, v27;
	(xrf2) =	vadd.scan.msk.f32 $0xffff, v1;
	v1, _, _ =	vpop (xrf2)  }
0x2c5: {  	[tilespmem:s6+$0x2410] =	vst v11;
	v11 =	vmul.f32 v2, v31;
	v1 =	vmul.f32 $1.442695020e+00, v1  }
0x2c6: {  	v59 =	vmul.f32 v2, v29;
	[tilespmem:s6+$0x2400] =	vst v58  }
0x2c7: {  	s9 =	smul.u32 $0x240, s10;
	[tilespmem:s6+$0x2430] =	vst v11;
	v11 =	vmul.f32 v2, v30;
	v1 =	vbroadcast v1, $0xF;
	v63 =	vpop (erf)  }
0x2c8: {  	[tilespmem:s6+$0x2420] =	vst v59;
	v0 =	vmul.f32 v63, v0  }
0x2c9: {  	s10 =	sshra.s32 s9, $0x2;
	[tilespmem:s6+$0x2450] =	vst v11;
	(erf) = vpow2.f32 v1;
	v1 =	vmul.f32 v62, v2  }
0x2ca: {  	[tilespmem:s10+$0x2400] =	vst v0;
	v0 =	vmul.f32 v63, v37  }
0x2cb: {  	[tilespmem:s6+$0x2480] =	vst v1;
	v1 =	vmul.f32 v63, v36  }
0x2cc: {  	[tilespmem:s10+$0x2420] =	vst v0;
	v0 =	vmul.f32 v63, v26  }
0x2cd: {  	v60 =	vmul.f32 v2, v32;
	[tilespmem:s10+$0x2410] =	vst v1;
	v1 =	vmul.f32 v63, v38  }
0x2ce: {  	v61 =	vmul.f32 v2, v33;
	[tilespmem:s10+$0x2440] =	vst v0;
	v0 =	vmul.f32 v63, v39  }
0x2cf: {  	v11 =	vmul.f32 v2, v34;
	v2, _, _ =	vpop (xrf2);
	[tilespmem:s10+$0x2430] =	vst v1;
	v1 =	vmul.f32 v63, v25  }
0x2d0: {  	[tilespmem:s6+$0x2440] =	vst v60;
	v2 =	vmul.f32 $1.442695020e+00, v2  }
0x2d1: {  	[tilespmem:s10+$0x2450] =	vst v1;
	v1 =	vmul.f32 v63, v42  }
0x2d2: {  	s12 =	smul.u32 $0x240, s8;
	v2 =	vbroadcast v2, $0xF;
	[tilespmem:s10+$0x2460] =	vst v0;
	v0 =	vpop (erf)  }
0x2d3: {  	[tilespmem:s10+$0x2470] =	vst v1;
	v1 =	vmul.f32 v0, v40  }
0x2d4: {  	s14 =	sshra.s32 s12, $0x2;
	[tilespmem:s6+$0x2460] =	vst v61;
	(erf) = vpow2.f32 v2;
	v2 =	vmul.f32 v62, v63  }
0x2d5: {  	[tilespmem:s14+$0x2400] =	vst v1;
	v1 =	vmul.f32 v0, v43  }
0x2d6: {  	[tilespmem:s10+$0x2480] =	vst v2;
	v2 =	vmul.f32 v0, v41  }
0x2d7: {  	[tilespmem:s14+$0x2420] =	vst v1;
	v1 =	vmul.f32 v0, v45  }
0x2d8: {  	[tilespmem:s14+$0x2410] =	vst v2;
	v2 =	vmul.f32 v0, v44  }
0x2d9: {  	[tilespmem:s14+$0x2440] =	vst v1;
	v1 =	vmul.f32 v0, v46  }
0x2da: {  	[tilespmem:s14+$0x2430] =	vst v2;
	v2 =	vmul.f32 v0, v22  }
0x2db: {  	[tilespmem:s6+$0x2470] =	vst v11  }
0x2dc: {  	[tilespmem:s14+$0x2450] =	vst v2;
	v2 =	vmul.f32 v0, v17  }
0x2dd: {  	s21 =	smul.u32 $0x240, s21;
	v0 =	vmul.f32 v62, v0;
	[tilespmem:s14+$0x2460] =	vst v1;
	v1 =	vpop (erf)  }
0x2de: {  	[tilespmem:s14+$0x2470] =	vst v2;
	v2 =	vmul.f32 v1, v19  }
0x2df: {  	s22 =	sshra.s32 s21, $0x2;
	[tilespmem:s14+$0x2480] =	vst v0;
	v0 =	vmul.f32 v1, v20  }
0x2e0: {  	[tilespmem:s22+$0x2400] =	vst v2;
	v2 =	vmul.f32 v1, v23  }
0x2e1: {  	[tilespmem:s22+$0x2410] =	vst v0;
	v0 =	vmul.f32 v1, v24  }
0x2e2: {  	[tilespmem:s22+$0x2420] =	vst v2;
	v2 =	vmul.f32 v1, v47  }
0x2e3: {  	p3 =	slt.u32 s5, $0x30;
	[tilespmem:s22+$0x2430] =	vst v0;
	v0 =	vmul.f32 v1, v48  }
.Ltmp8:
0x2e4: {  	[tilespmem:s22+$0x2440] =	vst v2;
	v2 =	vmul.f32 v1, v50;
	(pc) =	sbr.rel @p3 .LBB2_9-.Ltmp8, $4  }
0x2e5: {  	[tilespmem:s22+$0x2450] =	vst v0;
	v0 =	vmul.f32 v1, v49  }
0x2e6: {  	v1 =	vmul.f32 v62, v1;
	[tilespmem:s22+$0x2460] =	vst v2  }
0x2e7: {  	s23 =	sadd.s32 $0x10, s5;
	[tilespmem:s22+$0x2470] =	vst v0  }
0x2e8: {  	s5 =	smov.u32 s23;
	[tilespmem:s22+$0x2480] =	vst v1  }
.Ltmp9:
0x2e9: {  	(pc) =	sbr.rel .LBB2_11-.Ltmp9, $4  }
0x2ea: {  	_ = 	snop  }
0x2eb: {  	s0 =	sshll.u32 s0, $0x6  }
0x2ec: {  	s0 =	sor.u32 $0x1F080, s0  }
0x2ed: {  	[spmem:s15] =	stream.indirect.scatter.add.f32 [tilespmem:s20], [sflag:$0x2], $0x90, s0, s19, $0x2000b8;
	[tilespmem:$0x1F100] =	vst v63  }
.LBB2_13:
0x2ee: {  	_ =	sfence.sel $0x180000  }
0x2ef: {  	[bflag:$0x0] =	sbarrier.arrive $0xFFFF  }
0x2f0: {  	_ =	strace $0x90000047  }
0x2f1: {  	s0 =	stileid.u32;
	[bflag:$0x2] =	sbarrier.arrive $0xFFFF  }
0x2f2: {  	p0 =	sne.s32 s0, $0x0;
	s0 =	rddreg [dreg:$0x5]  }
0x2f3: {  	s0 =	sadd.s32 @!p0 $0x100000, s0  }
0x2f4: {  	[sflag:s0] =	ssyncadd.tile.s32 @!p0 $0x1;
	_ =	shalt  }
.Lfunc_end2:
_tile_overlayer_lowered:
.L_overlay_start_2:
0x2f5: {  	(tag) =	ssettag $0x2  }
0x2f6: {  	s0 =	rddreg [dreg:$0x0];
	s2 =	stileid.u32  }
0x2f7: {  	s1 =	rddreg [dreg:$0x1];
	p0 =	sne.s32 s2, $0x0  }
0x2f8: {  	s3 =	rddreg [dreg:$0x2];
	[bflag:$0x3] =	sbarrier.arrive $0xFFFF;
	s2 =	simm.s32 @!p0 $0x1C03  }
0x2f9: {  	[timem:s3], [sflag:s2] =	dma.local @!p0 [hbm:s0], s1  }
0x2fa: {  	s0 =	simm.s32 @!p0 $0x3  }
0x2fb: {  	_ =	swait.ge @!p0 [sflag:s0], s1  }
0x2fc: {  	s1 =	ssub.s32 @!p0 $0x0, s1;
	[sflag:s0] =	ssyncset.done @!p0 $0x0  }
0x2fd: {  	[sflag:s0] =	ssyncadd.s32 @!p0 s1  }
0x2fe: {  	[bflag:$0x3] =	sbarrier.arrive $0xFFFF  }
0x2ff: {  	_ =	shalt  }

</sc_bundles>
